<compile_context>
chip_gen: v7x
topology: tpu7x:2x2x1
jax: 0.10.2.dev20260603
libtpu: 0.0.44.dev20260713+nightly
codegen_flags: <defaults>
</compile_context>

<pallas_src>
import functools

import jax
import jax.numpy as jnp
from jax import lax
from jax.experimental import pallas as pl
from jax.experimental.pallas import tpu as pltpu
from jax.experimental.pallas import tpu_sc as plsc

D_MODEL = 64
D_PAD = 128
PAD_IDX = 0

NUM_CORES = 2
NUM_SUBCORES = 16
LANES = 16
NUM_WORKERS = NUM_CORES * NUM_SUBCORES

ROWS_PER_GATHER = 128
GROUPS_PER_GATHER = ROWS_PER_GATHER // LANES


def _make_embed(total_rows: int, vocab: int):
    chunks_per_w = total_rows // (NUM_WORKERS * ROWS_PER_GATHER)
    rows_per_w = chunks_per_w * ROWS_PER_GATHER
    assert chunks_per_w * NUM_WORKERS * ROWS_PER_GATHER == total_rows
    assert chunks_per_w % 2 == 0

    mesh = plsc.VectorSubcoreMesh(core_axis_name="c", subcore_axis_name="s")

    @functools.partial(
        pl.kernel,
        out_type=jax.ShapeDtypeStruct((total_rows, D_PAD), jnp.float32),
        mesh=mesh,
        compiler_params=pltpu.CompilerParams(use_tc_tiling_on_sc=False),
        scratch_types=[
            pltpu.VMEM((chunks_per_w, ROWS_PER_GATHER), jnp.int32),
            pltpu.VMEM((ROWS_PER_GATHER, D_MODEL), jnp.float32),
            pltpu.VMEM((ROWS_PER_GATHER, D_MODEL), jnp.float32),
            pltpu.SemaphoreType.DMA,
            pltpu.SemaphoreType.DMA,
            pltpu.SemaphoreType.DMA,
            pltpu.SemaphoreType.DMA,
        ],
    )
    def embed(x_hbm, table_hbm, out_hbm, idx_v, rows0, rows1, sg0, sg1, so0, so1):
        wid = lax.axis_index("s") * NUM_CORES + lax.axis_index("c")
        wbase = wid * chunks_per_w
        rbase = wid * rows_per_w

        pltpu.sync_copy(x_hbm.at[pl.ds(wbase, chunks_per_w)], idx_v)

        rows = (rows0, rows1)
        sg = (sg0, sg1)
        so = (so0, so1)

        def gather(j, b):
            return pltpu.make_async_copy(table_hbm.at[idx_v.at[j]], rows[b], sg[b])

        def write(j, b):
            return pltpu.make_async_copy(
                rows[b],
                out_hbm.at[
                    pl.ds(rbase + j * ROWS_PER_GATHER, ROWS_PER_GATHER),
                    pl.ds(0, D_MODEL),
                ],
                so[b],
            )

        def fixup(j, b):
            rb = rows[b]

            one = jnp.ones((LANES,), jnp.int32)
            zero = jnp.zeros((LANES,), jnp.int32)
            acc = jnp.where(idx_v[j, pl.ds(0, LANES)] == PAD_IDX, one, zero)
            for g in range(1, GROUPS_PER_GATHER):
                acc = acc | jnp.where(
                    idx_v[j, pl.ds(g * LANES, LANES)] == PAD_IDX, one, zero
                )
            has_pad = acc[0]
            for i in range(1, LANES):
                has_pad = has_pad | acc[i]

            @pl.when(has_pad > 0)
            def _():
                zeros = jnp.zeros((LANES,), jnp.float32)

                def grp(g, carry):
                    vec = idx_v[j, pl.ds(g * LANES, LANES)]
                    for r in range(LANES):
                        @pl.when(vec[r] == PAD_IDX)
                        def _():
                            row = g * LANES + r
                            for c in range(D_MODEL // LANES):
                                rb[row, pl.ds(c * LANES, LANES)] = zeros

                    return carry

                lax.fori_loop(0, GROUPS_PER_GATHER, grp, 0)

        gather(0, 0).start()

        def step(j, b):
            bn = 1 - b

            @pl.when(j + 1 < chunks_per_w)
            def _():
                @pl.when(j >= 1)
                def _():
                    write(j - 1, bn).wait()

                gather(j + 1, bn).start()

            gather(j, b).wait()
            fixup(j, b)
            write(j, b).start()

        def outer(jo, carry):
            step(2 * jo, 0)
            step(2 * jo + 1, 1)
            return carry

        lax.fori_loop(0, chunks_per_w // 2, outer, 0)
        write(chunks_per_w - 2, 0).wait()
        write(chunks_per_w - 1, 1).wait()

    return embed


def kernel(x, table):
    batch, seq = x.shape
    total = batch * seq
    vocab = table.shape[0]
    table_p = jax.lax.dynamic_update_slice(
        jnp.zeros((vocab, D_PAD), jnp.float32), table, (0, 0)
    )
    table_v = table_p.reshape(2 * vocab, D_MODEL)
    x2 = (x.reshape(total // ROWS_PER_GATHER, ROWS_PER_GATHER) * 2).astype(jnp.int32)
    out = _make_embed(total, vocab)(x2, table_v)
    return out[:, :D_MODEL].reshape(batch, seq, D_MODEL)

# --- scband reference (transcript-rebuilt; emitter-appended) ---
"""Pipeline reference for scband-embeddings-7928509628880 (READ-ONLY COPY).

The authoritative reference and input builder live on the scoring server;
editing this copy changes nothing except your own understanding.
"""

import jax, jax.numpy as jnp
import numpy as np

VOCAB = 1000000
D_MODEL = 64
PAD_IDX = 0
BATCH = 4096
SEQ = 200

def setup_inputs(seed: int = 0) -> dict:
    key = jax.random.key(seed)
    k_idx, k_tab = jax.random.split(key)
    x = jax.random.randint(k_idx, (BATCH, SEQ), 0, VOCAB)
    table = jax.random.normal(k_tab, (VOCAB, D_MODEL), dtype=jnp.float32)
    return {"x": x, "table": table}

def reference(x, table):
    # nn.Embedding with padding_idx: padding row is zero in forward
    t = table.at[PAD_IDX].set(0.0)
    token_embedding = jnp.take(t, x, axis=0)
    return token_embedding

if __name__ == "__main__":
    import jax
    _d = setup_inputs()
    print(jax.jit(kernel)(*tuple(_d.values())))

</pallas_src>

<mosaic_0001>
#map = affine_map<(d0, d1) -> (0, 0)>
module attributes {stable_mosaic.version = 14 : i64} {
  func.func @embed(%arg0: i32, %arg1: i32, %arg2: memref<6400x128xi32, #tpu.memory_space<hbm>>, %arg3: memref<2000000x64xf32, #tpu.memory_space<hbm>>, %arg4: memref<819200x128xf32, #tpu.memory_space<hbm>>, %arg5: memref<200x128xi32, #tpu.memory_space<vmem>>, %arg6: memref<128x64xf32, #tpu.memory_space<vmem>>, %arg7: memref<128x64xf32, #tpu.memory_space<vmem>>, %arg8: memref<!tpu.dma_semaphore, #tpu.memory_space<semaphore_mem>>, %arg9: memref<!tpu.dma_semaphore, #tpu.memory_space<semaphore_mem>>, %arg10: memref<!tpu.dma_semaphore, #tpu.memory_space<semaphore_mem>>, %arg11: memref<!tpu.dma_semaphore, #tpu.memory_space<semaphore_mem>>) attributes {dimension_semantics = [#tpu.dimension_semantics<core_parallel>, #tpu.dimension_semantics<subcore_parallel>], iteration_bounds = array<i64: 2, 16>, scalar_prefetch = 0 : i64, scratch_operands = 7 : i64, tpu.core_type = #tpu.core_type<sc_vector_subcore>, window_params = [{transform_indices = #map}, {transform_indices = #map}, {transform_indices = #map}]} {
    %mul3A = arith.constant 2 : i32
    %mul3A_0 = arith.muli %arg1, %mul3A : i32
    %add3A = arith.addi %mul3A_0, %arg0 : i32
    %mul3A_1 = arith.constant 200 : i32
    %mul3A_2 = arith.muli %add3A, %mul3A_1 : i32
    %mul3A_3 = arith.constant 25600 : i32
    %mul3A_4 = arith.muli %add3A, %mul3A_3 : i32
    "tpu.region"() ({
      %run_scoped3A = tpu.sem_alloc : memref<!tpu.dma_semaphore, #tpu.memory_space<semaphore_mem>>
      %dma_start3A_27 = arith.constant 0 : i32
      %dma_start3A_28 = tpu.memref_slice %arg2[%mul3A_2, %dma_start3A_27] : memref<6400x128xi32, #tpu.memory_space<hbm>> -> memref<200x128xi32, #tpu.memory_space<hbm>>
      %dma_start3A_29 = arith.constant 0 : i32
      %dma_start3A_30 = tpu.memref_slice %arg2[%mul3A_2, %dma_start3A_29] : memref<6400x128xi32, #tpu.memory_space<hbm>> -> memref<200x128xi32, #tpu.memory_space<hbm>>
      tpu.enqueue_dma source(%dma_start3A_30 : memref<200x128xi32, #tpu.memory_space<hbm>>) target(%arg5 : memref<200x128xi32, #tpu.memory_space<vmem>>) target_semaphore(%run_scoped3A : memref<!tpu.dma_semaphore, #tpu.memory_space<semaphore_mem>>)
      %dma_wait3A_31 = arith.constant 0 : i32
      %dma_wait3A_32 = tpu.memref_slice %arg2[%mul3A_2, %dma_wait3A_31] : memref<6400x128xi32, #tpu.memory_space<hbm>> -> memref<200x128xi32, #tpu.memory_space<hbm>>
      %dma_wait3A_33 = arith.constant 0 : i32
      %dma_wait3A_34 = tpu.memref_slice %arg2[%mul3A_2, %dma_wait3A_33] : memref<6400x128xi32, #tpu.memory_space<hbm>> -> memref<200x128xi32, #tpu.memory_space<hbm>>
      tpu.wait_dma2 semaphore(%run_scoped3A : memref<!tpu.dma_semaphore, #tpu.memory_space<semaphore_mem>>) src(%dma_wait3A_34 : memref<200x128xi32, #tpu.memory_space<hbm>>) dst(%arg5 : memref<200x128xi32, #tpu.memory_space<vmem>>)
      tpu.yield
    }) : () -> ()
    %dma_start3A = arith.constant 0 : i32
    %dma_start3A_5 = arith.constant 0 : i32
    %dma_start3A_6 = tpu.memref_slice %arg5[%dma_start3A, %dma_start3A_5] : memref<200x128xi32, #tpu.memory_space<vmem>> -> memref<1x128xi32, #tpu.memory_space<vmem>>
    %dma_start3A_7 = tpu.memref_squeeze %dma_start3A_6 : memref<1x128xi32, #tpu.memory_space<vmem>> -> memref<128xi32, #tpu.memory_space<vmem>>
    %dma_start3A_8 = arith.constant 0 : i32
    %dma_start3A_9 = arith.constant 0 : i32
    %dma_start3A_10 = tpu.memref_slice %arg3[%dma_start3A_8, %dma_start3A_9] : memref<2000000x64xf32, #tpu.memory_space<hbm>> -> memref<2000000x64xf32, #tpu.memory_space<hbm>>
    tpu.enqueue_indirect_dma source(%dma_start3A_10 : memref<2000000x64xf32, #tpu.memory_space<hbm>>) target(%arg6 : memref<128x64xf32, #tpu.memory_space<vmem>>) offsets(%dma_start3A_7 : memref<128xi32, #tpu.memory_space<vmem>>) semaphore(%arg8 : memref<!tpu.dma_semaphore, #tpu.memory_space<semaphore_mem>>)
    %scan3A = arith.constant 0 : i32
    %scan3A_11 = arith.constant 0 : i32
    %scan3A_12 = arith.constant 100 : i32
    %scan3A_13 = arith.addi %scan3A_11, %scan3A_12 : i32
    %scan3A_14 = arith.constant 1 : i32
    scf.for %scan3A_27 = %scan3A_11 to %scan3A_13 step %scan3A_14  : i32 {
      %mul3A_28 = arith.constant 2 : i32
      %mul3A_29 = arith.muli %mul3A_28, %scan3A_27 : i32
      %add3A_30 = arith.constant 1 : i32
      %add3A_31 = arith.addi %mul3A_29, %add3A_30 : i32
      %lt3A = arith.constant 200 : i32
      %lt3A_32 = arith.cmpi slt, %add3A_31, %lt3A : i32
      %convert_element_type3A = arith.extui %lt3A_32 : i1 to i32
      %cond3A = arith.constant 0 : i32
      %cond3A_33 = arith.cmpi ne, %convert_element_type3A, %cond3A : i32
      scf.if %cond3A_33 {
        %ge3A = arith.constant 1 : i32
        %ge3A_317 = arith.cmpi sge, %mul3A_29, %ge3A : i32
        %convert_element_type3A_318 = arith.extui %ge3A_317 : i1 to i32
        %cond3A_319 = arith.constant 0 : i32
        %cond3A_320 = arith.cmpi ne, %convert_element_type3A_318, %cond3A_319 : i32
        scf.if %cond3A_320 {
          %sub3A = arith.constant 1 : i32
          %sub3A_329 = arith.subi %mul3A_29, %sub3A : i32
          %mul3A_330 = arith.constant 128 : i32
          %mul3A_331 = arith.muli %sub3A_329, %mul3A_330 : i32
          %add3A_332 = arith.addi %mul3A_4, %mul3A_331 : i32
          %dma_wait3A_333 = arith.constant 0 : i32
          %dma_wait3A_334 = tpu.memref_slice %arg4[%add3A_332, %dma_wait3A_333] : memref<819200x128xf32, #tpu.memory_space<hbm>> -> memref<128x64xf32, #tpu.memory_space<hbm>>
          %dma_wait3A_335 = arith.constant 0 : i32
          %dma_wait3A_336 = tpu.memref_slice %arg4[%add3A_332, %dma_wait3A_335] : memref<819200x128xf32, #tpu.memory_space<hbm>> -> memref<128x64xf32, #tpu.memory_space<hbm>>
          tpu.wait_dma2 semaphore(%arg11 : memref<!tpu.dma_semaphore, #tpu.memory_space<semaphore_mem>>) src(%arg7 : memref<128x64xf32, #tpu.memory_space<vmem>>) dst(%dma_wait3A_336 : memref<128x64xf32, #tpu.memory_space<hbm>>)
        } else {
        }
        %add3A_321 = arith.constant 1 : i32
        %add3A_322 = arith.addi %mul3A_29, %add3A_321 : i32
        %dma_start3A_323 = arith.constant 0 : i32
        %dma_start3A_324 = tpu.memref_slice %arg5[%add3A_322, %dma_start3A_323] : memref<200x128xi32, #tpu.memory_space<vmem>> -> memref<1x128xi32, #tpu.memory_space<vmem>>
        %dma_start3A_325 = tpu.memref_squeeze %dma_start3A_324 : memref<1x128xi32, #tpu.memory_space<vmem>> -> memref<128xi32, #tpu.memory_space<vmem>>
        %dma_start3A_326 = arith.constant 0 : i32
        %dma_start3A_327 = arith.constant 0 : i32
        %dma_start3A_328 = tpu.memref_slice %arg3[%dma_start3A_326, %dma_start3A_327] : memref<2000000x64xf32, #tpu.memory_space<hbm>> -> memref<2000000x64xf32, #tpu.memory_space<hbm>>
        tpu.enqueue_indirect_dma source(%dma_start3A_328 : memref<2000000x64xf32, #tpu.memory_space<hbm>>) target(%arg7 : memref<128x64xf32, #tpu.memory_space<vmem>>) offsets(%dma_start3A_325 : memref<128xi32, #tpu.memory_space<vmem>>) semaphore(%arg9 : memref<!tpu.dma_semaphore, #tpu.memory_space<semaphore_mem>>)
      } else {
      }
      %dma_wait3A_34 = arith.constant 0 : i32
      %dma_wait3A_35 = tpu.memref_slice %arg5[%mul3A_29, %dma_wait3A_34] : memref<200x128xi32, #tpu.memory_space<vmem>> -> memref<1x128xi32, #tpu.memory_space<vmem>>
      %dma_wait3A_36 = tpu.memref_squeeze %dma_wait3A_35 : memref<1x128xi32, #tpu.memory_space<vmem>> -> memref<128xi32, #tpu.memory_space<vmem>>
      %dma_wait3A_37 = arith.constant 0 : i32
      %dma_wait3A_38 = arith.constant 0 : i32
      %dma_wait3A_39 = tpu.memref_slice %arg3[%dma_wait3A_37, %dma_wait3A_38] : memref<2000000x64xf32, #tpu.memory_space<hbm>> -> memref<2000000x64xf32, #tpu.memory_space<hbm>>
      tpu.wait_indirect_dma semaphore(%arg8 : memref<!tpu.dma_semaphore, #tpu.memory_space<semaphore_mem>>) src(%dma_wait3A_39 : memref<2000000x64xf32, #tpu.memory_space<hbm>>) dst(%arg6 : memref<128x64xf32, #tpu.memory_space<vmem>>)
      %broadcast_in_dim3A = arith.constant 1 : i32
      %broadcast_in_dim3A_40 = vector.broadcast %broadcast_in_dim3A : i32 to vector<16xi32>
      %broadcast_in_dim3A_41 = arith.constant 0 : i32
      %broadcast_in_dim3A_42 = vector.broadcast %broadcast_in_dim3A_41 : i32 to vector<16xi32>
      %get3A = arith.index_cast %mul3A_29 : i32 to index
      %get3A_43 = arith.constant 0 : index
      %get3A_44 = tpu.vector_load %arg5[%get3A, %get3A_43] {strides = array<i32>} : memref<200x128xi32, #tpu.memory_space<vmem>>, vector<1x16xi32>,
      %get3A_45 = vector.shape_cast %get3A_44 : vector<1x16xi32> to vector<16xi32>
      %eq3A = arith.constant 0 : i32
      %eq3A_46 = vector.broadcast %eq3A : i32 to vector<16xi32>
      %eq3A_47 = arith.cmpi eq, %get3A_45, %eq3A_46 : vector<16xi32>
      %select_n3A = arith.select %eq3A_47, %broadcast_in_dim3A_40, %broadcast_in_dim3A_42 : vector<16xi1>, vector<16xi32>
      %get3A_48 = arith.index_cast %mul3A_29 : i32 to index
      %get3A_49 = arith.constant 16 : index
      %get3A_50 = tpu.vector_load %arg5[%get3A_48, %get3A_49] {strides = array<i32>} : memref<200x128xi32, #tpu.memory_space<vmem>>, vector<1x16xi32>,
      %get3A_51 = vector.shape_cast %get3A_50 : vector<1x16xi32> to vector<16xi32>
      %eq3A_52 = arith.constant 0 : i32
      %eq3A_53 = vector.broadcast %eq3A_52 : i32 to vector<16xi32>
      %eq3A_54 = arith.cmpi eq, %get3A_51, %eq3A_53 : vector<16xi32>
      %select_n3A_55 = arith.select %eq3A_54, %broadcast_in_dim3A_40, %broadcast_in_dim3A_42 : vector<16xi1>, vector<16xi32>
      %or3A = arith.ori %select_n3A, %select_n3A_55 : vector<16xi32>
      %get3A_56 = arith.index_cast %mul3A_29 : i32 to index
      %get3A_57 = arith.constant 32 : index
      %get3A_58 = tpu.vector_load %arg5[%get3A_56, %get3A_57] {strides = array<i32>} : memref<200x128xi32, #tpu.memory_space<vmem>>, vector<1x16xi32>,
      %get3A_59 = vector.shape_cast %get3A_58 : vector<1x16xi32> to vector<16xi32>
      %eq3A_60 = arith.constant 0 : i32
      %eq3A_61 = vector.broadcast %eq3A_60 : i32 to vector<16xi32>
      %eq3A_62 = arith.cmpi eq, %get3A_59, %eq3A_61 : vector<16xi32>
      %select_n3A_63 = arith.select %eq3A_62, %broadcast_in_dim3A_40, %broadcast_in_dim3A_42 : vector<16xi1>, vector<16xi32>
      %or3A_64 = arith.ori %or3A, %select_n3A_63 : vector<16xi32>
      %get3A_65 = arith.index_cast %mul3A_29 : i32 to index
      %get3A_66 = arith.constant 48 : index
      %get3A_67 = tpu.vector_load %arg5[%get3A_65, %get3A_66] {strides = array<i32>} : memref<200x128xi32, #tpu.memory_space<vmem>>, vector<1x16xi32>,
      %get3A_68 = vector.shape_cast %get3A_67 : vector<1x16xi32> to vector<16xi32>
      %eq3A_69 = arith.constant 0 : i32
      %eq3A_70 = vector.broadcast %eq3A_69 : i32 to vector<16xi32>
      %eq3A_71 = arith.cmpi eq, %get3A_68, %eq3A_70 : vector<16xi32>
      %select_n3A_72 = arith.select %eq3A_71, %broadcast_in_dim3A_40, %broadcast_in_dim3A_42 : vector<16xi1>, vector<16xi32>
      %or3A_73 = arith.ori %or3A_64, %select_n3A_72 : vector<16xi32>
      %get3A_74 = arith.index_cast %mul3A_29 : i32 to index
      %get3A_75 = arith.constant 64 : index
      %get3A_76 = tpu.vector_load %arg5[%get3A_74, %get3A_75] {strides = array<i32>} : memref<200x128xi32, #tpu.memory_space<vmem>>, vector<1x16xi32>,
      %get3A_77 = vector.shape_cast %get3A_76 : vector<1x16xi32> to vector<16xi32>
      %eq3A_78 = arith.constant 0 : i32
      %eq3A_79 = vector.broadcast %eq3A_78 : i32 to vector<16xi32>
      %eq3A_80 = arith.cmpi eq, %get3A_77, %eq3A_79 : vector<16xi32>
      %select_n3A_81 = arith.select %eq3A_80, %broadcast_in_dim3A_40, %broadcast_in_dim3A_42 : vector<16xi1>, vector<16xi32>
      %or3A_82 = arith.ori %or3A_73, %select_n3A_81 : vector<16xi32>
      %get3A_83 = arith.index_cast %mul3A_29 : i32 to index
      %get3A_84 = arith.constant 80 : index
      %get3A_85 = tpu.vector_load %arg5[%get3A_83, %get3A_84] {strides = array<i32>} : memref<200x128xi32, #tpu.memory_space<vmem>>, vector<1x16xi32>,
      %get3A_86 = vector.shape_cast %get3A_85 : vector<1x16xi32> to vector<16xi32>
      %eq3A_87 = arith.constant 0 : i32
      %eq3A_88 = vector.broadcast %eq3A_87 : i32 to vector<16xi32>
      %eq3A_89 = arith.cmpi eq, %get3A_86, %eq3A_88 : vector<16xi32>
      %select_n3A_90 = arith.select %eq3A_89, %broadcast_in_dim3A_40, %broadcast_in_dim3A_42 : vector<16xi1>, vector<16xi32>
      %or3A_91 = arith.ori %or3A_82, %select_n3A_90 : vector<16xi32>
      %get3A_92 = arith.index_cast %mul3A_29 : i32 to index
      %get3A_93 = arith.constant 96 : index
      %get3A_94 = tpu.vector_load %arg5[%get3A_92, %get3A_93] {strides = array<i32>} : memref<200x128xi32, #tpu.memory_space<vmem>>, vector<1x16xi32>,
      %get3A_95 = vector.shape_cast %get3A_94 : vector<1x16xi32> to vector<16xi32>
      %eq3A_96 = arith.constant 0 : i32
      %eq3A_97 = vector.broadcast %eq3A_96 : i32 to vector<16xi32>
      %eq3A_98 = arith.cmpi eq, %get3A_95, %eq3A_97 : vector<16xi32>
      %select_n3A_99 = arith.select %eq3A_98, %broadcast_in_dim3A_40, %broadcast_in_dim3A_42 : vector<16xi1>, vector<16xi32>
      %or3A_100 = arith.ori %or3A_91, %select_n3A_99 : vector<16xi32>
      %get3A_101 = arith.index_cast %mul3A_29 : i32 to index
      %get3A_102 = arith.constant 112 : index
      %get3A_103 = tpu.vector_load %arg5[%get3A_101, %get3A_102] {strides = array<i32>} : memref<200x128xi32, #tpu.memory_space<vmem>>, vector<1x16xi32>,
      %get3A_104 = vector.shape_cast %get3A_103 : vector<1x16xi32> to vector<16xi32>
      %eq3A_105 = arith.constant 0 : i32
      %eq3A_106 = vector.broadcast %eq3A_105 : i32 to vector<16xi32>
      %eq3A_107 = arith.cmpi eq, %get3A_104, %eq3A_106 : vector<16xi32>
      %select_n3A_108 = arith.select %eq3A_107, %broadcast_in_dim3A_40, %broadcast_in_dim3A_42 : vector<16xi1>, vector<16xi32>
      %or3A_109 = arith.ori %or3A_100, %select_n3A_108 : vector<16xi32>
      %slice3A = vector.extract_strided_slice %or3A_109 {offsets = [0], sizes = [1], strides = [1]} : vector<16xi32> to vector<1xi32>
      %squeeze3A = vector.extract %slice3A[0] : i32 from vector<1xi32>
      %slice3A_110 = vector.extract_strided_slice %or3A_109 {offsets = [1], sizes = [1], strides = [1]} : vector<16xi32> to vector<1xi32>
      %squeeze3A_111 = vector.extract %slice3A_110[0] : i32 from vector<1xi32>
      %or3A_112 = arith.ori %squeeze3A, %squeeze3A_111 : i32
      %slice3A_113 = vector.extract_strided_slice %or3A_109 {offsets = [2], sizes = [1], strides = [1]} : vector<16xi32> to vector<1xi32>
      %squeeze3A_114 = vector.extract %slice3A_113[0] : i32 from vector<1xi32>
      %or3A_115 = arith.ori %or3A_112, %squeeze3A_114 : i32
      %slice3A_116 = vector.extract_strided_slice %or3A_109 {offsets = [3], sizes = [1], strides = [1]} : vector<16xi32> to vector<1xi32>
      %squeeze3A_117 = vector.extract %slice3A_116[0] : i32 from vector<1xi32>
      %or3A_118 = arith.ori %or3A_115, %squeeze3A_117 : i32
      %slice3A_119 = vector.extract_strided_slice %or3A_109 {offsets = [4], sizes = [1], strides = [1]} : vector<16xi32> to vector<1xi32>
      %squeeze3A_120 = vector.extract %slice3A_119[0] : i32 from vector<1xi32>
      %or3A_121 = arith.ori %or3A_118, %squeeze3A_120 : i32
      %slice3A_122 = vector.extract_strided_slice %or3A_109 {offsets = [5], sizes = [1], strides = [1]} : vector<16xi32> to vector<1xi32>
      %squeeze3A_123 = vector.extract %slice3A_122[0] : i32 from vector<1xi32>
      %or3A_124 = arith.ori %or3A_121, %squeeze3A_123 : i32
      %slice3A_125 = vector.extract_strided_slice %or3A_109 {offsets = [6], sizes = [1], strides = [1]} : vector<16xi32> to vector<1xi32>
      %squeeze3A_126 = vector.extract %slice3A_125[0] : i32 from vector<1xi32>
      %or3A_127 = arith.ori %or3A_124, %squeeze3A_126 : i32
      %slice3A_128 = vector.extract_strided_slice %or3A_109 {offsets = [7], sizes = [1], strides = [1]} : vector<16xi32> to vector<1xi32>
      %squeeze3A_129 = vector.extract %slice3A_128[0] : i32 from vector<1xi32>
      %or3A_130 = arith.ori %or3A_127, %squeeze3A_129 : i32
      %slice3A_131 = vector.extract_strided_slice %or3A_109 {offsets = [8], sizes = [1], strides = [1]} : vector<16xi32> to vector<1xi32>
      %squeeze3A_132 = vector.extract %slice3A_131[0] : i32 from vector<1xi32>
      %or3A_133 = arith.ori %or3A_130, %squeeze3A_132 : i32
      %slice3A_134 = vector.extract_strided_slice %or3A_109 {offsets = [9], sizes = [1], strides = [1]} : vector<16xi32> to vector<1xi32>
      %squeeze3A_135 = vector.extract %slice3A_134[0] : i32 from vector<1xi32>
      %or3A_136 = arith.ori %or3A_133, %squeeze3A_135 : i32
      %slice3A_137 = vector.extract_strided_slice %or3A_109 {offsets = [10], sizes = [1], strides = [1]} : vector<16xi32> to vector<1xi32>
      %squeeze3A_138 = vector.extract %slice3A_137[0] : i32 from vector<1xi32>
      %or3A_139 = arith.ori %or3A_136, %squeeze3A_138 : i32
      %slice3A_140 = vector.extract_strided_slice %or3A_109 {offsets = [11], sizes = [1], strides = [1]} : vector<16xi32> to vector<1xi32>
      %squeeze3A_141 = vector.extract %slice3A_140[0] : i32 from vector<1xi32>
      %or3A_142 = arith.ori %or3A_139, %squeeze3A_141 : i32
      %slice3A_143 = vector.extract_strided_slice %or3A_109 {offsets = [12], sizes = [1], strides = [1]} : vector<16xi32> to vector<1xi32>
      %squeeze3A_144 = vector.extract %slice3A_143[0] : i32 from vector<1xi32>
      %or3A_145 = arith.ori %or3A_142, %squeeze3A_144 : i32
      %slice3A_146 = vector.extract_strided_slice %or3A_109 {offsets = [13], sizes = [1], strides = [1]} : vector<16xi32> to vector<1xi32>
      %squeeze3A_147 = vector.extract %slice3A_146[0] : i32 from vector<1xi32>
      %or3A_148 = arith.ori %or3A_145, %squeeze3A_147 : i32
      %slice3A_149 = vector.extract_strided_slice %or3A_109 {offsets = [14], sizes = [1], strides = [1]} : vector<16xi32> to vector<1xi32>
      %squeeze3A_150 = vector.extract %slice3A_149[0] : i32 from vector<1xi32>
      %or3A_151 = arith.ori %or3A_148, %squeeze3A_150 : i32
      %slice3A_152 = vector.extract_strided_slice %or3A_109 {offsets = [15], sizes = [1], strides = [1]} : vector<16xi32> to vector<1xi32>
      %squeeze3A_153 = vector.extract %slice3A_152[0] : i32 from vector<1xi32>
      %or3A_154 = arith.ori %or3A_151, %squeeze3A_153 : i32
      %gt3A = arith.constant 0 : i32
      %gt3A_155 = arith.cmpi sgt, %or3A_154, %gt3A : i32
      %convert_element_type3A_156 = arith.extui %gt3A_155 : i1 to i32
      %cond3A_157 = arith.constant 0 : i32
      %cond3A_158 = arith.cmpi ne, %convert_element_type3A_156, %cond3A_157 : i32
      scf.if %cond3A_158 {
        %broadcast_in_dim3A_317 = arith.constant 0.000000e+00 : f32
        %broadcast_in_dim3A_318 = vector.broadcast %broadcast_in_dim3A_317 : f32 to vector<16xf32>
        %scan3A_319 = arith.constant 0 : i32
        %scan3A_320 = arith.constant 0 : i32
        %scan3A_321 = arith.constant 8 : i32
        %scan3A_322 = arith.addi %scan3A_320, %scan3A_321 : i32
        %scan3A_323 = arith.constant 1 : i32
        scf.for %scan3A_325 = %scan3A_320 to %scan3A_322 step %scan3A_323  : i32 {
          %mul3A_326 = arith.constant 16 : i32
          %mul3A_327 = arith.muli %scan3A_325, %mul3A_326 : i32
          %get3A_328 = arith.index_cast %mul3A_29 : i32 to index
          %get3A_329 = arith.index_cast %mul3A_327 : i32 to index
          %get3A_330 = tpu.vector_load %arg5[%get3A_328, %get3A_329] {strides = array<i32>} : memref<200x128xi32, #tpu.memory_space<vmem>>, vector<1x16xi32>,
          %get3A_331 = vector.shape_cast %get3A_330 : vector<1x16xi32> to vector<16xi32>
          %slice3A_332 = vector.extract_strided_slice %get3A_331 {offsets = [0], sizes = [1], strides = [1]} : vector<16xi32> to vector<1xi32>
          %squeeze3A_333 = vector.extract %slice3A_332[0] : i32 from vector<1xi32>
          %eq3A_334 = arith.constant 0 : i32
          %eq3A_335 = arith.cmpi eq, %squeeze3A_333, %eq3A_334 : i32
          %convert_element_type3A_336 = arith.extui %eq3A_335 : i1 to i32
          %cond3A_337 = arith.constant 0 : i32
          %cond3A_338 = arith.cmpi ne, %convert_element_type3A_336, %cond3A_337 : i32
          scf.if %cond3A_338 {
            %mul3A_444 = arith.constant 16 : i32
            %mul3A_445 = arith.muli %scan3A_325, %mul3A_444 : i32
            %add3A_446 = arith.constant 0 : i32
            %add3A_447 = arith.addi %mul3A_445, %add3A_446 : i32
            %swap3A = arith.index_cast %add3A_447 : i32 to index
            %swap3A_448 = arith.constant 0 : index
            %swap3A_449 = tpu.vector_load %arg6[%swap3A, %swap3A_448] {strides = array<i32>} : memref<128x64xf32, #tpu.memory_space<vmem>>, vector<1x16xf32>,
            %swap3A_450 = vector.shape_cast %swap3A_449 : vector<1x16xf32> to vector<16xf32>
            %swap3A_451 = vector.shape_cast %broadcast_in_dim3A_318 : vector<16xf32> to vector<1x16xf32>
            tpu.vector_store %arg6[%swap3A, %swap3A_448], %swap3A_451 {strides = array<i32>} : memref<128x64xf32, #tpu.memory_space<vmem>>, vector<1x16xf32>,
            %swap3A_452 = arith.index_cast %add3A_447 : i32 to index
            %swap3A_453 = arith.constant 16 : index
            %swap3A_454 = tpu.vector_load %arg6[%swap3A_452, %swap3A_453] {strides = array<i32>} : memref<128x64xf32, #tpu.memory_space<vmem>>, vector<1x16xf32>,
            %swap3A_455 = vector.shape_cast %swap3A_454 : vector<1x16xf32> to vector<16xf32>
            %swap3A_456 = vector.shape_cast %broadcast_in_dim3A_318 : vector<16xf32> to vector<1x16xf32>
            tpu.vector_store %arg6[%swap3A_452, %swap3A_453], %swap3A_456 {strides = array<i32>} : memref<128x64xf32, #tpu.memory_space<vmem>>, vector<1x16xf32>,
            %swap3A_457 = arith.index_cast %add3A_447 : i32 to index
            %swap3A_458 = arith.constant 32 : index
            %swap3A_459 = tpu.vector_load %arg6[%swap3A_457, %swap3A_458] {strides = array<i32>} : memref<128x64xf32, #tpu.memory_space<vmem>>, vector<1x16xf32>,
            %swap3A_460 = vector.shape_cast %swap3A_459 : vector<1x16xf32> to vector<16xf32>
            %swap3A_461 = vector.shape_cast %broadcast_in_dim3A_318 : vector<16xf32> to vector<1x16xf32>
            tpu.vector_store %arg6[%swap3A_457, %swap3A_458], %swap3A_461 {strides = array<i32>} : memref<128x64xf32, #tpu.memory_space<vmem>>, vector<1x16xf32>,
            %swap3A_462 = arith.index_cast %add3A_447 : i32 to index
            %swap3A_463 = arith.constant 48 : index
            %swap3A_464 = tpu.vector_load %arg6[%swap3A_462, %swap3A_463] {strides = array<i32>} : memref<128x64xf32, #tpu.memory_space<vmem>>, vector<1x16xf32>,
            %swap3A_465 = vector.shape_cast %swap3A_464 : vector<1x16xf32> to vector<16xf32>
            %swap3A_466 = vector.shape_cast %broadcast_in_dim3A_318 : vector<16xf32> to vector<1x16xf32>
            tpu.vector_store %arg6[%swap3A_462, %swap3A_463], %swap3A_466 {strides = array<i32>} : memref<128x64xf32, #tpu.memory_space<vmem>>, vector<1x16xf32>,
          } else {
          }
          %slice3A_339 = vector.extract_strided_slice %get3A_331 {offsets = [1], sizes = [1], strides = [1]} : vector<16xi32> to vector<1xi32>
          %squeeze3A_340 = vector.extract %slice3A_339[0] : i32 from vector<1xi32>
          %eq3A_341 = arith.constant 0 : i32
          %eq3A_342 = arith.cmpi eq, %squeeze3A_340, %eq3A_341 : i32
          %convert_element_type3A_343 = arith.extui %eq3A_342 : i1 to i32
          %cond3A_344 = arith.constant 0 : i32
          %cond3A_345 = arith.cmpi ne, %convert_element_type3A_343, %cond3A_344 : i32
          scf.if %cond3A_345 {
            %mul3A_444 = arith.constant 16 : i32
            %mul3A_445 = arith.muli %scan3A_325, %mul3A_444 : i32
            %add3A_446 = arith.constant 1 : i32
            %add3A_447 = arith.addi %mul3A_445, %add3A_446 : i32
            %swap3A = arith.index_cast %add3A_447 : i32 to index
            %swap3A_448 = arith.constant 0 : index
            %swap3A_449 = tpu.vector_load %arg6[%swap3A, %swap3A_448] {strides = array<i32>} : memref<128x64xf32, #tpu.memory_space<vmem>>, vector<1x16xf32>,
            %swap3A_450 = vector.shape_cast %swap3A_449 : vector<1x16xf32> to vector<16xf32>
            %swap3A_451 = vector.shape_cast %broadcast_in_dim3A_318 : vector<16xf32> to vector<1x16xf32>
            tpu.vector_store %arg6[%swap3A, %swap3A_448], %swap3A_451 {strides = array<i32>} : memref<128x64xf32, #tpu.memory_space<vmem>>, vector<1x16xf32>,
            %swap3A_452 = arith.index_cast %add3A_447 : i32 to index
            %swap3A_453 = arith.constant 16 : index
            %swap3A_454 = tpu.vector_load %arg6[%swap3A_452, %swap3A_453] {strides = array<i32>} : memref<128x64xf32, #tpu.memory_space<vmem>>, vector<1x16xf32>,
            %swap3A_455 = vector.shape_cast %swap3A_454 : vector<1x16xf32> to vector<16xf32>
            %swap3A_456 = vector.shape_cast %broadcast_in_dim3A_318 : vector<16xf32> to vector<1x16xf32>
            tpu.vector_store %arg6[%swap3A_452, %swap3A_453], %swap3A_456 {strides = array<i32>} : memref<128x64xf32, #tpu.memory_space<vmem>>, vector<1x16xf32>,
            %swap3A_457 = arith.index_cast %add3A_447 : i32 to index
            %swap3A_458 = arith.constant 32 : index
            %swap3A_459 = tpu.vector_load %arg6[%swap3A_457, %swap3A_458] {strides = array<i32>} : memref<128x64xf32, #tpu.memory_space<vmem>>, vector<1x16xf32>,
            %swap3A_460 = vector.shape_cast %swap3A_459 : vector<1x16xf32> to vector<16xf32>
            %swap3A_461 = vector.shape_cast %broadcast_in_dim3A_318 : vector<16xf32> to vector<1x16xf32>
            tpu.vector_store %arg6[%swap3A_457, %swap3A_458], %swap3A_461 {strides = array<i32>} : memref<128x64xf32, #tpu.memory_space<vmem>>, vector<1x16xf32>,
            %swap3A_462 = arith.index_cast %add3A_447 : i32 to index
            %swap3A_463 = arith.constant 48 : index
            %swap3A_464 = tpu.vector_load %arg6[%swap3A_462, %swap3A_463] {strides = array<i32>} : memref<128x64xf32, #tpu.memory_space<vmem>>, vector<1x16xf32>,
            %swap3A_465 = vector.shape_cast %swap3A_464 : vector<1x16xf32> to vector<16xf32>
            %swap3A_466 = vector.shape_cast %broadcast_in_dim3A_318 : vector<16xf32> to vector<1x16xf32>
            tpu.vector_store %arg6[%swap3A_462, %swap3A_463], %swap3A_466 {strides = array<i32>} : memref<128x64xf32, #tpu.memory_space<vmem>>, vector<1x16xf32>,
          } else {
          }
          %slice3A_346 = vector.extract_strided_slice %get3A_331 {offsets = [2], sizes = [1], strides = [1]} : vector<16xi32> to vector<1xi32>
          %squeeze3A_347 = vector.extract %slice3A_346[0] : i32 from vector<1xi32>
          %eq3A_348 = arith.constant 0 : i32
          %eq3A_349 = arith.cmpi eq, %squeeze3A_347, %eq3A_348 : i32
          %convert_element_type3A_350 = arith.extui %eq3A_349 : i1 to i32
          %cond3A_351 = arith.constant 0 : i32
          %cond3A_352 = arith.cmpi ne, %convert_element_type3A_350, %cond3A_351 : i32
          scf.if %cond3A_352 {
            %mul3A_444 = arith.constant 16 : i32
            %mul3A_445 = arith.muli %scan3A_325, %mul3A_444 : i32
            %add3A_446 = arith.constant 2 : i32
            %add3A_447 = arith.addi %mul3A_445, %add3A_446 : i32
            %swap3A = arith.index_cast %add3A_447 : i32 to index
            %swap3A_448 = arith.constant 0 : index
            %swap3A_449 = tpu.vector_load %arg6[%swap3A, %swap3A_448] {strides = array<i32>} : memref<128x64xf32, #tpu.memory_space<vmem>>, vector<1x16xf32>,
            %swap3A_450 = vector.shape_cast %swap3A_449 : vector<1x16xf32> to vector<16xf32>
            %swap3A_451 = vector.shape_cast %broadcast_in_dim3A_318 : vector<16xf32> to vector<1x16xf32>
            tpu.vector_store %arg6[%swap3A, %swap3A_448], %swap3A_451 {strides = array<i32>} : memref<128x64xf32, #tpu.memory_space<vmem>>, vector<1x16xf32>,
            %swap3A_452 = arith.index_cast %add3A_447 : i32 to index
            %swap3A_453 = arith.constant 16 : index
            %swap3A_454 = tpu.vector_load %arg6[%swap3A_452, %swap3A_453] {strides = array<i32>} : memref<128x64xf32, #tpu.memory_space<vmem>>, vector<1x16xf32>,
            %swap3A_455 = vector.shape_cast %swap3A_454 : vector<1x16xf32> to vector<16xf32>
            %swap3A_456 = vector.shape_cast %broadcast_in_dim3A_318 : vector<16xf32> to vector<1x16xf32>
            tpu.vector_store %arg6[%swap3A_452, %swap3A_453], %swap3A_456 {strides = array<i32>} : memref<128x64xf32, #tpu.memory_space<vmem>>, vector<1x16xf32>,
            %swap3A_457 = arith.index_cast %add3A_447 : i32 to index
            %swap3A_458 = arith.constant 32 : index
            %swap3A_459 = tpu.vector_load %arg6[%swap3A_457, %swap3A_458] {strides = array<i32>} : memref<128x64xf32, #tpu.memory_space<vmem>>, vector<1x16xf32>,
            %swap3A_460 = vector.shape_cast %swap3A_459 : vector<1x16xf32> to vector<16xf32>
            %swap3A_461 = vector.shape_cast %broadcast_in_dim3A_318 : vector<16xf32> to vector<1x16xf32>
            tpu.vector_store %arg6[%swap3A_457, %swap3A_458], %swap3A_461 {strides = array<i32>} : memref<128x64xf32, #tpu.memory_space<vmem>>, vector<1x16xf32>,
            %swap3A_462 = arith.index_cast %add3A_447 : i32 to index
            %swap3A_463 = arith.constant 48 : index
            %swap3A_464 = tpu.vector_load %arg6[%swap3A_462, %swap3A_463] {strides = array<i32>} : memref<128x64xf32, #tpu.memory_space<vmem>>, vector<1x16xf32>,
            %swap3A_465 = vector.shape_cast %swap3A_464 : vector<1x16xf32> to vector<16xf32>
            %swap3A_466 = vector.shape_cast %broadcast_in_dim3A_318 : vector<16xf32> to vector<1x16xf32>
            tpu.vector_store %arg6[%swap3A_462, %swap3A_463], %swap3A_466 {strides = array<i32>} : memref<128x64xf32, #tpu.memory_space<vmem>>, vector<1x16xf32>,
          } else {
          }
          %slice3A_353 = vector.extract_strided_slice %get3A_331 {offsets = [3], sizes = [1], strides = [1]} : vector<16xi32> to vector<1xi32>
          %squeeze3A_354 = vector.extract %slice3A_353[0] : i32 from vector<1xi32>
          %eq3A_355 = arith.constant 0 : i32
          %eq3A_356 = arith.cmpi eq, %squeeze3A_354, %eq3A_355 : i32
          %convert_element_type3A_357 = arith.extui %eq3A_356 : i1 to i32
          %cond3A_358 = arith.constant 0 : i32
          %cond3A_359 = arith.cmpi ne, %convert_element_type3A_357, %cond3A_358 : i32
          scf.if %cond3A_359 {
            %mul3A_444 = arith.constant 16 : i32
            %mul3A_445 = arith.muli %scan3A_325, %mul3A_444 : i32
            %add3A_446 = arith.constant 3 : i32
            %add3A_447 = arith.addi %mul3A_445, %add3A_446 : i32
            %swap3A = arith.index_cast %add3A_447 : i32 to index
            %swap3A_448 = arith.constant 0 : index
            %swap3A_449 = tpu.vector_load %arg6[%swap3A, %swap3A_448] {strides = array<i32>} : memref<128x64xf32, #tpu.memory_space<vmem>>, vector<1x16xf32>,
            %swap3A_450 = vector.shape_cast %swap3A_449 : vector<1x16xf32> to vector<16xf32>
            %swap3A_451 = vector.shape_cast %broadcast_in_dim3A_318 : vector<16xf32> to vector<1x16xf32>
            tpu.vector_store %arg6[%swap3A, %swap3A_448], %swap3A_451 {strides = array<i32>} : memref<128x64xf32, #tpu.memory_space<vmem>>, vector<1x16xf32>,
            %swap3A_452 = arith.index_cast %add3A_447 : i32 to index
            %swap3A_453 = arith.constant 16 : index
            %swap3A_454 = tpu.vector_load %arg6[%swap3A_452, %swap3A_453] {strides = array<i32>} : memref<128x64xf32, #tpu.memory_space<vmem>>, vector<1x16xf32>,
            %swap3A_455 = vector.shape_cast %swap3A_454 : vector<1x16xf32> to vector<16xf32>
            %swap3A_456 = vector.shape_cast %broadcast_in_dim3A_318 : vector<16xf32> to vector<1x16xf32>
            tpu.vector_store %arg6[%swap3A_452, %swap3A_453], %swap3A_456 {strides = array<i32>} : memref<128x64xf32, #tpu.memory_space<vmem>>, vector<1x16xf32>,
            %swap3A_457 = arith.index_cast %add3A_447 : i32 to index
            %swap3A_458 = arith.constant 32 : index
            %swap3A_459 = tpu.vector_load %arg6[%swap3A_457, %swap3A_458] {strides = array<i32>} : memref<128x64xf32, #tpu.memory_space<vmem>>, vector<1x16xf32>,
            %swap3A_460 = vector.shape_cast %swap3A_459 : vector<1x16xf32> to vector<16xf32>
            %swap3A_461 = vector.shape_cast %broadcast_in_dim3A_318 : vector<16xf32> to vector<1x16xf32>
            tpu.vector_store %arg6[%swap3A_457, %swap3A_458], %swap3A_461 {strides = array<i32>} : memref<128x64xf32, #tpu.memory_space<vmem>>, vector<1x16xf32>,
            %swap3A_462 = arith.index_cast %add3A_447 : i32 to index
            %swap3A_463 = arith.constant 48 : index
            %swap3A_464 = tpu.vector_load %arg6[%swap3A_462, %swap3A_463] {strides = array<i32>} : memref<128x64xf32, #tpu.memory_space<vmem>>, vector<1x16xf32>,
            %swap3A_465 = vector.shape_cast %swap3A_464 : vector<1x16xf32> to vector<16xf32>
            %swap3A_466 = vector.shape_cast %broadcast_in_dim3A_318 : vector<16xf32> to vector<1x16xf32>
            tpu.vector_store %arg6[%swap3A_462, %swap3A_463], %swap3A_466 {strides = array<i32>} : memref<128x64xf32, #tpu.memory_space<vmem>>, vector<1x16xf32>,
          } else {
          }
          %slice3A_360 = vector.extract_strided_slice %get3A_331 {offsets = [4], sizes = [1], strides = [1]} : vector<16xi32> to vector<1xi32>
          %squeeze3A_361 = vector.extract %slice3A_360[0] : i32 from vector<1xi32>
          %eq3A_362 = arith.constant 0 : i32
          %eq3A_363 = arith.cmpi eq, %squeeze3A_361, %eq3A_362 : i32
          %convert_element_type3A_364 = arith.extui %eq3A_363 : i1 to i32
          %cond3A_365 = arith.constant 0 : i32
          %cond3A_366 = arith.cmpi ne, %convert_element_type3A_364, %cond3A_365 : i32
          scf.if %cond3A_366 {
            %mul3A_444 = arith.constant 16 : i32
            %mul3A_445 = arith.muli %scan3A_325, %mul3A_444 : i32
            %add3A_446 = arith.constant 4 : i32
            %add3A_447 = arith.addi %mul3A_445, %add3A_446 : i32
            %swap3A = arith.index_cast %add3A_447 : i32 to index
            %swap3A_448 = arith.constant 0 : index
            %swap3A_449 = tpu.vector_load %arg6[%swap3A, %swap3A_448] {strides = array<i32>} : memref<128x64xf32, #tpu.memory_space<vmem>>, vector<1x16xf32>,
            %swap3A_450 = vector.shape_cast %swap3A_449 : vector<1x16xf32> to vector<16xf32>
            %swap3A_451 = vector.shape_cast %broadcast_in_dim3A_318 : vector<16xf32> to vector<1x16xf32>
            tpu.vector_store %arg6[%swap3A, %swap3A_448], %swap3A_451 {strides = array<i32>} : memref<128x64xf32, #tpu.memory_space<vmem>>, vector<1x16xf32>,
            %swap3A_452 = arith.index_cast %add3A_447 : i32 to index
            %swap3A_453 = arith.constant 16 : index
            %swap3A_454 = tpu.vector_load %arg6[%swap3A_452, %swap3A_453] {strides = array<i32>} : memref<128x64xf32, #tpu.memory_space<vmem>>, vector<1x16xf32>,
            %swap3A_455 = vector.shape_cast %swap3A_454 : vector<1x16xf32> to vector<16xf32>
            %swap3A_456 = vector.shape_cast %broadcast_in_dim3A_318 : vector<16xf32> to vector<1x16xf32>
            tpu.vector_store %arg6[%swap3A_452, %swap3A_453], %swap3A_456 {strides = array<i32>} : memref<128x64xf32, #tpu.memory_space<vmem>>, vector<1x16xf32>,
            %swap3A_457 = arith.index_cast %add3A_447 : i32 to index
            %swap3A_458 = arith.constant 32 : index
            %swap3A_459 = tpu.vector_load %arg6[%swap3A_457, %swap3A_458] {strides = array<i32>} : memref<128x64xf32, #tpu.memory_space<vmem>>, vector<1x16xf32>,
            %swap3A_460 = vector.shape_cast %swap3A_459 : vector<1x16xf32> to vector<16xf32>
            %swap3A_461 = vector.shape_cast %broadcast_in_dim3A_318 : vector<16xf32> to vector<1x16xf32>
            tpu.vector_store %arg6[%swap3A_457, %swap3A_458], %swap3A_461 {strides = array<i32>} : memref<128x64xf32, #tpu.memory_space<vmem>>, vector<1x16xf32>,
            %swap3A_462 = arith.index_cast %add3A_447 : i32 to index
            %swap3A_463 = arith.constant 48 : index
            %swap3A_464 = tpu.vector_load %arg6[%swap3A_462, %swap3A_463] {strides = array<i32>} : memref<128x64xf32, #tpu.memory_space<vmem>>, vector<1x16xf32>,
            %swap3A_465 = vector.shape_cast %swap3A_464 : vector<1x16xf32> to vector<16xf32>
            %swap3A_466 = vector.shape_cast %broadcast_in_dim3A_318 : vector<16xf32> to vector<1x16xf32>
            tpu.vector_store %arg6[%swap3A_462, %swap3A_463], %swap3A_466 {strides = array<i32>} : memref<128x64xf32, #tpu.memory_space<vmem>>, vector<1x16xf32>,
          } else {
          }
          %slice3A_367 = vector.extract_strided_slice %get3A_331 {offsets = [5], sizes = [1], strides = [1]} : vector<16xi32> to vector<1xi32>
          %squeeze3A_368 = vector.extract %slice3A_367[0] : i32 from vector<1xi32>
          %eq3A_369 = arith.constant 0 : i32
          %eq3A_370 = arith.cmpi eq, %squeeze3A_368, %eq3A_369 : i32
          %convert_element_type3A_371 = arith.extui %eq3A_370 : i1 to i32
          %cond3A_372 = arith.constant 0 : i32
          %cond3A_373 = arith.cmpi ne, %convert_element_type3A_371, %cond3A_372 : i32
          scf.if %cond3A_373 {
            %mul3A_444 = arith.constant 16 : i32
            %mul3A_445 = arith.muli %scan3A_325, %mul3A_444 : i32
            %add3A_446 = arith.constant 5 : i32
            %add3A_447 = arith.addi %mul3A_445, %add3A_446 : i32
            %swap3A = arith.index_cast %add3A_447 : i32 to index
            %swap3A_448 = arith.constant 0 : index
            %swap3A_449 = tpu.vector_load %arg6[%swap3A, %swap3A_448] {strides = array<i32>} : memref<128x64xf32, #tpu.memory_space<vmem>>, vector<1x16xf32>,
            %swap3A_450 = vector.shape_cast %swap3A_449 : vector<1x16xf32> to vector<16xf32>
            %swap3A_451 = vector.shape_cast %broadcast_in_dim3A_318 : vector<16xf32> to vector<1x16xf32>
            tpu.vector_store %arg6[%swap3A, %swap3A_448], %swap3A_451 {strides = array<i32>} : memref<128x64xf32, #tpu.memory_space<vmem>>, vector<1x16xf32>,
            %swap3A_452 = arith.index_cast %add3A_447 : i32 to index
            %swap3A_453 = arith.constant 16 : index
            %swap3A_454 = tpu.vector_load %arg6[%swap3A_452, %swap3A_453] {strides = array<i32>} : memref<128x64xf32, #tpu.memory_space<vmem>>, vector<1x16xf32>,
            %swap3A_455 = vector.shape_cast %swap3A_454 : vector<1x16xf32> to vector<16xf32>
            %swap3A_456 = vector.shape_cast %broadcast_in_dim3A_318 : vector<16xf32> to vector<1x16xf32>
            tpu.vector_store %arg6[%swap3A_452, %swap3A_453], %swap3A_456 {strides = array<i32>} : memref<128x64xf32, #tpu.memory_space<vmem>>, vector<1x16xf32>,
            %swap3A_457 = arith.index_cast %add3A_447 : i32 to index
            %swap3A_458 = arith.constant 32 : index
            %swap3A_459 = tpu.vector_load %arg6[%swap3A_457, %swap3A_458] {strides = array<i32>} : memref<128x64xf32, #tpu.memory_space<vmem>>, vector<1x16xf32>,
            %swap3A_460 = vector.shape_cast %swap3A_459 : vector<1x16xf32> to vector<16xf32>
            %swap3A_461 = vector.shape_cast %broadcast_in_dim3A_318 : vector<16xf32> to vector<1x16xf32>
            tpu.vector_store %arg6[%swap3A_457, %swap3A_458], %swap3A_461 {strides = array<i32>} : memref<128x64xf32, #tpu.memory_space<vmem>>, vector<1x16xf32>,
            %swap3A_462 = arith.index_cast %add3A_447 : i32 to index
            %swap3A_463 = arith.constant 48 : index
            %swap3A_464 = tpu.vector_load %arg6[%swap3A_462, %swap3A_463] {strides = array<i32>} : memref<128x64xf32, #tpu.memory_space<vmem>>, vector<1x16xf32>,
            %swap3A_465 = vector.shape_cast %swap3A_464 : vector<1x16xf32> to vector<16xf32>
            %swap3A_466 = vector.shape_cast %broadcast_in_dim3A_318 : vector<16xf32> to vector<1x16xf32>
            tpu.vector_store %arg6[%swap3A_462, %swap3A_463], %swap3A_466 {strides = array<i32>} : memref<128x64xf32, #tpu.memory_space<vmem>>, vector<1x16xf32>,
          } else {
          }
          %slice3A_374 = vector.extract_strided_slice %get3A_331 {offsets = [6], sizes = [1], strides = [1]} : vector<16xi32> to vector<1xi32>
          %squeeze3A_375 = vector.extract %slice3A_374[0] : i32 from vector<1xi32>
          %eq3A_376 = arith.constant 0 : i32
          %eq3A_377 = arith.cmpi eq, %squeeze3A_375, %eq3A_376 : i32
          %convert_element_type3A_378 = arith.extui %eq3A_377 : i1 to i32
          %cond3A_379 = arith.constant 0 : i32
          %cond3A_380 = arith.cmpi ne, %convert_element_type3A_378, %cond3A_379 : i32
          scf.if %cond3A_380 {
            %mul3A_444 = arith.constant 16 : i32
            %mul3A_445 = arith.muli %scan3A_325, %mul3A_444 : i32
            %add3A_446 = arith.constant 6 : i32
            %add3A_447 = arith.addi %mul3A_445, %add3A_446 : i32
            %swap3A = arith.index_cast %add3A_447 : i32 to index
            %swap3A_448 = arith.constant 0 : index
            %swap3A_449 = tpu.vector_load %arg6[%swap3A, %swap3A_448] {strides = array<i32>} : memref<128x64xf32, #tpu.memory_space<vmem>>, vector<1x16xf32>,
            %swap3A_450 = vector.shape_cast %swap3A_449 : vector<1x16xf32> to vector<16xf32>
            %swap3A_451 = vector.shape_cast %broadcast_in_dim3A_318 : vector<16xf32> to vector<1x16xf32>
            tpu.vector_store %arg6[%swap3A, %swap3A_448], %swap3A_451 {strides = array<i32>} : memref<128x64xf32, #tpu.memory_space<vmem>>, vector<1x16xf32>,
            %swap3A_452 = arith.index_cast %add3A_447 : i32 to index
            %swap3A_453 = arith.constant 16 : index
            %swap3A_454 = tpu.vector_load %arg6[%swap3A_452, %swap3A_453] {strides = array<i32>} : memref<128x64xf32, #tpu.memory_space<vmem>>, vector<1x16xf32>,
            %swap3A_455 = vector.shape_cast %swap3A_454 : vector<1x16xf32> to vector<16xf32>
            %swap3A_456 = vector.shape_cast %broadcast_in_dim3A_318 : vector<16xf32> to vector<1x16xf32>
            tpu.vector_store %arg6[%swap3A_452, %swap3A_453], %swap3A_456 {strides = array<i32>} : memref<128x64xf32, #tpu.memory_space<vmem>>, vector<1x16xf32>,
            %swap3A_457 = arith.index_cast %add3A_447 : i32 to index
            %swap3A_458 = arith.constant 32 : index
            %swap3A_459 = tpu.vector_load %arg6[%swap3A_457, %swap3A_458] {strides = array<i32>} : memref<128x64xf32, #tpu.memory_space<vmem>>, vector<1x16xf32>,
            %swap3A_460 = vector.shape_cast %swap3A_459 : vector<1x16xf32> to vector<16xf32>
            %swap3A_461 = vector.shape_cast %broadcast_in_dim3A_318 : vector<16xf32> to vector<1x16xf32>
            tpu.vector_store %arg6[%swap3A_457, %swap3A_458], %swap3A_461 {strides = array<i32>} : memref<128x64xf32, #tpu.memory_space<vmem>>, vector<1x16xf32>,
            %swap3A_462 = arith.index_cast %add3A_447 : i32 to index
            %swap3A_463 = arith.constant 48 : index
            %swap3A_464 = tpu.vector_load %arg6[%swap3A_462, %swap3A_463] {strides = array<i32>} : memref<128x64xf32, #tpu.memory_space<vmem>>, vector<1x16xf32>,
            %swap3A_465 = vector.shape_cast %swap3A_464 : vector<1x16xf32> to vector<16xf32>
            %swap3A_466 = vector.shape_cast %broadcast_in_dim3A_318 : vector<16xf32> to vector<1x16xf32>
            tpu.vector_store %arg6[%swap3A_462, %swap3A_463], %swap3A_466 {strides = array<i32>} : memref<128x64xf32, #tpu.memory_space<vmem>>, vector<1x16xf32>,
          } else {
          }
          %slice3A_381 = vector.extract_strided_slice %get3A_331 {offsets = [7], sizes = [1], strides = [1]} : vector<16xi32> to vector<1xi32>
          %squeeze3A_382 = vector.extract %slice3A_381[0] : i32 from vector<1xi32>
          %eq3A_383 = arith.constant 0 : i32
          %eq3A_384 = arith.cmpi eq, %squeeze3A_382, %eq3A_383 : i32
          %convert_element_type3A_385 = arith.extui %eq3A_384 : i1 to i32
          %cond3A_386 = arith.constant 0 : i32
          %cond3A_387 = arith.cmpi ne, %convert_element_type3A_385, %cond3A_386 : i32
          scf.if %cond3A_387 {
            %mul3A_444 = arith.constant 16 : i32
            %mul3A_445 = arith.muli %scan3A_325, %mul3A_444 : i32
            %add3A_446 = arith.constant 7 : i32
            %add3A_447 = arith.addi %mul3A_445, %add3A_446 : i32
            %swap3A = arith.index_cast %add3A_447 : i32 to index
            %swap3A_448 = arith.constant 0 : index
            %swap3A_449 = tpu.vector_load %arg6[%swap3A, %swap3A_448] {strides = array<i32>} : memref<128x64xf32, #tpu.memory_space<vmem>>, vector<1x16xf32>,
            %swap3A_450 = vector.shape_cast %swap3A_449 : vector<1x16xf32> to vector<16xf32>
            %swap3A_451 = vector.shape_cast %broadcast_in_dim3A_318 : vector<16xf32> to vector<1x16xf32>
            tpu.vector_store %arg6[%swap3A, %swap3A_448], %swap3A_451 {strides = array<i32>} : memref<128x64xf32, #tpu.memory_space<vmem>>, vector<1x16xf32>,
            %swap3A_452 = arith.index_cast %add3A_447 : i32 to index
            %swap3A_453 = arith.constant 16 : index
            %swap3A_454 = tpu.vector_load %arg6[%swap3A_452, %swap3A_453] {strides = array<i32>} : memref<128x64xf32, #tpu.memory_space<vmem>>, vector<1x16xf32>,
            %swap3A_455 = vector.shape_cast %swap3A_454 : vector<1x16xf32> to vector<16xf32>
            %swap3A_456 = vector.shape_cast %broadcast_in_dim3A_318 : vector<16xf32> to vector<1x16xf32>
            tpu.vector_store %arg6[%swap3A_452, %swap3A_453], %swap3A_456 {strides = array<i32>} : memref<128x64xf32, #tpu.memory_space<vmem>>, vector<1x16xf32>,
            %swap3A_457 = arith.index_cast %add3A_447 : i32 to index
            %swap3A_458 = arith.constant 32 : index
            %swap3A_459 = tpu.vector_load %arg6[%swap3A_457, %swap3A_458] {strides = array<i32>} : memref<128x64xf32, #tpu.memory_space<vmem>>, vector<1x16xf32>,
            %swap3A_460 = vector.shape_cast %swap3A_459 : vector<1x16xf32> to vector<16xf32>
            %swap3A_461 = vector.shape_cast %broadcast_in_dim3A_318 : vector<16xf32> to vector<1x16xf32>
            tpu.vector_store %arg6[%swap3A_457, %swap3A_458], %swap3A_461 {strides = array<i32>} : memref<128x64xf32, #tpu.memory_space<vmem>>, vector<1x16xf32>,
            %swap3A_462 = arith.index_cast %add3A_447 : i32 to index
            %swap3A_463 = arith.constant 48 : index
            %swap3A_464 = tpu.vector_load %arg6[%swap3A_462, %swap3A_463] {strides = array<i32>} : memref<128x64xf32, #tpu.memory_space<vmem>>, vector<1x16xf32>,
            %swap3A_465 = vector.shape_cast %swap3A_464 : vector<1x16xf32> to vector<16xf32>
            %swap3A_466 = vector.shape_cast %broadcast_in_dim3A_318 : vector<16xf32> to vector<1x16xf32>
            tpu.vector_store %arg6[%swap3A_462, %swap3A_463], %swap3A_466 {strides = array<i32>} : memref<128x64xf32, #tpu.memory_space<vmem>>, vector<1x16xf32>,
          } else {
          }
          %slice3A_388 = vector.extract_strided_slice %get3A_331 {offsets = [8], sizes = [1], strides = [1]} : vector<16xi32> to vector<1xi32>
          %squeeze3A_389 = vector.extract %slice3A_388[0] : i32 from vector<1xi32>
          %eq3A_390 = arith.constant 0 : i32
          %eq3A_391 = arith.cmpi eq, %squeeze3A_389, %eq3A_390 : i32
          %convert_element_type3A_392 = arith.extui %eq3A_391 : i1 to i32
          %cond3A_393 = arith.constant 0 : i32
          %cond3A_394 = arith.cmpi ne, %convert_element_type3A_392, %cond3A_393 : i32
          scf.if %cond3A_394 {
            %mul3A_444 = arith.constant 16 : i32
            %mul3A_445 = arith.muli %scan3A_325, %mul3A_444 : i32
            %add3A_446 = arith.constant 8 : i32
            %add3A_447 = arith.addi %mul3A_445, %add3A_446 : i32
            %swap3A = arith.index_cast %add3A_447 : i32 to index
            %swap3A_448 = arith.constant 0 : index
            %swap3A_449 = tpu.vector_load %arg6[%swap3A, %swap3A_448] {strides = array<i32>} : memref<128x64xf32, #tpu.memory_space<vmem>>, vector<1x16xf32>,
            %swap3A_450 = vector.shape_cast %swap3A_449 : vector<1x16xf32> to vector<16xf32>
            %swap3A_451 = vector.shape_cast %broadcast_in_dim3A_318 : vector<16xf32> to vector<1x16xf32>
            tpu.vector_store %arg6[%swap3A, %swap3A_448], %swap3A_451 {strides = array<i32>} : memref<128x64xf32, #tpu.memory_space<vmem>>, vector<1x16xf32>,
            %swap3A_452 = arith.index_cast %add3A_447 : i32 to index
            %swap3A_453 = arith.constant 16 : index
            %swap3A_454 = tpu.vector_load %arg6[%swap3A_452, %swap3A_453] {strides = array<i32>} : memref<128x64xf32, #tpu.memory_space<vmem>>, vector<1x16xf32>,
            %swap3A_455 = vector.shape_cast %swap3A_454 : vector<1x16xf32> to vector<16xf32>
            %swap3A_456 = vector.shape_cast %broadcast_in_dim3A_318 : vector<16xf32> to vector<1x16xf32>
            tpu.vector_store %arg6[%swap3A_452, %swap3A_453], %swap3A_456 {strides = array<i32>} : memref<128x64xf32, #tpu.memory_space<vmem>>, vector<1x16xf32>,
            %swap3A_457 = arith.index_cast %add3A_447 : i32 to index
            %swap3A_458 = arith.constant 32 : index
            %swap3A_459 = tpu.vector_load %arg6[%swap3A_457, %swap3A_458] {strides = array<i32>} : memref<128x64xf32, #tpu.memory_space<vmem>>, vector<1x16xf32>,
            %swap3A_460 = vector.shape_cast %swap3A_459 : vector<1x16xf32> to vector<16xf32>
            %swap3A_461 = vector.shape_cast %broadcast_in_dim3A_318 : vector<16xf32> to vector<1x16xf32>
            tpu.vector_store %arg6[%swap3A_457, %swap3A_458], %swap3A_461 {strides = array<i32>} : memref<128x64xf32, #tpu.memory_space<vmem>>, vector<1x16xf32>,
            %swap3A_462 = arith.index_cast %add3A_447 : i32 to index
            %swap3A_463 = arith.constant 48 : index
            %swap3A_464 = tpu.vector_load %arg6[%swap3A_462, %swap3A_463] {strides = array<i32>} : memref<128x64xf32, #tpu.memory_space<vmem>>, vector<1x16xf32>,
            %swap3A_465 = vector.shape_cast %swap3A_464 : vector<1x16xf32> to vector<16xf32>
            %swap3A_466 = vector.shape_cast %broadcast_in_dim3A_318 : vector<16xf32> to vector<1x16xf32>
            tpu.vector_store %arg6[%swap3A_462, %swap3A_463], %swap3A_466 {strides = array<i32>} : memref<128x64xf32, #tpu.memory_space<vmem>>, vector<1x16xf32>,
          } else {
          }
          %slice3A_395 = vector.extract_strided_slice %get3A_331 {offsets = [9], sizes = [1], strides = [1]} : vector<16xi32> to vector<1xi32>
          %squeeze3A_396 = vector.extract %slice3A_395[0] : i32 from vector<1xi32>
          %eq3A_397 = arith.constant 0 : i32
          %eq3A_398 = arith.cmpi eq, %squeeze3A_396, %eq3A_397 : i32
          %convert_element_type3A_399 = arith.extui %eq3A_398 : i1 to i32
          %cond3A_400 = arith.constant 0 : i32
          %cond3A_401 = arith.cmpi ne, %convert_element_type3A_399, %cond3A_400 : i32
          scf.if %cond3A_401 {
            %mul3A_444 = arith.constant 16 : i32
            %mul3A_445 = arith.muli %scan3A_325, %mul3A_444 : i32
            %add3A_446 = arith.constant 9 : i32
            %add3A_447 = arith.addi %mul3A_445, %add3A_446 : i32
            %swap3A = arith.index_cast %add3A_447 : i32 to index
            %swap3A_448 = arith.constant 0 : index
            %swap3A_449 = tpu.vector_load %arg6[%swap3A, %swap3A_448] {strides = array<i32>} : memref<128x64xf32, #tpu.memory_space<vmem>>, vector<1x16xf32>,
            %swap3A_450 = vector.shape_cast %swap3A_449 : vector<1x16xf32> to vector<16xf32>
            %swap3A_451 = vector.shape_cast %broadcast_in_dim3A_318 : vector<16xf32> to vector<1x16xf32>
            tpu.vector_store %arg6[%swap3A, %swap3A_448], %swap3A_451 {strides = array<i32>} : memref<128x64xf32, #tpu.memory_space<vmem>>, vector<1x16xf32>,
            %swap3A_452 = arith.index_cast %add3A_447 : i32 to index
            %swap3A_453 = arith.constant 16 : index
            %swap3A_454 = tpu.vector_load %arg6[%swap3A_452, %swap3A_453] {strides = array<i32>} : memref<128x64xf32, #tpu.memory_space<vmem>>, vector<1x16xf32>,
            %swap3A_455 = vector.shape_cast %swap3A_454 : vector<1x16xf32> to vector<16xf32>
            %swap3A_456 = vector.shape_cast %broadcast_in_dim3A_318 : vector<16xf32> to vector<1x16xf32>
            tpu.vector_store %arg6[%swap3A_452, %swap3A_453], %swap3A_456 {strides = array<i32>} : memref<128x64xf32, #tpu.memory_space<vmem>>, vector<1x16xf32>,
            %swap3A_457 = arith.index_cast %add3A_447 : i32 to index
            %swap3A_458 = arith.constant 32 : index
            %swap3A_459 = tpu.vector_load %arg6[%swap3A_457, %swap3A_458] {strides = array<i32>} : memref<128x64xf32, #tpu.memory_space<vmem>>, vector<1x16xf32>,
            %swap3A_460 = vector.shape_cast %swap3A_459 : vector<1x16xf32> to vector<16xf32>
            %swap3A_461 = vector.shape_cast %broadcast_in_dim3A_318 : vector<16xf32> to vector<1x16xf32>
            tpu.vector_store %arg6[%swap3A_457, %swap3A_458], %swap3A_461 {strides = array<i32>} : memref<128x64xf32, #tpu.memory_space<vmem>>, vector<1x16xf32>,
            %swap3A_462 = arith.index_cast %add3A_447 : i32 to index
            %swap3A_463 = arith.constant 48 : index
            %swap3A_464 = tpu.vector_load %arg6[%swap3A_462, %swap3A_463] {strides = array<i32>} : memref<128x64xf32, #tpu.memory_space<vmem>>, vector<1x16xf32>,
            %swap3A_465 = vector.shape_cast %swap3A_464 : vector<1x16xf32> to vector<16xf32>
            %swap3A_466 = vector.shape_cast %broadcast_in_dim3A_318 : vector<16xf32> to vector<1x16xf32>
            tpu.vector_store %arg6[%swap3A_462, %swap3A_463], %swap3A_466 {strides = array<i32>} : memref<128x64xf32, #tpu.memory_space<vmem>>, vector<1x16xf32>,
          } else {
          }
          %slice3A_402 = vector.extract_strided_slice %get3A_331 {offsets = [10], sizes = [1], strides = [1]} : vector<16xi32> to vector<1xi32>
          %squeeze3A_403 = vector.extract %slice3A_402[0] : i32 from vector<1xi32>
          %eq3A_404 = arith.constant 0 : i32
          %eq3A_405 = arith.cmpi eq, %squeeze3A_403, %eq3A_404 : i32
          %convert_element_type3A_406 = arith.extui %eq3A_405 : i1 to i32
          %cond3A_407 = arith.constant 0 : i32
          %cond3A_408 = arith.cmpi ne, %convert_element_type3A_406, %cond3A_407 : i32
          scf.if %cond3A_408 {
            %mul3A_444 = arith.constant 16 : i32
            %mul3A_445 = arith.muli %scan3A_325, %mul3A_444 : i32
            %add3A_446 = arith.constant 10 : i32
            %add3A_447 = arith.addi %mul3A_445, %add3A_446 : i32
            %swap3A = arith.index_cast %add3A_447 : i32 to index
            %swap3A_448 = arith.constant 0 : index
            %swap3A_449 = tpu.vector_load %arg6[%swap3A, %swap3A_448] {strides = array<i32>} : memref<128x64xf32, #tpu.memory_space<vmem>>, vector<1x16xf32>,
            %swap3A_450 = vector.shape_cast %swap3A_449 : vector<1x16xf32> to vector<16xf32>
            %swap3A_451 = vector.shape_cast %broadcast_in_dim3A_318 : vector<16xf32> to vector<1x16xf32>
            tpu.vector_store %arg6[%swap3A, %swap3A_448], %swap3A_451 {strides = array<i32>} : memref<128x64xf32, #tpu.memory_space<vmem>>, vector<1x16xf32>,
            %swap3A_452 = arith.index_cast %add3A_447 : i32 to index
            %swap3A_453 = arith.constant 16 : index
            %swap3A_454 = tpu.vector_load %arg6[%swap3A_452, %swap3A_453] {strides = array<i32>} : memref<128x64xf32, #tpu.memory_space<vmem>>, vector<1x16xf32>,
            %swap3A_455 = vector.shape_cast %swap3A_454 : vector<1x16xf32> to vector<16xf32>
            %swap3A_456 = vector.shape_cast %broadcast_in_dim3A_318 : vector<16xf32> to vector<1x16xf32>
            tpu.vector_store %arg6[%swap3A_452, %swap3A_453], %swap3A_456 {strides = array<i32>} : memref<128x64xf32, #tpu.memory_space<vmem>>, vector<1x16xf32>,
            %swap3A_457 = arith.index_cast %add3A_447 : i32 to index
            %swap3A_458 = arith.constant 32 : index
            %swap3A_459 = tpu.vector_load %arg6[%swap3A_457, %swap3A_458] {strides = array<i32>} : memref<128x64xf32, #tpu.memory_space<vmem>>, vector<1x16xf32>,
            %swap3A_460 = vector.shape_cast %swap3A_459 : vector<1x16xf32> to vector<16xf32>
            %swap3A_461 = vector.shape_cast %broadcast_in_dim3A_318 : vector<16xf32> to vector<1x16xf32>
            tpu.vector_store %arg6[%swap3A_457, %swap3A_458], %swap3A_461 {strides = array<i32>} : memref<128x64xf32, #tpu.memory_space<vmem>>, vector<1x16xf32>,
            %swap3A_462 = arith.index_cast %add3A_447 : i32 to index
            %swap3A_463 = arith.constant 48 : index
            %swap3A_464 = tpu.vector_load %arg6[%swap3A_462, %swap3A_463] {strides = array<i32>} : memref<128x64xf32, #tpu.memory_space<vmem>>, vector<1x16xf32>,
            %swap3A_465 = vector.shape_cast %swap3A_464 : vector<1x16xf32> to vector<16xf32>
            %swap3A_466 = vector.shape_cast %broadcast_in_dim3A_318 : vector<16xf32> to vector<1x16xf32>
            tpu.vector_store %arg6[%swap3A_462, %swap3A_463], %swap3A_466 {strides = array<i32>} : memref<128x64xf32, #tpu.memory_space<vmem>>, vector<1x16xf32>,
          } else {
          }
          %slice3A_409 = vector.extract_strided_slice %get3A_331 {offsets = [11], sizes = [1], strides = [1]} : vector<16xi32> to vector<1xi32>
          %squeeze3A_410 = vector.extract %slice3A_409[0] : i32 from vector<1xi32>
          %eq3A_411 = arith.constant 0 : i32
          %eq3A_412 = arith.cmpi eq, %squeeze3A_410, %eq3A_411 : i32
          %convert_element_type3A_413 = arith.extui %eq3A_412 : i1 to i32
          %cond3A_414 = arith.constant 0 : i32
          %cond3A_415 = arith.cmpi ne, %convert_element_type3A_413, %cond3A_414 : i32
          scf.if %cond3A_415 {
            %mul3A_444 = arith.constant 16 : i32
            %mul3A_445 = arith.muli %scan3A_325, %mul3A_444 : i32
            %add3A_446 = arith.constant 11 : i32
            %add3A_447 = arith.addi %mul3A_445, %add3A_446 : i32
            %swap3A = arith.index_cast %add3A_447 : i32 to index
            %swap3A_448 = arith.constant 0 : index
            %swap3A_449 = tpu.vector_load %arg6[%swap3A, %swap3A_448] {strides = array<i32>} : memref<128x64xf32, #tpu.memory_space<vmem>>, vector<1x16xf32>,
            %swap3A_450 = vector.shape_cast %swap3A_449 : vector<1x16xf32> to vector<16xf32>
            %swap3A_451 = vector.shape_cast %broadcast_in_dim3A_318 : vector<16xf32> to vector<1x16xf32>
            tpu.vector_store %arg6[%swap3A, %swap3A_448], %swap3A_451 {strides = array<i32>} : memref<128x64xf32, #tpu.memory_space<vmem>>, vector<1x16xf32>,
            %swap3A_452 = arith.index_cast %add3A_447 : i32 to index
            %swap3A_453 = arith.constant 16 : index
            %swap3A_454 = tpu.vector_load %arg6[%swap3A_452, %swap3A_453] {strides = array<i32>} : memref<128x64xf32, #tpu.memory_space<vmem>>, vector<1x16xf32>,
            %swap3A_455 = vector.shape_cast %swap3A_454 : vector<1x16xf32> to vector<16xf32>
            %swap3A_456 = vector.shape_cast %broadcast_in_dim3A_318 : vector<16xf32> to vector<1x16xf32>
            tpu.vector_store %arg6[%swap3A_452, %swap3A_453], %swap3A_456 {strides = array<i32>} : memref<128x64xf32, #tpu.memory_space<vmem>>, vector<1x16xf32>,
            %swap3A_457 = arith.index_cast %add3A_447 : i32 to index
            %swap3A_458 = arith.constant 32 : index
            %swap3A_459 = tpu.vector_load %arg6[%swap3A_457, %swap3A_458] {strides = array<i32>} : memref<128x64xf32, #tpu.memory_space<vmem>>, vector<1x16xf32>,
            %swap3A_460 = vector.shape_cast %swap3A_459 : vector<1x16xf32> to vector<16xf32>
            %swap3A_461 = vector.shape_cast %broadcast_in_dim3A_318 : vector<16xf32> to vector<1x16xf32>
            tpu.vector_store %arg6[%swap3A_457, %swap3A_458], %swap3A_461 {strides = array<i32>} : memref<128x64xf32, #tpu.memory_space<vmem>>, vector<1x16xf32>,
            %swap3A_462 = arith.index_cast %add3A_447 : i32 to index
            %swap3A_463 = arith.constant 48 : index
            %swap3A_464 = tpu.vector_load %arg6[%swap3A_462, %swap3A_463] {strides = array<i32>} : memref<128x64xf32, #tpu.memory_space<vmem>>, vector<1x16xf32>,
            %swap3A_465 = vector.shape_cast %swap3A_464 : vector<1x16xf32> to vector<16xf32>
            %swap3A_466 = vector.shape_cast %broadcast_in_dim3A_318 : vector<16xf32> to vector<1x16xf32>
            tpu.vector_store %arg6[%swap3A_462, %swap3A_463], %swap3A_466 {strides = array<i32>} : memref<128x64xf32, #tpu.memory_space<vmem>>, vector<1x16xf32>,
          } else {
          }
          %slice3A_416 = vector.extract_strided_slice %get3A_331 {offsets = [12], sizes = [1], strides = [1]} : vector<16xi32> to vector<1xi32>
          %squeeze3A_417 = vector.extract %slice3A_416[0] : i32 from vector<1xi32>
          %eq3A_418 = arith.constant 0 : i32
          %eq3A_419 = arith.cmpi eq, %squeeze3A_417, %eq3A_418 : i32
          %convert_element_type3A_420 = arith.extui %eq3A_419 : i1 to i32
          %cond3A_421 = arith.constant 0 : i32
          %cond3A_422 = arith.cmpi ne, %convert_element_type3A_420, %cond3A_421 : i32
          scf.if %cond3A_422 {
            %mul3A_444 = arith.constant 16 : i32
            %mul3A_445 = arith.muli %scan3A_325, %mul3A_444 : i32
            %add3A_446 = arith.constant 12 : i32
            %add3A_447 = arith.addi %mul3A_445, %add3A_446 : i32
            %swap3A = arith.index_cast %add3A_447 : i32 to index
            %swap3A_448 = arith.constant 0 : index
            %swap3A_449 = tpu.vector_load %arg6[%swap3A, %swap3A_448] {strides = array<i32>} : memref<128x64xf32, #tpu.memory_space<vmem>>, vector<1x16xf32>,
            %swap3A_450 = vector.shape_cast %swap3A_449 : vector<1x16xf32> to vector<16xf32>
            %swap3A_451 = vector.shape_cast %broadcast_in_dim3A_318 : vector<16xf32> to vector<1x16xf32>
            tpu.vector_store %arg6[%swap3A, %swap3A_448], %swap3A_451 {strides = array<i32>} : memref<128x64xf32, #tpu.memory_space<vmem>>, vector<1x16xf32>,
            %swap3A_452 = arith.index_cast %add3A_447 : i32 to index
            %swap3A_453 = arith.constant 16 : index
            %swap3A_454 = tpu.vector_load %arg6[%swap3A_452, %swap3A_453] {strides = array<i32>} : memref<128x64xf32, #tpu.memory_space<vmem>>, vector<1x16xf32>,
            %swap3A_455 = vector.shape_cast %swap3A_454 : vector<1x16xf32> to vector<16xf32>
            %swap3A_456 = vector.shape_cast %broadcast_in_dim3A_318 : vector<16xf32> to vector<1x16xf32>
            tpu.vector_store %arg6[%swap3A_452, %swap3A_453], %swap3A_456 {strides = array<i32>} : memref<128x64xf32, #tpu.memory_space<vmem>>, vector<1x16xf32>,
            %swap3A_457 = arith.index_cast %add3A_447 : i32 to index
            %swap3A_458 = arith.constant 32 : index
            %swap3A_459 = tpu.vector_load %arg6[%swap3A_457, %swap3A_458] {strides = array<i32>} : memref<128x64xf32, #tpu.memory_space<vmem>>, vector<1x16xf32>,
            %swap3A_460 = vector.shape_cast %swap3A_459 : vector<1x16xf32> to vector<16xf32>
            %swap3A_461 = vector.shape_cast %broadcast_in_dim3A_318 : vector<16xf32> to vector<1x16xf32>
            tpu.vector_store %arg6[%swap3A_457, %swap3A_458], %swap3A_461 {strides = array<i32>} : memref<128x64xf32, #tpu.memory_space<vmem>>, vector<1x16xf32>,
            %swap3A_462 = arith.index_cast %add3A_447 : i32 to index
            %swap3A_463 = arith.constant 48 : index
            %swap3A_464 = tpu.vector_load %arg6[%swap3A_462, %swap3A_463] {strides = array<i32>} : memref<128x64xf32, #tpu.memory_space<vmem>>, vector<1x16xf32>,
            %swap3A_465 = vector.shape_cast %swap3A_464 : vector<1x16xf32> to vector<16xf32>
            %swap3A_466 = vector.shape_cast %broadcast_in_dim3A_318 : vector<16xf32> to vector<1x16xf32>
            tpu.vector_store %arg6[%swap3A_462, %swap3A_463], %swap3A_466 {strides = array<i32>} : memref<128x64xf32, #tpu.memory_space<vmem>>, vector<1x16xf32>,
          } else {
          }
          %slice3A_423 = vector.extract_strided_slice %get3A_331 {offsets = [13], sizes = [1], strides = [1]} : vector<16xi32> to vector<1xi32>
          %squeeze3A_424 = vector.extract %slice3A_423[0] : i32 from vector<1xi32>
          %eq3A_425 = arith.constant 0 : i32
          %eq3A_426 = arith.cmpi eq, %squeeze3A_424, %eq3A_425 : i32
          %convert_element_type3A_427 = arith.extui %eq3A_426 : i1 to i32
          %cond3A_428 = arith.constant 0 : i32
          %cond3A_429 = arith.cmpi ne, %convert_element_type3A_427, %cond3A_428 : i32
          scf.if %cond3A_429 {
            %mul3A_444 = arith.constant 16 : i32
            %mul3A_445 = arith.muli %scan3A_325, %mul3A_444 : i32
            %add3A_446 = arith.constant 13 : i32
            %add3A_447 = arith.addi %mul3A_445, %add3A_446 : i32
            %swap3A = arith.index_cast %add3A_447 : i32 to index
            %swap3A_448 = arith.constant 0 : index
            %swap3A_449 = tpu.vector_load %arg6[%swap3A, %swap3A_448] {strides = array<i32>} : memref<128x64xf32, #tpu.memory_space<vmem>>, vector<1x16xf32>,
            %swap3A_450 = vector.shape_cast %swap3A_449 : vector<1x16xf32> to vector<16xf32>
            %swap3A_451 = vector.shape_cast %broadcast_in_dim3A_318 : vector<16xf32> to vector<1x16xf32>
            tpu.vector_store %arg6[%swap3A, %swap3A_448], %swap3A_451 {strides = array<i32>} : memref<128x64xf32, #tpu.memory_space<vmem>>, vector<1x16xf32>,
            %swap3A_452 = arith.index_cast %add3A_447 : i32 to index
            %swap3A_453 = arith.constant 16 : index
            %swap3A_454 = tpu.vector_load %arg6[%swap3A_452, %swap3A_453] {strides = array<i32>} : memref<128x64xf32, #tpu.memory_space<vmem>>, vector<1x16xf32>,
            %swap3A_455 = vector.shape_cast %swap3A_454 : vector<1x16xf32> to vector<16xf32>
            %swap3A_456 = vector.shape_cast %broadcast_in_dim3A_318 : vector<16xf32> to vector<1x16xf32>
            tpu.vector_store %arg6[%swap3A_452, %swap3A_453], %swap3A_456 {strides = array<i32>} : memref<128x64xf32, #tpu.memory_space<vmem>>, vector<1x16xf32>,
            %swap3A_457 = arith.index_cast %add3A_447 : i32 to index
            %swap3A_458 = arith.constant 32 : index
            %swap3A_459 = tpu.vector_load %arg6[%swap3A_457, %swap3A_458] {strides = array<i32>} : memref<128x64xf32, #tpu.memory_space<vmem>>, vector<1x16xf32>,
            %swap3A_460 = vector.shape_cast %swap3A_459 : vector<1x16xf32> to vector<16xf32>
            %swap3A_461 = vector.shape_cast %broadcast_in_dim3A_318 : vector<16xf32> to vector<1x16xf32>
            tpu.vector_store %arg6[%swap3A_457, %swap3A_458], %swap3A_461 {strides = array<i32>} : memref<128x64xf32, #tpu.memory_space<vmem>>, vector<1x16xf32>,
            %swap3A_462 = arith.index_cast %add3A_447 : i32 to index
            %swap3A_463 = arith.constant 48 : index
            %swap3A_464 = tpu.vector_load %arg6[%swap3A_462, %swap3A_463] {strides = array<i32>} : memref<128x64xf32, #tpu.memory_space<vmem>>, vector<1x16xf32>,
            %swap3A_465 = vector.shape_cast %swap3A_464 : vector<1x16xf32> to vector<16xf32>
            %swap3A_466 = vector.shape_cast %broadcast_in_dim3A_318 : vector<16xf32> to vector<1x16xf32>
            tpu.vector_store %arg6[%swap3A_462, %swap3A_463], %swap3A_466 {strides = array<i32>} : memref<128x64xf32, #tpu.memory_space<vmem>>, vector<1x16xf32>,
          } else {
          }
          %slice3A_430 = vector.extract_strided_slice %get3A_331 {offsets = [14], sizes = [1], strides = [1]} : vector<16xi32> to vector<1xi32>
          %squeeze3A_431 = vector.extract %slice3A_430[0] : i32 from vector<1xi32>
          %eq3A_432 = arith.constant 0 : i32
          %eq3A_433 = arith.cmpi eq, %squeeze3A_431, %eq3A_432 : i32
          %convert_element_type3A_434 = arith.extui %eq3A_433 : i1 to i32
          %cond3A_435 = arith.constant 0 : i32
          %cond3A_436 = arith.cmpi ne, %convert_element_type3A_434, %cond3A_435 : i32
          scf.if %cond3A_436 {
            %mul3A_444 = arith.constant 16 : i32
            %mul3A_445 = arith.muli %scan3A_325, %mul3A_444 : i32
            %add3A_446 = arith.constant 14 : i32
            %add3A_447 = arith.addi %mul3A_445, %add3A_446 : i32
            %swap3A = arith.index_cast %add3A_447 : i32 to index
            %swap3A_448 = arith.constant 0 : index
            %swap3A_449 = tpu.vector_load %arg6[%swap3A, %swap3A_448] {strides = array<i32>} : memref<128x64xf32, #tpu.memory_space<vmem>>, vector<1x16xf32>,
            %swap3A_450 = vector.shape_cast %swap3A_449 : vector<1x16xf32> to vector<16xf32>
            %swap3A_451 = vector.shape_cast %broadcast_in_dim3A_318 : vector<16xf32> to vector<1x16xf32>
            tpu.vector_store %arg6[%swap3A, %swap3A_448], %swap3A_451 {strides = array<i32>} : memref<128x64xf32, #tpu.memory_space<vmem>>, vector<1x16xf32>,
            %swap3A_452 = arith.index_cast %add3A_447 : i32 to index
            %swap3A_453 = arith.constant 16 : index
            %swap3A_454 = tpu.vector_load %arg6[%swap3A_452, %swap3A_453] {strides = array<i32>} : memref<128x64xf32, #tpu.memory_space<vmem>>, vector<1x16xf32>,
            %swap3A_455 = vector.shape_cast %swap3A_454 : vector<1x16xf32> to vector<16xf32>
            %swap3A_456 = vector.shape_cast %broadcast_in_dim3A_318 : vector<16xf32> to vector<1x16xf32>
            tpu.vector_store %arg6[%swap3A_452, %swap3A_453], %swap3A_456 {strides = array<i32>} : memref<128x64xf32, #tpu.memory_space<vmem>>, vector<1x16xf32>,
            %swap3A_457 = arith.index_cast %add3A_447 : i32 to index
            %swap3A_458 = arith.constant 32 : index
            %swap3A_459 = tpu.vector_load %arg6[%swap3A_457, %swap3A_458] {strides = array<i32>} : memref<128x64xf32, #tpu.memory_space<vmem>>, vector<1x16xf32>,
            %swap3A_460 = vector.shape_cast %swap3A_459 : vector<1x16xf32> to vector<16xf32>
            %swap3A_461 = vector.shape_cast %broadcast_in_dim3A_318 : vector<16xf32> to vector<1x16xf32>
            tpu.vector_store %arg6[%swap3A_457, %swap3A_458], %swap3A_461 {strides = array<i32>} : memref<128x64xf32, #tpu.memory_space<vmem>>, vector<1x16xf32>,
            %swap3A_462 = arith.index_cast %add3A_447 : i32 to index
            %swap3A_463 = arith.constant 48 : index
            %swap3A_464 = tpu.vector_load %arg6[%swap3A_462, %swap3A_463] {strides = array<i32>} : memref<128x64xf32, #tpu.memory_space<vmem>>, vector<1x16xf32>,
            %swap3A_465 = vector.shape_cast %swap3A_464 : vector<1x16xf32> to vector<16xf32>
            %swap3A_466 = vector.shape_cast %broadcast_in_dim3A_318 : vector<16xf32> to vector<1x16xf32>
            tpu.vector_store %arg6[%swap3A_462, %swap3A_463], %swap3A_466 {strides = array<i32>} : memref<128x64xf32, #tpu.memory_space<vmem>>, vector<1x16xf32>,
          } else {
          }
          %slice3A_437 = vector.extract_strided_slice %get3A_331 {offsets = [15], sizes = [1], strides = [1]} : vector<16xi32> to vector<1xi32>
          %squeeze3A_438 = vector.extract %slice3A_437[0] : i32 from vector<1xi32>
          %eq3A_439 = arith.constant 0 : i32
          %eq3A_440 = arith.cmpi eq, %squeeze3A_438, %eq3A_439 : i32
          %convert_element_type3A_441 = arith.extui %eq3A_440 : i1 to i32
          %cond3A_442 = arith.constant 0 : i32
          %cond3A_443 = arith.cmpi ne, %convert_element_type3A_441, %cond3A_442 : i32
          scf.if %cond3A_443 {
            %mul3A_444 = arith.constant 16 : i32
            %mul3A_445 = arith.muli %scan3A_325, %mul3A_444 : i32
            %add3A_446 = arith.constant 15 : i32
            %add3A_447 = arith.addi %mul3A_445, %add3A_446 : i32
            %swap3A = arith.index_cast %add3A_447 : i32 to index
            %swap3A_448 = arith.constant 0 : index
            %swap3A_449 = tpu.vector_load %arg6[%swap3A, %swap3A_448] {strides = array<i32>} : memref<128x64xf32, #tpu.memory_space<vmem>>, vector<1x16xf32>,
            %swap3A_450 = vector.shape_cast %swap3A_449 : vector<1x16xf32> to vector<16xf32>
            %swap3A_451 = vector.shape_cast %broadcast_in_dim3A_318 : vector<16xf32> to vector<1x16xf32>
            tpu.vector_store %arg6[%swap3A, %swap3A_448], %swap3A_451 {strides = array<i32>} : memref<128x64xf32, #tpu.memory_space<vmem>>, vector<1x16xf32>,
            %swap3A_452 = arith.index_cast %add3A_447 : i32 to index
            %swap3A_453 = arith.constant 16 : index
            %swap3A_454 = tpu.vector_load %arg6[%swap3A_452, %swap3A_453] {strides = array<i32>} : memref<128x64xf32, #tpu.memory_space<vmem>>, vector<1x16xf32>,
            %swap3A_455 = vector.shape_cast %swap3A_454 : vector<1x16xf32> to vector<16xf32>
            %swap3A_456 = vector.shape_cast %broadcast_in_dim3A_318 : vector<16xf32> to vector<1x16xf32>
            tpu.vector_store %arg6[%swap3A_452, %swap3A_453], %swap3A_456 {strides = array<i32>} : memref<128x64xf32, #tpu.memory_space<vmem>>, vector<1x16xf32>,
            %swap3A_457 = arith.index_cast %add3A_447 : i32 to index
            %swap3A_458 = arith.constant 32 : index
            %swap3A_459 = tpu.vector_load %arg6[%swap3A_457, %swap3A_458] {strides = array<i32>} : memref<128x64xf32, #tpu.memory_space<vmem>>, vector<1x16xf32>,
            %swap3A_460 = vector.shape_cast %swap3A_459 : vector<1x16xf32> to vector<16xf32>
            %swap3A_461 = vector.shape_cast %broadcast_in_dim3A_318 : vector<16xf32> to vector<1x16xf32>
            tpu.vector_store %arg6[%swap3A_457, %swap3A_458], %swap3A_461 {strides = array<i32>} : memref<128x64xf32, #tpu.memory_space<vmem>>, vector<1x16xf32>,
            %swap3A_462 = arith.index_cast %add3A_447 : i32 to index
            %swap3A_463 = arith.constant 48 : index
            %swap3A_464 = tpu.vector_load %arg6[%swap3A_462, %swap3A_463] {strides = array<i32>} : memref<128x64xf32, #tpu.memory_space<vmem>>, vector<1x16xf32>,
            %swap3A_465 = vector.shape_cast %swap3A_464 : vector<1x16xf32> to vector<16xf32>
            %swap3A_466 = vector.shape_cast %broadcast_in_dim3A_318 : vector<16xf32> to vector<1x16xf32>
            tpu.vector_store %arg6[%swap3A_462, %swap3A_463], %swap3A_466 {strides = array<i32>} : memref<128x64xf32, #tpu.memory_space<vmem>>, vector<1x16xf32>,
          } else {
          }
        }
        %scan3A_324 = arith.constant 8 : i32
      } else {
      }
      %mul3A_159 = arith.constant 128 : i32
      %mul3A_160 = arith.muli %mul3A_29, %mul3A_159 : i32
      %add3A_161 = arith.addi %mul3A_4, %mul3A_160 : i32
      %dma_start3A_162 = arith.constant 0 : i32
      %dma_start3A_163 = tpu.memref_slice %arg4[%add3A_161, %dma_start3A_162] : memref<819200x128xf32, #tpu.memory_space<hbm>> -> memref<128x64xf32, #tpu.memory_space<hbm>>
      %dma_start3A_164 = arith.constant 0 : i32
      %dma_start3A_165 = tpu.memref_slice %arg4[%add3A_161, %dma_start3A_164] : memref<819200x128xf32, #tpu.memory_space<hbm>> -> memref<128x64xf32, #tpu.memory_space<hbm>>
      tpu.enqueue_dma source(%arg6 : memref<128x64xf32, #tpu.memory_space<vmem>>) target(%dma_start3A_165 : memref<128x64xf32, #tpu.memory_space<hbm>>) target_semaphore(%arg10 : memref<!tpu.dma_semaphore, #tpu.memory_space<semaphore_mem>>)
      %mul3A_166 = arith.constant 2 : i32
      %mul3A_167 = arith.muli %mul3A_166, %scan3A_27 : i32
      %add3A_168 = arith.constant 1 : i32
      %add3A_169 = arith.addi %mul3A_167, %add3A_168 : i32
      %add3A_170 = arith.constant 1 : i32
      %add3A_171 = arith.addi %add3A_169, %add3A_170 : i32
      %lt3A_172 = arith.constant 200 : i32
      %lt3A_173 = arith.cmpi slt, %add3A_171, %lt3A_172 : i32
      %convert_element_type3A_174 = arith.extui %lt3A_173 : i1 to i32
      %cond3A_175 = arith.constant 0 : i32
      %cond3A_176 = arith.cmpi ne, %convert_element_type3A_174, %cond3A_175 : i32
      scf.if %cond3A_176 {
        %ge3A = arith.constant 1 : i32
        %ge3A_317 = arith.cmpi sge, %add3A_169, %ge3A : i32
        %convert_element_type3A_318 = arith.extui %ge3A_317 : i1 to i32
        %cond3A_319 = arith.constant 0 : i32
        %cond3A_320 = arith.cmpi ne, %convert_element_type3A_318, %cond3A_319 : i32
        scf.if %cond3A_320 {
          %sub3A = arith.constant 1 : i32
          %sub3A_329 = arith.subi %add3A_169, %sub3A : i32
          %mul3A_330 = arith.constant 128 : i32
          %mul3A_331 = arith.muli %sub3A_329, %mul3A_330 : i32
          %add3A_332 = arith.addi %mul3A_4, %mul3A_331 : i32
          %dma_wait3A_333 = arith.constant 0 : i32
          %dma_wait3A_334 = tpu.memref_slice %arg4[%add3A_332, %dma_wait3A_333] : memref<819200x128xf32, #tpu.memory_space<hbm>> -> memref<128x64xf32, #tpu.memory_space<hbm>>
          %dma_wait3A_335 = arith.constant 0 : i32
          %dma_wait3A_336 = tpu.memref_slice %arg4[%add3A_332, %dma_wait3A_335] : memref<819200x128xf32, #tpu.memory_space<hbm>> -> memref<128x64xf32, #tpu.memory_space<hbm>>
          tpu.wait_dma2 semaphore(%arg10 : memref<!tpu.dma_semaphore, #tpu.memory_space<semaphore_mem>>) src(%arg6 : memref<128x64xf32, #tpu.memory_space<vmem>>) dst(%dma_wait3A_336 : memref<128x64xf32, #tpu.memory_space<hbm>>)
        } else {
        }
        %add3A_321 = arith.constant 1 : i32
        %add3A_322 = arith.addi %add3A_169, %add3A_321 : i32
        %dma_start3A_323 = arith.constant 0 : i32
        %dma_start3A_324 = tpu.memref_slice %arg5[%add3A_322, %dma_start3A_323] : memref<200x128xi32, #tpu.memory_space<vmem>> -> memref<1x128xi32, #tpu.memory_space<vmem>>
        %dma_start3A_325 = tpu.memref_squeeze %dma_start3A_324 : memref<1x128xi32, #tpu.memory_space<vmem>> -> memref<128xi32, #tpu.memory_space<vmem>>
        %dma_start3A_326 = arith.constant 0 : i32
        %dma_start3A_327 = arith.constant 0 : i32
        %dma_start3A_328 = tpu.memref_slice %arg3[%dma_start3A_326, %dma_start3A_327] : memref<2000000x64xf32, #tpu.memory_space<hbm>> -> memref<2000000x64xf32, #tpu.memory_space<hbm>>
        tpu.enqueue_indirect_dma source(%dma_start3A_328 : memref<2000000x64xf32, #tpu.memory_space<hbm>>) target(%arg6 : memref<128x64xf32, #tpu.memory_space<vmem>>) offsets(%dma_start3A_325 : memref<128xi32, #tpu.memory_space<vmem>>) semaphore(%arg8 : memref<!tpu.dma_semaphore, #tpu.memory_space<semaphore_mem>>)
      } else {
      }
      %dma_wait3A_177 = arith.constant 0 : i32
      %dma_wait3A_178 = tpu.memref_slice %arg5[%add3A_169, %dma_wait3A_177] : memref<200x128xi32, #tpu.memory_space<vmem>> -> memref<1x128xi32, #tpu.memory_space<vmem>>
      %dma_wait3A_179 = tpu.memref_squeeze %dma_wait3A_178 : memref<1x128xi32, #tpu.memory_space<vmem>> -> memref<128xi32, #tpu.memory_space<vmem>>
      %dma_wait3A_180 = arith.constant 0 : i32
      %dma_wait3A_181 = arith.constant 0 : i32
      %dma_wait3A_182 = tpu.memref_slice %arg3[%dma_wait3A_180, %dma_wait3A_181] : memref<2000000x64xf32, #tpu.memory_space<hbm>> -> memref<2000000x64xf32, #tpu.memory_space<hbm>>
      tpu.wait_indirect_dma semaphore(%arg9 : memref<!tpu.dma_semaphore, #tpu.memory_space<semaphore_mem>>) src(%dma_wait3A_182 : memref<2000000x64xf32, #tpu.memory_space<hbm>>) dst(%arg7 : memref<128x64xf32, #tpu.memory_space<vmem>>)
      %broadcast_in_dim3A_183 = arith.constant 1 : i32
      %broadcast_in_dim3A_184 = vector.broadcast %broadcast_in_dim3A_183 : i32 to vector<16xi32>
      %broadcast_in_dim3A_185 = arith.constant 0 : i32
      %broadcast_in_dim3A_186 = vector.broadcast %broadcast_in_dim3A_185 : i32 to vector<16xi32>
      %get3A_187 = arith.index_cast %add3A_169 : i32 to index
      %get3A_188 = arith.constant 0 : index
      %get3A_189 = tpu.vector_load %arg5[%get3A_187, %get3A_188] {strides = array<i32>} : memref<200x128xi32, #tpu.memory_space<vmem>>, vector<1x16xi32>,
      %get3A_190 = vector.shape_cast %get3A_189 : vector<1x16xi32> to vector<16xi32>
      %eq3A_191 = arith.constant 0 : i32
      %eq3A_192 = vector.broadcast %eq3A_191 : i32 to vector<16xi32>
      %eq3A_193 = arith.cmpi eq, %get3A_190, %eq3A_192 : vector<16xi32>
      %select_n3A_194 = arith.select %eq3A_193, %broadcast_in_dim3A_184, %broadcast_in_dim3A_186 : vector<16xi1>, vector<16xi32>
      %get3A_195 = arith.index_cast %add3A_169 : i32 to index
      %get3A_196 = arith.constant 16 : index
      %get3A_197 = tpu.vector_load %arg5[%get3A_195, %get3A_196] {strides = array<i32>} : memref<200x128xi32, #tpu.memory_space<vmem>>, vector<1x16xi32>,
      %get3A_198 = vector.shape_cast %get3A_197 : vector<1x16xi32> to vector<16xi32>
      %eq3A_199 = arith.constant 0 : i32
      %eq3A_200 = vector.broadcast %eq3A_199 : i32 to vector<16xi32>
      %eq3A_201 = arith.cmpi eq, %get3A_198, %eq3A_200 : vector<16xi32>
      %select_n3A_202 = arith.select %eq3A_201, %broadcast_in_dim3A_184, %broadcast_in_dim3A_186 : vector<16xi1>, vector<16xi32>
      %or3A_203 = arith.ori %select_n3A_194, %select_n3A_202 : vector<16xi32>
      %get3A_204 = arith.index_cast %add3A_169 : i32 to index
      %get3A_205 = arith.constant 32 : index
      %get3A_206 = tpu.vector_load %arg5[%get3A_204, %get3A_205] {strides = array<i32>} : memref<200x128xi32, #tpu.memory_space<vmem>>, vector<1x16xi32>,
      %get3A_207 = vector.shape_cast %get3A_206 : vector<1x16xi32> to vector<16xi32>
      %eq3A_208 = arith.constant 0 : i32
      %eq3A_209 = vector.broadcast %eq3A_208 : i32 to vector<16xi32>
      %eq3A_210 = arith.cmpi eq, %get3A_207, %eq3A_209 : vector<16xi32>
      %select_n3A_211 = arith.select %eq3A_210, %broadcast_in_dim3A_184, %broadcast_in_dim3A_186 : vector<16xi1>, vector<16xi32>
      %or3A_212 = arith.ori %or3A_203, %select_n3A_211 : vector<16xi32>
      %get3A_213 = arith.index_cast %add3A_169 : i32 to index
      %get3A_214 = arith.constant 48 : index
      %get3A_215 = tpu.vector_load %arg5[%get3A_213, %get3A_214] {strides = array<i32>} : memref<200x128xi32, #tpu.memory_space<vmem>>, vector<1x16xi32>,
      %get3A_216 = vector.shape_cast %get3A_215 : vector<1x16xi32> to vector<16xi32>
      %eq3A_217 = arith.constant 0 : i32
      %eq3A_218 = vector.broadcast %eq3A_217 : i32 to vector<16xi32>
      %eq3A_219 = arith.cmpi eq, %get3A_216, %eq3A_218 : vector<16xi32>
      %select_n3A_220 = arith.select %eq3A_219, %broadcast_in_dim3A_184, %broadcast_in_dim3A_186 : vector<16xi1>, vector<16xi32>
      %or3A_221 = arith.ori %or3A_212, %select_n3A_220 : vector<16xi32>
      %get3A_222 = arith.index_cast %add3A_169 : i32 to index
      %get3A_223 = arith.constant 64 : index
      %get3A_224 = tpu.vector_load %arg5[%get3A_222, %get3A_223] {strides = array<i32>} : memref<200x128xi32, #tpu.memory_space<vmem>>, vector<1x16xi32>,
      %get3A_225 = vector.shape_cast %get3A_224 : vector<1x16xi32> to vector<16xi32>
      %eq3A_226 = arith.constant 0 : i32
      %eq3A_227 = vector.broadcast %eq3A_226 : i32 to vector<16xi32>
      %eq3A_228 = arith.cmpi eq, %get3A_225, %eq3A_227 : vector<16xi32>
      %select_n3A_229 = arith.select %eq3A_228, %broadcast_in_dim3A_184, %broadcast_in_dim3A_186 : vector<16xi1>, vector<16xi32>
      %or3A_230 = arith.ori %or3A_221, %select_n3A_229 : vector<16xi32>
      %get3A_231 = arith.index_cast %add3A_169 : i32 to index
      %get3A_232 = arith.constant 80 : index
      %get3A_233 = tpu.vector_load %arg5[%get3A_231, %get3A_232] {strides = array<i32>} : memref<200x128xi32, #tpu.memory_space<vmem>>, vector<1x16xi32>,
      %get3A_234 = vector.shape_cast %get3A_233 : vector<1x16xi32> to vector<16xi32>
      %eq3A_235 = arith.constant 0 : i32
      %eq3A_236 = vector.broadcast %eq3A_235 : i32 to vector<16xi32>
      %eq3A_237 = arith.cmpi eq, %get3A_234, %eq3A_236 : vector<16xi32>
      %select_n3A_238 = arith.select %eq3A_237, %broadcast_in_dim3A_184, %broadcast_in_dim3A_186 : vector<16xi1>, vector<16xi32>
      %or3A_239 = arith.ori %or3A_230, %select_n3A_238 : vector<16xi32>
      %get3A_240 = arith.index_cast %add3A_169 : i32 to index
      %get3A_241 = arith.constant 96 : index
      %get3A_242 = tpu.vector_load %arg5[%get3A_240, %get3A_241] {strides = array<i32>} : memref<200x128xi32, #tpu.memory_space<vmem>>, vector<1x16xi32>,
      %get3A_243 = vector.shape_cast %get3A_242 : vector<1x16xi32> to vector<16xi32>
      %eq3A_244 = arith.constant 0 : i32
      %eq3A_245 = vector.broadcast %eq3A_244 : i32 to vector<16xi32>
      %eq3A_246 = arith.cmpi eq, %get3A_243, %eq3A_245 : vector<16xi32>
      %select_n3A_247 = arith.select %eq3A_246, %broadcast_in_dim3A_184, %broadcast_in_dim3A_186 : vector<16xi1>, vector<16xi32>
      %or3A_248 = arith.ori %or3A_239, %select_n3A_247 : vector<16xi32>
      %get3A_249 = arith.index_cast %add3A_169 : i32 to index
      %get3A_250 = arith.constant 112 : index
      %get3A_251 = tpu.vector_load %arg5[%get3A_249, %get3A_250] {strides = array<i32>} : memref<200x128xi32, #tpu.memory_space<vmem>>, vector<1x16xi32>,
      %get3A_252 = vector.shape_cast %get3A_251 : vector<1x16xi32> to vector<16xi32>
      %eq3A_253 = arith.constant 0 : i32
      %eq3A_254 = vector.broadcast %eq3A_253 : i32 to vector<16xi32>
      %eq3A_255 = arith.cmpi eq, %get3A_252, %eq3A_254 : vector<16xi32>
      %select_n3A_256 = arith.select %eq3A_255, %broadcast_in_dim3A_184, %broadcast_in_dim3A_186 : vector<16xi1>, vector<16xi32>
      %or3A_257 = arith.ori %or3A_248, %select_n3A_256 : vector<16xi32>
      %slice3A_258 = vector.extract_strided_slice %or3A_257 {offsets = [0], sizes = [1], strides = [1]} : vector<16xi32> to vector<1xi32>
      %squeeze3A_259 = vector.extract %slice3A_258[0] : i32 from vector<1xi32>
      %slice3A_260 = vector.extract_strided_slice %or3A_257 {offsets = [1], sizes = [1], strides = [1]} : vector<16xi32> to vector<1xi32>
      %squeeze3A_261 = vector.extract %slice3A_260[0] : i32 from vector<1xi32>
      %or3A_262 = arith.ori %squeeze3A_259, %squeeze3A_261 : i32
      %slice3A_263 = vector.extract_strided_slice %or3A_257 {offsets = [2], sizes = [1], strides = [1]} : vector<16xi32> to vector<1xi32>
      %squeeze3A_264 = vector.extract %slice3A_263[0] : i32 from vector<1xi32>
      %or3A_265 = arith.ori %or3A_262, %squeeze3A_264 : i32
      %slice3A_266 = vector.extract_strided_slice %or3A_257 {offsets = [3], sizes = [1], strides = [1]} : vector<16xi32> to vector<1xi32>
      %squeeze3A_267 = vector.extract %slice3A_266[0] : i32 from vector<1xi32>
      %or3A_268 = arith.ori %or3A_265, %squeeze3A_267 : i32
      %slice3A_269 = vector.extract_strided_slice %or3A_257 {offsets = [4], sizes = [1], strides = [1]} : vector<16xi32> to vector<1xi32>
      %squeeze3A_270 = vector.extract %slice3A_269[0] : i32 from vector<1xi32>
      %or3A_271 = arith.ori %or3A_268, %squeeze3A_270 : i32
      %slice3A_272 = vector.extract_strided_slice %or3A_257 {offsets = [5], sizes = [1], strides = [1]} : vector<16xi32> to vector<1xi32>
      %squeeze3A_273 = vector.extract %slice3A_272[0] : i32 from vector<1xi32>
      %or3A_274 = arith.ori %or3A_271, %squeeze3A_273 : i32
      %slice3A_275 = vector.extract_strided_slice %or3A_257 {offsets = [6], sizes = [1], strides = [1]} : vector<16xi32> to vector<1xi32>
      %squeeze3A_276 = vector.extract %slice3A_275[0] : i32 from vector<1xi32>
      %or3A_277 = arith.ori %or3A_274, %squeeze3A_276 : i32
      %slice3A_278 = vector.extract_strided_slice %or3A_257 {offsets = [7], sizes = [1], strides = [1]} : vector<16xi32> to vector<1xi32>
      %squeeze3A_279 = vector.extract %slice3A_278[0] : i32 from vector<1xi32>
      %or3A_280 = arith.ori %or3A_277, %squeeze3A_279 : i32
      %slice3A_281 = vector.extract_strided_slice %or3A_257 {offsets = [8], sizes = [1], strides = [1]} : vector<16xi32> to vector<1xi32>
      %squeeze3A_282 = vector.extract %slice3A_281[0] : i32 from vector<1xi32>
      %or3A_283 = arith.ori %or3A_280, %squeeze3A_282 : i32
      %slice3A_284 = vector.extract_strided_slice %or3A_257 {offsets = [9], sizes = [1], strides = [1]} : vector<16xi32> to vector<1xi32>
      %squeeze3A_285 = vector.extract %slice3A_284[0] : i32 from vector<1xi32>
      %or3A_286 = arith.ori %or3A_283, %squeeze3A_285 : i32
      %slice3A_287 = vector.extract_strided_slice %or3A_257 {offsets = [10], sizes = [1], strides = [1]} : vector<16xi32> to vector<1xi32>
      %squeeze3A_288 = vector.extract %slice3A_287[0] : i32 from vector<1xi32>
      %or3A_289 = arith.ori %or3A_286, %squeeze3A_288 : i32
      %slice3A_290 = vector.extract_strided_slice %or3A_257 {offsets = [11], sizes = [1], strides = [1]} : vector<16xi32> to vector<1xi32>
      %squeeze3A_291 = vector.extract %slice3A_290[0] : i32 from vector<1xi32>
      %or3A_292 = arith.ori %or3A_289, %squeeze3A_291 : i32
      %slice3A_293 = vector.extract_strided_slice %or3A_257 {offsets = [12], sizes = [1], strides = [1]} : vector<16xi32> to vector<1xi32>
      %squeeze3A_294 = vector.extract %slice3A_293[0] : i32 from vector<1xi32>
      %or3A_295 = arith.ori %or3A_292, %squeeze3A_294 : i32
      %slice3A_296 = vector.extract_strided_slice %or3A_257 {offsets = [13], sizes = [1], strides = [1]} : vector<16xi32> to vector<1xi32>
      %squeeze3A_297 = vector.extract %slice3A_296[0] : i32 from vector<1xi32>
      %or3A_298 = arith.ori %or3A_295, %squeeze3A_297 : i32
      %slice3A_299 = vector.extract_strided_slice %or3A_257 {offsets = [14], sizes = [1], strides = [1]} : vector<16xi32> to vector<1xi32>
      %squeeze3A_300 = vector.extract %slice3A_299[0] : i32 from vector<1xi32>
      %or3A_301 = arith.ori %or3A_298, %squeeze3A_300 : i32
      %slice3A_302 = vector.extract_strided_slice %or3A_257 {offsets = [15], sizes = [1], strides = [1]} : vector<16xi32> to vector<1xi32>
      %squeeze3A_303 = vector.extract %slice3A_302[0] : i32 from vector<1xi32>
      %or3A_304 = arith.ori %or3A_301, %squeeze3A_303 : i32
      %gt3A_305 = arith.constant 0 : i32
      %gt3A_306 = arith.cmpi sgt, %or3A_304, %gt3A_305 : i32
      %convert_element_type3A_307 = arith.extui %gt3A_306 : i1 to i32
      %cond3A_308 = arith.constant 0 : i32
      %cond3A_309 = arith.cmpi ne, %convert_element_type3A_307, %cond3A_308 : i32
      scf.if %cond3A_309 {
        %broadcast_in_dim3A_317 = arith.constant 0.000000e+00 : f32
        %broadcast_in_dim3A_318 = vector.broadcast %broadcast_in_dim3A_317 : f32 to vector<16xf32>
        %scan3A_319 = arith.constant 0 : i32
        %scan3A_320 = arith.constant 0 : i32
        %scan3A_321 = arith.constant 8 : i32
        %scan3A_322 = arith.addi %scan3A_320, %scan3A_321 : i32
        %scan3A_323 = arith.constant 1 : i32
        scf.for %scan3A_325 = %scan3A_320 to %scan3A_322 step %scan3A_323  : i32 {
          %mul3A_326 = arith.constant 16 : i32
          %mul3A_327 = arith.muli %scan3A_325, %mul3A_326 : i32
          %get3A_328 = arith.index_cast %add3A_169 : i32 to index
          %get3A_329 = arith.index_cast %mul3A_327 : i32 to index
          %get3A_330 = tpu.vector_load %arg5[%get3A_328, %get3A_329] {strides = array<i32>} : memref<200x128xi32, #tpu.memory_space<vmem>>, vector<1x16xi32>,
          %get3A_331 = vector.shape_cast %get3A_330 : vector<1x16xi32> to vector<16xi32>
          %slice3A_332 = vector.extract_strided_slice %get3A_331 {offsets = [0], sizes = [1], strides = [1]} : vector<16xi32> to vector<1xi32>
          %squeeze3A_333 = vector.extract %slice3A_332[0] : i32 from vector<1xi32>
          %eq3A_334 = arith.constant 0 : i32
          %eq3A_335 = arith.cmpi eq, %squeeze3A_333, %eq3A_334 : i32
          %convert_element_type3A_336 = arith.extui %eq3A_335 : i1 to i32
          %cond3A_337 = arith.constant 0 : i32
          %cond3A_338 = arith.cmpi ne, %convert_element_type3A_336, %cond3A_337 : i32
          scf.if %cond3A_338 {
            %mul3A_444 = arith.constant 16 : i32
            %mul3A_445 = arith.muli %scan3A_325, %mul3A_444 : i32
            %add3A_446 = arith.constant 0 : i32
            %add3A_447 = arith.addi %mul3A_445, %add3A_446 : i32
            %swap3A = arith.index_cast %add3A_447 : i32 to index
            %swap3A_448 = arith.constant 0 : index
            %swap3A_449 = tpu.vector_load %arg7[%swap3A, %swap3A_448] {strides = array<i32>} : memref<128x64xf32, #tpu.memory_space<vmem>>, vector<1x16xf32>,
            %swap3A_450 = vector.shape_cast %swap3A_449 : vector<1x16xf32> to vector<16xf32>
            %swap3A_451 = vector.shape_cast %broadcast_in_dim3A_318 : vector<16xf32> to vector<1x16xf32>
            tpu.vector_store %arg7[%swap3A, %swap3A_448], %swap3A_451 {strides = array<i32>} : memref<128x64xf32, #tpu.memory_space<vmem>>, vector<1x16xf32>,
            %swap3A_452 = arith.index_cast %add3A_447 : i32 to index
            %swap3A_453 = arith.constant 16 : index
            %swap3A_454 = tpu.vector_load %arg7[%swap3A_452, %swap3A_453] {strides = array<i32>} : memref<128x64xf32, #tpu.memory_space<vmem>>, vector<1x16xf32>,
            %swap3A_455 = vector.shape_cast %swap3A_454 : vector<1x16xf32> to vector<16xf32>
            %swap3A_456 = vector.shape_cast %broadcast_in_dim3A_318 : vector<16xf32> to vector<1x16xf32>
            tpu.vector_store %arg7[%swap3A_452, %swap3A_453], %swap3A_456 {strides = array<i32>} : memref<128x64xf32, #tpu.memory_space<vmem>>, vector<1x16xf32>,
            %swap3A_457 = arith.index_cast %add3A_447 : i32 to index
            %swap3A_458 = arith.constant 32 : index
            %swap3A_459 = tpu.vector_load %arg7[%swap3A_457, %swap3A_458] {strides = array<i32>} : memref<128x64xf32, #tpu.memory_space<vmem>>, vector<1x16xf32>,
            %swap3A_460 = vector.shape_cast %swap3A_459 : vector<1x16xf32> to vector<16xf32>
            %swap3A_461 = vector.shape_cast %broadcast_in_dim3A_318 : vector<16xf32> to vector<1x16xf32>
            tpu.vector_store %arg7[%swap3A_457, %swap3A_458], %swap3A_461 {strides = array<i32>} : memref<128x64xf32, #tpu.memory_space<vmem>>, vector<1x16xf32>,
            %swap3A_462 = arith.index_cast %add3A_447 : i32 to index
            %swap3A_463 = arith.constant 48 : index
            %swap3A_464 = tpu.vector_load %arg7[%swap3A_462, %swap3A_463] {strides = array<i32>} : memref<128x64xf32, #tpu.memory_space<vmem>>, vector<1x16xf32>,
            %swap3A_465 = vector.shape_cast %swap3A_464 : vector<1x16xf32> to vector<16xf32>
            %swap3A_466 = vector.shape_cast %broadcast_in_dim3A_318 : vector<16xf32> to vector<1x16xf32>
            tpu.vector_store %arg7[%swap3A_462, %swap3A_463], %swap3A_466 {strides = array<i32>} : memref<128x64xf32, #tpu.memory_space<vmem>>, vector<1x16xf32>,
          } else {
          }
          %slice3A_339 = vector.extract_strided_slice %get3A_331 {offsets = [1], sizes = [1], strides = [1]} : vector<16xi32> to vector<1xi32>
          %squeeze3A_340 = vector.extract %slice3A_339[0] : i32 from vector<1xi32>
          %eq3A_341 = arith.constant 0 : i32
          %eq3A_342 = arith.cmpi eq, %squeeze3A_340, %eq3A_341 : i32
          %convert_element_type3A_343 = arith.extui %eq3A_342 : i1 to i32
          %cond3A_344 = arith.constant 0 : i32
          %cond3A_345 = arith.cmpi ne, %convert_element_type3A_343, %cond3A_344 : i32
          scf.if %cond3A_345 {
            %mul3A_444 = arith.constant 16 : i32
            %mul3A_445 = arith.muli %scan3A_325, %mul3A_444 : i32
            %add3A_446 = arith.constant 1 : i32
            %add3A_447 = arith.addi %mul3A_445, %add3A_446 : i32
            %swap3A = arith.index_cast %add3A_447 : i32 to index
            %swap3A_448 = arith.constant 0 : index
            %swap3A_449 = tpu.vector_load %arg7[%swap3A, %swap3A_448] {strides = array<i32>} : memref<128x64xf32, #tpu.memory_space<vmem>>, vector<1x16xf32>,
            %swap3A_450 = vector.shape_cast %swap3A_449 : vector<1x16xf32> to vector<16xf32>
            %swap3A_451 = vector.shape_cast %broadcast_in_dim3A_318 : vector<16xf32> to vector<1x16xf32>
            tpu.vector_store %arg7[%swap3A, %swap3A_448], %swap3A_451 {strides = array<i32>} : memref<128x64xf32, #tpu.memory_space<vmem>>, vector<1x16xf32>,
            %swap3A_452 = arith.index_cast %add3A_447 : i32 to index
            %swap3A_453 = arith.constant 16 : index
            %swap3A_454 = tpu.vector_load %arg7[%swap3A_452, %swap3A_453] {strides = array<i32>} : memref<128x64xf32, #tpu.memory_space<vmem>>, vector<1x16xf32>,
            %swap3A_455 = vector.shape_cast %swap3A_454 : vector<1x16xf32> to vector<16xf32>
            %swap3A_456 = vector.shape_cast %broadcast_in_dim3A_318 : vector<16xf32> to vector<1x16xf32>
            tpu.vector_store %arg7[%swap3A_452, %swap3A_453], %swap3A_456 {strides = array<i32>} : memref<128x64xf32, #tpu.memory_space<vmem>>, vector<1x16xf32>,
            %swap3A_457 = arith.index_cast %add3A_447 : i32 to index
            %swap3A_458 = arith.constant 32 : index
            %swap3A_459 = tpu.vector_load %arg7[%swap3A_457, %swap3A_458] {strides = array<i32>} : memref<128x64xf32, #tpu.memory_space<vmem>>, vector<1x16xf32>,
            %swap3A_460 = vector.shape_cast %swap3A_459 : vector<1x16xf32> to vector<16xf32>
            %swap3A_461 = vector.shape_cast %broadcast_in_dim3A_318 : vector<16xf32> to vector<1x16xf32>
            tpu.vector_store %arg7[%swap3A_457, %swap3A_458], %swap3A_461 {strides = array<i32>} : memref<128x64xf32, #tpu.memory_space<vmem>>, vector<1x16xf32>,
            %swap3A_462 = arith.index_cast %add3A_447 : i32 to index
            %swap3A_463 = arith.constant 48 : index
            %swap3A_464 = tpu.vector_load %arg7[%swap3A_462, %swap3A_463] {strides = array<i32>} : memref<128x64xf32, #tpu.memory_space<vmem>>, vector<1x16xf32>,
            %swap3A_465 = vector.shape_cast %swap3A_464 : vector<1x16xf32> to vector<16xf32>
            %swap3A_466 = vector.shape_cast %broadcast_in_dim3A_318 : vector<16xf32> to vector<1x16xf32>
            tpu.vector_store %arg7[%swap3A_462, %swap3A_463], %swap3A_466 {strides = array<i32>} : memref<128x64xf32, #tpu.memory_space<vmem>>, vector<1x16xf32>,
          } else {
          }
          %slice3A_346 = vector.extract_strided_slice %get3A_331 {offsets = [2], sizes = [1], strides = [1]} : vector<16xi32> to vector<1xi32>
          %squeeze3A_347 = vector.extract %slice3A_346[0] : i32 from vector<1xi32>
          %eq3A_348 = arith.constant 0 : i32
          %eq3A_349 = arith.cmpi eq, %squeeze3A_347, %eq3A_348 : i32
          %convert_element_type3A_350 = arith.extui %eq3A_349 : i1 to i32
          %cond3A_351 = arith.constant 0 : i32
          %cond3A_352 = arith.cmpi ne, %convert_element_type3A_350, %cond3A_351 : i32
          scf.if %cond3A_352 {
            %mul3A_444 = arith.constant 16 : i32
            %mul3A_445 = arith.muli %scan3A_325, %mul3A_444 : i32
            %add3A_446 = arith.constant 2 : i32
            %add3A_447 = arith.addi %mul3A_445, %add3A_446 : i32
            %swap3A = arith.index_cast %add3A_447 : i32 to index
            %swap3A_448 = arith.constant 0 : index
            %swap3A_449 = tpu.vector_load %arg7[%swap3A, %swap3A_448] {strides = array<i32>} : memref<128x64xf32, #tpu.memory_space<vmem>>, vector<1x16xf32>,
            %swap3A_450 = vector.shape_cast %swap3A_449 : vector<1x16xf32> to vector<16xf32>
            %swap3A_451 = vector.shape_cast %broadcast_in_dim3A_318 : vector<16xf32> to vector<1x16xf32>
            tpu.vector_store %arg7[%swap3A, %swap3A_448], %swap3A_451 {strides = array<i32>} : memref<128x64xf32, #tpu.memory_space<vmem>>, vector<1x16xf32>,
            %swap3A_452 = arith.index_cast %add3A_447 : i32 to index
            %swap3A_453 = arith.constant 16 : index
            %swap3A_454 = tpu.vector_load %arg7[%swap3A_452, %swap3A_453] {strides = array<i32>} : memref<128x64xf32, #tpu.memory_space<vmem>>, vector<1x16xf32>,
            %swap3A_455 = vector.shape_cast %swap3A_454 : vector<1x16xf32> to vector<16xf32>
            %swap3A_456 = vector.shape_cast %broadcast_in_dim3A_318 : vector<16xf32> to vector<1x16xf32>
            tpu.vector_store %arg7[%swap3A_452, %swap3A_453], %swap3A_456 {strides = array<i32>} : memref<128x64xf32, #tpu.memory_space<vmem>>, vector<1x16xf32>,
            %swap3A_457 = arith.index_cast %add3A_447 : i32 to index
            %swap3A_458 = arith.constant 32 : index
            %swap3A_459 = tpu.vector_load %arg7[%swap3A_457, %swap3A_458] {strides = array<i32>} : memref<128x64xf32, #tpu.memory_space<vmem>>, vector<1x16xf32>,
            %swap3A_460 = vector.shape_cast %swap3A_459 : vector<1x16xf32> to vector<16xf32>
            %swap3A_461 = vector.shape_cast %broadcast_in_dim3A_318 : vector<16xf32> to vector<1x16xf32>
            tpu.vector_store %arg7[%swap3A_457, %swap3A_458], %swap3A_461 {strides = array<i32>} : memref<128x64xf32, #tpu.memory_space<vmem>>, vector<1x16xf32>,
            %swap3A_462 = arith.index_cast %add3A_447 : i32 to index
            %swap3A_463 = arith.constant 48 : index
            %swap3A_464 = tpu.vector_load %arg7[%swap3A_462, %swap3A_463] {strides = array<i32>} : memref<128x64xf32, #tpu.memory_space<vmem>>, vector<1x16xf32>,
            %swap3A_465 = vector.shape_cast %swap3A_464 : vector<1x16xf32> to vector<16xf32>
            %swap3A_466 = vector.shape_cast %broadcast_in_dim3A_318 : vector<16xf32> to vector<1x16xf32>
            tpu.vector_store %arg7[%swap3A_462, %swap3A_463], %swap3A_466 {strides = array<i32>} : memref<128x64xf32, #tpu.memory_space<vmem>>, vector<1x16xf32>,
          } else {
          }
          %slice3A_353 = vector.extract_strided_slice %get3A_331 {offsets = [3], sizes = [1], strides = [1]} : vector<16xi32> to vector<1xi32>
          %squeeze3A_354 = vector.extract %slice3A_353[0] : i32 from vector<1xi32>
          %eq3A_355 = arith.constant 0 : i32
          %eq3A_356 = arith.cmpi eq, %squeeze3A_354, %eq3A_355 : i32
          %convert_element_type3A_357 = arith.extui %eq3A_356 : i1 to i32
          %cond3A_358 = arith.constant 0 : i32
          %cond3A_359 = arith.cmpi ne, %convert_element_type3A_357, %cond3A_358 : i32
          scf.if %cond3A_359 {
            %mul3A_444 = arith.constant 16 : i32
            %mul3A_445 = arith.muli %scan3A_325, %mul3A_444 : i32
            %add3A_446 = arith.constant 3 : i32
            %add3A_447 = arith.addi %mul3A_445, %add3A_446 : i32
            %swap3A = arith.index_cast %add3A_447 : i32 to index
            %swap3A_448 = arith.constant 0 : index
            %swap3A_449 = tpu.vector_load %arg7[%swap3A, %swap3A_448] {strides = array<i32>} : memref<128x64xf32, #tpu.memory_space<vmem>>, vector<1x16xf32>,
            %swap3A_450 = vector.shape_cast %swap3A_449 : vector<1x16xf32> to vector<16xf32>
            %swap3A_451 = vector.shape_cast %broadcast_in_dim3A_318 : vector<16xf32> to vector<1x16xf32>
            tpu.vector_store %arg7[%swap3A, %swap3A_448], %swap3A_451 {strides = array<i32>} : memref<128x64xf32, #tpu.memory_space<vmem>>, vector<1x16xf32>,
            %swap3A_452 = arith.index_cast %add3A_447 : i32 to index
            %swap3A_453 = arith.constant 16 : index
            %swap3A_454 = tpu.vector_load %arg7[%swap3A_452, %swap3A_453] {strides = array<i32>} : memref<128x64xf32, #tpu.memory_space<vmem>>, vector<1x16xf32>,
            %swap3A_455 = vector.shape_cast %swap3A_454 : vector<1x16xf32> to vector<16xf32>
            %swap3A_456 = vector.shape_cast %broadcast_in_dim3A_318 : vector<16xf32> to vector<1x16xf32>
            tpu.vector_store %arg7[%swap3A_452, %swap3A_453], %swap3A_456 {strides = array<i32>} : memref<128x64xf32, #tpu.memory_space<vmem>>, vector<1x16xf32>,
            %swap3A_457 = arith.index_cast %add3A_447 : i32 to index
            %swap3A_458 = arith.constant 32 : index
            %swap3A_459 = tpu.vector_load %arg7[%swap3A_457, %swap3A_458] {strides = array<i32>} : memref<128x64xf32, #tpu.memory_space<vmem>>, vector<1x16xf32>,
            %swap3A_460 = vector.shape_cast %swap3A_459 : vector<1x16xf32> to vector<16xf32>
            %swap3A_461 = vector.shape_cast %broadcast_in_dim3A_318 : vector<16xf32> to vector<1x16xf32>
            tpu.vector_store %arg7[%swap3A_457, %swap3A_458], %swap3A_461 {strides = array<i32>} : memref<128x64xf32, #tpu.memory_space<vmem>>, vector<1x16xf32>,
            %swap3A_462 = arith.index_cast %add3A_447 : i32 to index
            %swap3A_463 = arith.constant 48 : index
            %swap3A_464 = tpu.vector_load %arg7[%swap3A_462, %swap3A_463] {strides = array<i32>} : memref<128x64xf32, #tpu.memory_space<vmem>>, vector<1x16xf32>,
            %swap3A_465 = vector.shape_cast %swap3A_464 : vector<1x16xf32> to vector<16xf32>
            %swap3A_466 = vector.shape_cast %broadcast_in_dim3A_318 : vector<16xf32> to vector<1x16xf32>
            tpu.vector_store %arg7[%swap3A_462, %swap3A_463], %swap3A_466 {strides = array<i32>} : memref<128x64xf32, #tpu.memory_space<vmem>>, vector<1x16xf32>,
          } else {
          }
          %slice3A_360 = vector.extract_strided_slice %get3A_331 {offsets = [4], sizes = [1], strides = [1]} : vector<16xi32> to vector<1xi32>
          %squeeze3A_361 = vector.extract %slice3A_360[0] : i32 from vector<1xi32>
          %eq3A_362 = arith.constant 0 : i32
          %eq3A_363 = arith.cmpi eq, %squeeze3A_361, %eq3A_362 : i32
          %convert_element_type3A_364 = arith.extui %eq3A_363 : i1 to i32
          %cond3A_365 = arith.constant 0 : i32
          %cond3A_366 = arith.cmpi ne, %convert_element_type3A_364, %cond3A_365 : i32
          scf.if %cond3A_366 {
            %mul3A_444 = arith.constant 16 : i32
            %mul3A_445 = arith.muli %scan3A_325, %mul3A_444 : i32
            %add3A_446 = arith.constant 4 : i32
            %add3A_447 = arith.addi %mul3A_445, %add3A_446 : i32
            %swap3A = arith.index_cast %add3A_447 : i32 to index
            %swap3A_448 = arith.constant 0 : index
            %swap3A_449 = tpu.vector_load %arg7[%swap3A, %swap3A_448] {strides = array<i32>} : memref<128x64xf32, #tpu.memory_space<vmem>>, vector<1x16xf32>,
            %swap3A_450 = vector.shape_cast %swap3A_449 : vector<1x16xf32> to vector<16xf32>
            %swap3A_451 = vector.shape_cast %broadcast_in_dim3A_318 : vector<16xf32> to vector<1x16xf32>
            tpu.vector_store %arg7[%swap3A, %swap3A_448], %swap3A_451 {strides = array<i32>} : memref<128x64xf32, #tpu.memory_space<vmem>>, vector<1x16xf32>,
            %swap3A_452 = arith.index_cast %add3A_447 : i32 to index
            %swap3A_453 = arith.constant 16 : index
            %swap3A_454 = tpu.vector_load %arg7[%swap3A_452, %swap3A_453] {strides = array<i32>} : memref<128x64xf32, #tpu.memory_space<vmem>>, vector<1x16xf32>,
            %swap3A_455 = vector.shape_cast %swap3A_454 : vector<1x16xf32> to vector<16xf32>
            %swap3A_456 = vector.shape_cast %broadcast_in_dim3A_318 : vector<16xf32> to vector<1x16xf32>
            tpu.vector_store %arg7[%swap3A_452, %swap3A_453], %swap3A_456 {strides = array<i32>} : memref<128x64xf32, #tpu.memory_space<vmem>>, vector<1x16xf32>,
            %swap3A_457 = arith.index_cast %add3A_447 : i32 to index
            %swap3A_458 = arith.constant 32 : index
            %swap3A_459 = tpu.vector_load %arg7[%swap3A_457, %swap3A_458] {strides = array<i32>} : memref<128x64xf32, #tpu.memory_space<vmem>>, vector<1x16xf32>,
            %swap3A_460 = vector.shape_cast %swap3A_459 : vector<1x16xf32> to vector<16xf32>
            %swap3A_461 = vector.shape_cast %broadcast_in_dim3A_318 : vector<16xf32> to vector<1x16xf32>
            tpu.vector_store %arg7[%swap3A_457, %swap3A_458], %swap3A_461 {strides = array<i32>} : memref<128x64xf32, #tpu.memory_space<vmem>>, vector<1x16xf32>,
            %swap3A_462 = arith.index_cast %add3A_447 : i32 to index
            %swap3A_463 = arith.constant 48 : index
            %swap3A_464 = tpu.vector_load %arg7[%swap3A_462, %swap3A_463] {strides = array<i32>} : memref<128x64xf32, #tpu.memory_space<vmem>>, vector<1x16xf32>,
            %swap3A_465 = vector.shape_cast %swap3A_464 : vector<1x16xf32> to vector<16xf32>
            %swap3A_466 = vector.shape_cast %broadcast_in_dim3A_318 : vector<16xf32> to vector<1x16xf32>
            tpu.vector_store %arg7[%swap3A_462, %swap3A_463], %swap3A_466 {strides = array<i32>} : memref<128x64xf32, #tpu.memory_space<vmem>>, vector<1x16xf32>,
          } else {
          }
          %slice3A_367 = vector.extract_strided_slice %get3A_331 {offsets = [5], sizes = [1], strides = [1]} : vector<16xi32> to vector<1xi32>
          %squeeze3A_368 = vector.extract %slice3A_367[0] : i32 from vector<1xi32>
          %eq3A_369 = arith.constant 0 : i32
          %eq3A_370 = arith.cmpi eq, %squeeze3A_368, %eq3A_369 : i32
          %convert_element_type3A_371 = arith.extui %eq3A_370 : i1 to i32
          %cond3A_372 = arith.constant 0 : i32
          %cond3A_373 = arith.cmpi ne, %convert_element_type3A_371, %cond3A_372 : i32
          scf.if %cond3A_373 {
            %mul3A_444 = arith.constant 16 : i32
            %mul3A_445 = arith.muli %scan3A_325, %mul3A_444 : i32
            %add3A_446 = arith.constant 5 : i32
            %add3A_447 = arith.addi %mul3A_445, %add3A_446 : i32
            %swap3A = arith.index_cast %add3A_447 : i32 to index
            %swap3A_448 = arith.constant 0 : index
            %swap3A_449 = tpu.vector_load %arg7[%swap3A, %swap3A_448] {strides = array<i32>} : memref<128x64xf32, #tpu.memory_space<vmem>>, vector<1x16xf32>,
            %swap3A_450 = vector.shape_cast %swap3A_449 : vector<1x16xf32> to vector<16xf32>
            %swap3A_451 = vector.shape_cast %broadcast_in_dim3A_318 : vector<16xf32> to vector<1x16xf32>
            tpu.vector_store %arg7[%swap3A, %swap3A_448], %swap3A_451 {strides = array<i32>} : memref<128x64xf32, #tpu.memory_space<vmem>>, vector<1x16xf32>,
            %swap3A_452 = arith.index_cast %add3A_447 : i32 to index
            %swap3A_453 = arith.constant 16 : index
            %swap3A_454 = tpu.vector_load %arg7[%swap3A_452, %swap3A_453] {strides = array<i32>} : memref<128x64xf32, #tpu.memory_space<vmem>>, vector<1x16xf32>,
            %swap3A_455 = vector.shape_cast %swap3A_454 : vector<1x16xf32> to vector<16xf32>
            %swap3A_456 = vector.shape_cast %broadcast_in_dim3A_318 : vector<16xf32> to vector<1x16xf32>
            tpu.vector_store %arg7[%swap3A_452, %swap3A_453], %swap3A_456 {strides = array<i32>} : memref<128x64xf32, #tpu.memory_space<vmem>>, vector<1x16xf32>,
            %swap3A_457 = arith.index_cast %add3A_447 : i32 to index
            %swap3A_458 = arith.constant 32 : index
            %swap3A_459 = tpu.vector_load %arg7[%swap3A_457, %swap3A_458] {strides = array<i32>} : memref<128x64xf32, #tpu.memory_space<vmem>>, vector<1x16xf32>,
            %swap3A_460 = vector.shape_cast %swap3A_459 : vector<1x16xf32> to vector<16xf32>
            %swap3A_461 = vector.shape_cast %broadcast_in_dim3A_318 : vector<16xf32> to vector<1x16xf32>
            tpu.vector_store %arg7[%swap3A_457, %swap3A_458], %swap3A_461 {strides = array<i32>} : memref<128x64xf32, #tpu.memory_space<vmem>>, vector<1x16xf32>,
            %swap3A_462 = arith.index_cast %add3A_447 : i32 to index
            %swap3A_463 = arith.constant 48 : index
            %swap3A_464 = tpu.vector_load %arg7[%swap3A_462, %swap3A_463] {strides = array<i32>} : memref<128x64xf32, #tpu.memory_space<vmem>>, vector<1x16xf32>,
            %swap3A_465 = vector.shape_cast %swap3A_464 : vector<1x16xf32> to vector<16xf32>
            %swap3A_466 = vector.shape_cast %broadcast_in_dim3A_318 : vector<16xf32> to vector<1x16xf32>
            tpu.vector_store %arg7[%swap3A_462, %swap3A_463], %swap3A_466 {strides = array<i32>} : memref<128x64xf32, #tpu.memory_space<vmem>>, vector<1x16xf32>,
          } else {
          }
          %slice3A_374 = vector.extract_strided_slice %get3A_331 {offsets = [6], sizes = [1], strides = [1]} : vector<16xi32> to vector<1xi32>
          %squeeze3A_375 = vector.extract %slice3A_374[0] : i32 from vector<1xi32>
          %eq3A_376 = arith.constant 0 : i32
          %eq3A_377 = arith.cmpi eq, %squeeze3A_375, %eq3A_376 : i32
          %convert_element_type3A_378 = arith.extui %eq3A_377 : i1 to i32
          %cond3A_379 = arith.constant 0 : i32
          %cond3A_380 = arith.cmpi ne, %convert_element_type3A_378, %cond3A_379 : i32
          scf.if %cond3A_380 {
            %mul3A_444 = arith.constant 16 : i32
            %mul3A_445 = arith.muli %scan3A_325, %mul3A_444 : i32
            %add3A_446 = arith.constant 6 : i32
            %add3A_447 = arith.addi %mul3A_445, %add3A_446 : i32
            %swap3A = arith.index_cast %add3A_447 : i32 to index
            %swap3A_448 = arith.constant 0 : index
            %swap3A_449 = tpu.vector_load %arg7[%swap3A, %swap3A_448] {strides = array<i32>} : memref<128x64xf32, #tpu.memory_space<vmem>>, vector<1x16xf32>,
            %swap3A_450 = vector.shape_cast %swap3A_449 : vector<1x16xf32> to vector<16xf32>
            %swap3A_451 = vector.shape_cast %broadcast_in_dim3A_318 : vector<16xf32> to vector<1x16xf32>
            tpu.vector_store %arg7[%swap3A, %swap3A_448], %swap3A_451 {strides = array<i32>} : memref<128x64xf32, #tpu.memory_space<vmem>>, vector<1x16xf32>,
            %swap3A_452 = arith.index_cast %add3A_447 : i32 to index
            %swap3A_453 = arith.constant 16 : index
            %swap3A_454 = tpu.vector_load %arg7[%swap3A_452, %swap3A_453] {strides = array<i32>} : memref<128x64xf32, #tpu.memory_space<vmem>>, vector<1x16xf32>,
            %swap3A_455 = vector.shape_cast %swap3A_454 : vector<1x16xf32> to vector<16xf32>
            %swap3A_456 = vector.shape_cast %broadcast_in_dim3A_318 : vector<16xf32> to vector<1x16xf32>
            tpu.vector_store %arg7[%swap3A_452, %swap3A_453], %swap3A_456 {strides = array<i32>} : memref<128x64xf32, #tpu.memory_space<vmem>>, vector<1x16xf32>,
            %swap3A_457 = arith.index_cast %add3A_447 : i32 to index
            %swap3A_458 = arith.constant 32 : index
            %swap3A_459 = tpu.vector_load %arg7[%swap3A_457, %swap3A_458] {strides = array<i32>} : memref<128x64xf32, #tpu.memory_space<vmem>>, vector<1x16xf32>,
            %swap3A_460 = vector.shape_cast %swap3A_459 : vector<1x16xf32> to vector<16xf32>
            %swap3A_461 = vector.shape_cast %broadcast_in_dim3A_318 : vector<16xf32> to vector<1x16xf32>
            tpu.vector_store %arg7[%swap3A_457, %swap3A_458], %swap3A_461 {strides = array<i32>} : memref<128x64xf32, #tpu.memory_space<vmem>>, vector<1x16xf32>,
            %swap3A_462 = arith.index_cast %add3A_447 : i32 to index
            %swap3A_463 = arith.constant 48 : index
            %swap3A_464 = tpu.vector_load %arg7[%swap3A_462, %swap3A_463] {strides = array<i32>} : memref<128x64xf32, #tpu.memory_space<vmem>>, vector<1x16xf32>,
            %swap3A_465 = vector.shape_cast %swap3A_464 : vector<1x16xf32> to vector<16xf32>
            %swap3A_466 = vector.shape_cast %broadcast_in_dim3A_318 : vector<16xf32> to vector<1x16xf32>
            tpu.vector_store %arg7[%swap3A_462, %swap3A_463], %swap3A_466 {strides = array<i32>} : memref<128x64xf32, #tpu.memory_space<vmem>>, vector<1x16xf32>,
          } else {
          }
          %slice3A_381 = vector.extract_strided_slice %get3A_331 {offsets = [7], sizes = [1], strides = [1]} : vector<16xi32> to vector<1xi32>
          %squeeze3A_382 = vector.extract %slice3A_381[0] : i32 from vector<1xi32>
          %eq3A_383 = arith.constant 0 : i32
          %eq3A_384 = arith.cmpi eq, %squeeze3A_382, %eq3A_383 : i32
          %convert_element_type3A_385 = arith.extui %eq3A_384 : i1 to i32
          %cond3A_386 = arith.constant 0 : i32
          %cond3A_387 = arith.cmpi ne, %convert_element_type3A_385, %cond3A_386 : i32
          scf.if %cond3A_387 {
            %mul3A_444 = arith.constant 16 : i32
            %mul3A_445 = arith.muli %scan3A_325, %mul3A_444 : i32
            %add3A_446 = arith.constant 7 : i32
            %add3A_447 = arith.addi %mul3A_445, %add3A_446 : i32
            %swap3A = arith.index_cast %add3A_447 : i32 to index
            %swap3A_448 = arith.constant 0 : index
            %swap3A_449 = tpu.vector_load %arg7[%swap3A, %swap3A_448] {strides = array<i32>} : memref<128x64xf32, #tpu.memory_space<vmem>>, vector<1x16xf32>,
            %swap3A_450 = vector.shape_cast %swap3A_449 : vector<1x16xf32> to vector<16xf32>
            %swap3A_451 = vector.shape_cast %broadcast_in_dim3A_318 : vector<16xf32> to vector<1x16xf32>
            tpu.vector_store %arg7[%swap3A, %swap3A_448], %swap3A_451 {strides = array<i32>} : memref<128x64xf32, #tpu.memory_space<vmem>>, vector<1x16xf32>,
            %swap3A_452 = arith.index_cast %add3A_447 : i32 to index
            %swap3A_453 = arith.constant 16 : index
            %swap3A_454 = tpu.vector_load %arg7[%swap3A_452, %swap3A_453] {strides = array<i32>} : memref<128x64xf32, #tpu.memory_space<vmem>>, vector<1x16xf32>,
            %swap3A_455 = vector.shape_cast %swap3A_454 : vector<1x16xf32> to vector<16xf32>
            %swap3A_456 = vector.shape_cast %broadcast_in_dim3A_318 : vector<16xf32> to vector<1x16xf32>
            tpu.vector_store %arg7[%swap3A_452, %swap3A_453], %swap3A_456 {strides = array<i32>} : memref<128x64xf32, #tpu.memory_space<vmem>>, vector<1x16xf32>,
            %swap3A_457 = arith.index_cast %add3A_447 : i32 to index
            %swap3A_458 = arith.constant 32 : index
            %swap3A_459 = tpu.vector_load %arg7[%swap3A_457, %swap3A_458] {strides = array<i32>} : memref<128x64xf32, #tpu.memory_space<vmem>>, vector<1x16xf32>,
            %swap3A_460 = vector.shape_cast %swap3A_459 : vector<1x16xf32> to vector<16xf32>
            %swap3A_461 = vector.shape_cast %broadcast_in_dim3A_318 : vector<16xf32> to vector<1x16xf32>
            tpu.vector_store %arg7[%swap3A_457, %swap3A_458], %swap3A_461 {strides = array<i32>} : memref<128x64xf32, #tpu.memory_space<vmem>>, vector<1x16xf32>,
            %swap3A_462 = arith.index_cast %add3A_447 : i32 to index
            %swap3A_463 = arith.constant 48 : index
            %swap3A_464 = tpu.vector_load %arg7[%swap3A_462, %swap3A_463] {strides = array<i32>} : memref<128x64xf32, #tpu.memory_space<vmem>>, vector<1x16xf32>,
            %swap3A_465 = vector.shape_cast %swap3A_464 : vector<1x16xf32> to vector<16xf32>
            %swap3A_466 = vector.shape_cast %broadcast_in_dim3A_318 : vector<16xf32> to vector<1x16xf32>
            tpu.vector_store %arg7[%swap3A_462, %swap3A_463], %swap3A_466 {strides = array<i32>} : memref<128x64xf32, #tpu.memory_space<vmem>>, vector<1x16xf32>,
          } else {
          }
          %slice3A_388 = vector.extract_strided_slice %get3A_331 {offsets = [8], sizes = [1], strides = [1]} : vector<16xi32> to vector<1xi32>
          %squeeze3A_389 = vector.extract %slice3A_388[0] : i32 from vector<1xi32>
          %eq3A_390 = arith.constant 0 : i32
          %eq3A_391 = arith.cmpi eq, %squeeze3A_389, %eq3A_390 : i32
          %convert_element_type3A_392 = arith.extui %eq3A_391 : i1 to i32
          %cond3A_393 = arith.constant 0 : i32
          %cond3A_394 = arith.cmpi ne, %convert_element_type3A_392, %cond3A_393 : i32
          scf.if %cond3A_394 {
            %mul3A_444 = arith.constant 16 : i32
            %mul3A_445 = arith.muli %scan3A_325, %mul3A_444 : i32
            %add3A_446 = arith.constant 8 : i32
            %add3A_447 = arith.addi %mul3A_445, %add3A_446 : i32
            %swap3A = arith.index_cast %add3A_447 : i32 to index
            %swap3A_448 = arith.constant 0 : index
            %swap3A_449 = tpu.vector_load %arg7[%swap3A, %swap3A_448] {strides = array<i32>} : memref<128x64xf32, #tpu.memory_space<vmem>>, vector<1x16xf32>,
            %swap3A_450 = vector.shape_cast %swap3A_449 : vector<1x16xf32> to vector<16xf32>
            %swap3A_451 = vector.shape_cast %broadcast_in_dim3A_318 : vector<16xf32> to vector<1x16xf32>
            tpu.vector_store %arg7[%swap3A, %swap3A_448], %swap3A_451 {strides = array<i32>} : memref<128x64xf32, #tpu.memory_space<vmem>>, vector<1x16xf32>,
            %swap3A_452 = arith.index_cast %add3A_447 : i32 to index
            %swap3A_453 = arith.constant 16 : index
            %swap3A_454 = tpu.vector_load %arg7[%swap3A_452, %swap3A_453] {strides = array<i32>} : memref<128x64xf32, #tpu.memory_space<vmem>>, vector<1x16xf32>,
            %swap3A_455 = vector.shape_cast %swap3A_454 : vector<1x16xf32> to vector<16xf32>
            %swap3A_456 = vector.shape_cast %broadcast_in_dim3A_318 : vector<16xf32> to vector<1x16xf32>
            tpu.vector_store %arg7[%swap3A_452, %swap3A_453], %swap3A_456 {strides = array<i32>} : memref<128x64xf32, #tpu.memory_space<vmem>>, vector<1x16xf32>,
            %swap3A_457 = arith.index_cast %add3A_447 : i32 to index
            %swap3A_458 = arith.constant 32 : index
            %swap3A_459 = tpu.vector_load %arg7[%swap3A_457, %swap3A_458] {strides = array<i32>} : memref<128x64xf32, #tpu.memory_space<vmem>>, vector<1x16xf32>,
            %swap3A_460 = vector.shape_cast %swap3A_459 : vector<1x16xf32> to vector<16xf32>
            %swap3A_461 = vector.shape_cast %broadcast_in_dim3A_318 : vector<16xf32> to vector<1x16xf32>
            tpu.vector_store %arg7[%swap3A_457, %swap3A_458], %swap3A_461 {strides = array<i32>} : memref<128x64xf32, #tpu.memory_space<vmem>>, vector<1x16xf32>,
            %swap3A_462 = arith.index_cast %add3A_447 : i32 to index
            %swap3A_463 = arith.constant 48 : index
            %swap3A_464 = tpu.vector_load %arg7[%swap3A_462, %swap3A_463] {strides = array<i32>} : memref<128x64xf32, #tpu.memory_space<vmem>>, vector<1x16xf32>,
            %swap3A_465 = vector.shape_cast %swap3A_464 : vector<1x16xf32> to vector<16xf32>
            %swap3A_466 = vector.shape_cast %broadcast_in_dim3A_318 : vector<16xf32> to vector<1x16xf32>
            tpu.vector_store %arg7[%swap3A_462, %swap3A_463], %swap3A_466 {strides = array<i32>} : memref<128x64xf32, #tpu.memory_space<vmem>>, vector<1x16xf32>,
          } else {
          }
          %slice3A_395 = vector.extract_strided_slice %get3A_331 {offsets = [9], sizes = [1], strides = [1]} : vector<16xi32> to vector<1xi32>
          %squeeze3A_396 = vector.extract %slice3A_395[0] : i32 from vector<1xi32>
          %eq3A_397 = arith.constant 0 : i32
          %eq3A_398 = arith.cmpi eq, %squeeze3A_396, %eq3A_397 : i32
          %convert_element_type3A_399 = arith.extui %eq3A_398 : i1 to i32
          %cond3A_400 = arith.constant 0 : i32
          %cond3A_401 = arith.cmpi ne, %convert_element_type3A_399, %cond3A_400 : i32
          scf.if %cond3A_401 {
            %mul3A_444 = arith.constant 16 : i32
            %mul3A_445 = arith.muli %scan3A_325, %mul3A_444 : i32
            %add3A_446 = arith.constant 9 : i32
            %add3A_447 = arith.addi %mul3A_445, %add3A_446 : i32
            %swap3A = arith.index_cast %add3A_447 : i32 to index
            %swap3A_448 = arith.constant 0 : index
            %swap3A_449 = tpu.vector_load %arg7[%swap3A, %swap3A_448] {strides = array<i32>} : memref<128x64xf32, #tpu.memory_space<vmem>>, vector<1x16xf32>,
            %swap3A_450 = vector.shape_cast %swap3A_449 : vector<1x16xf32> to vector<16xf32>
            %swap3A_451 = vector.shape_cast %broadcast_in_dim3A_318 : vector<16xf32> to vector<1x16xf32>
            tpu.vector_store %arg7[%swap3A, %swap3A_448], %swap3A_451 {strides = array<i32>} : memref<128x64xf32, #tpu.memory_space<vmem>>, vector<1x16xf32>,
            %swap3A_452 = arith.index_cast %add3A_447 : i32 to index
            %swap3A_453 = arith.constant 16 : index
            %swap3A_454 = tpu.vector_load %arg7[%swap3A_452, %swap3A_453] {strides = array<i32>} : memref<128x64xf32, #tpu.memory_space<vmem>>, vector<1x16xf32>,
            %swap3A_455 = vector.shape_cast %swap3A_454 : vector<1x16xf32> to vector<16xf32>
            %swap3A_456 = vector.shape_cast %broadcast_in_dim3A_318 : vector<16xf32> to vector<1x16xf32>
            tpu.vector_store %arg7[%swap3A_452, %swap3A_453], %swap3A_456 {strides = array<i32>} : memref<128x64xf32, #tpu.memory_space<vmem>>, vector<1x16xf32>,
            %swap3A_457 = arith.index_cast %add3A_447 : i32 to index
            %swap3A_458 = arith.constant 32 : index
            %swap3A_459 = tpu.vector_load %arg7[%swap3A_457, %swap3A_458] {strides = array<i32>} : memref<128x64xf32, #tpu.memory_space<vmem>>, vector<1x16xf32>,
            %swap3A_460 = vector.shape_cast %swap3A_459 : vector<1x16xf32> to vector<16xf32>
            %swap3A_461 = vector.shape_cast %broadcast_in_dim3A_318 : vector<16xf32> to vector<1x16xf32>
            tpu.vector_store %arg7[%swap3A_457, %swap3A_458], %swap3A_461 {strides = array<i32>} : memref<128x64xf32, #tpu.memory_space<vmem>>, vector<1x16xf32>,
            %swap3A_462 = arith.index_cast %add3A_447 : i32 to index
            %swap3A_463 = arith.constant 48 : index
            %swap3A_464 = tpu.vector_load %arg7[%swap3A_462, %swap3A_463] {strides = array<i32>} : memref<128x64xf32, #tpu.memory_space<vmem>>, vector<1x16xf32>,
            %swap3A_465 = vector.shape_cast %swap3A_464 : vector<1x16xf32> to vector<16xf32>
            %swap3A_466 = vector.shape_cast %broadcast_in_dim3A_318 : vector<16xf32> to vector<1x16xf32>
            tpu.vector_store %arg7[%swap3A_462, %swap3A_463], %swap3A_466 {strides = array<i32>} : memref<128x64xf32, #tpu.memory_space<vmem>>, vector<1x16xf32>,
          } else {
          }
          %slice3A_402 = vector.extract_strided_slice %get3A_331 {offsets = [10], sizes = [1], strides = [1]} : vector<16xi32> to vector<1xi32>
          %squeeze3A_403 = vector.extract %slice3A_402[0] : i32 from vector<1xi32>
          %eq3A_404 = arith.constant 0 : i32
          %eq3A_405 = arith.cmpi eq, %squeeze3A_403, %eq3A_404 : i32
          %convert_element_type3A_406 = arith.extui %eq3A_405 : i1 to i32
          %cond3A_407 = arith.constant 0 : i32
          %cond3A_408 = arith.cmpi ne, %convert_element_type3A_406, %cond3A_407 : i32
          scf.if %cond3A_408 {
            %mul3A_444 = arith.constant 16 : i32
            %mul3A_445 = arith.muli %scan3A_325, %mul3A_444 : i32
            %add3A_446 = arith.constant 10 : i32
            %add3A_447 = arith.addi %mul3A_445, %add3A_446 : i32
            %swap3A = arith.index_cast %add3A_447 : i32 to index
            %swap3A_448 = arith.constant 0 : index
            %swap3A_449 = tpu.vector_load %arg7[%swap3A, %swap3A_448] {strides = array<i32>} : memref<128x64xf32, #tpu.memory_space<vmem>>, vector<1x16xf32>,
            %swap3A_450 = vector.shape_cast %swap3A_449 : vector<1x16xf32> to vector<16xf32>
            %swap3A_451 = vector.shape_cast %broadcast_in_dim3A_318 : vector<16xf32> to vector<1x16xf32>
            tpu.vector_store %arg7[%swap3A, %swap3A_448], %swap3A_451 {strides = array<i32>} : memref<128x64xf32, #tpu.memory_space<vmem>>, vector<1x16xf32>,
            %swap3A_452 = arith.index_cast %add3A_447 : i32 to index
            %swap3A_453 = arith.constant 16 : index
            %swap3A_454 = tpu.vector_load %arg7[%swap3A_452, %swap3A_453] {strides = array<i32>} : memref<128x64xf32, #tpu.memory_space<vmem>>, vector<1x16xf32>,
            %swap3A_455 = vector.shape_cast %swap3A_454 : vector<1x16xf32> to vector<16xf32>
            %swap3A_456 = vector.shape_cast %broadcast_in_dim3A_318 : vector<16xf32> to vector<1x16xf32>
            tpu.vector_store %arg7[%swap3A_452, %swap3A_453], %swap3A_456 {strides = array<i32>} : memref<128x64xf32, #tpu.memory_space<vmem>>, vector<1x16xf32>,
            %swap3A_457 = arith.index_cast %add3A_447 : i32 to index
            %swap3A_458 = arith.constant 32 : index
            %swap3A_459 = tpu.vector_load %arg7[%swap3A_457, %swap3A_458] {strides = array<i32>} : memref<128x64xf32, #tpu.memory_space<vmem>>, vector<1x16xf32>,
            %swap3A_460 = vector.shape_cast %swap3A_459 : vector<1x16xf32> to vector<16xf32>
            %swap3A_461 = vector.shape_cast %broadcast_in_dim3A_318 : vector<16xf32> to vector<1x16xf32>
            tpu.vector_store %arg7[%swap3A_457, %swap3A_458], %swap3A_461 {strides = array<i32>} : memref<128x64xf32, #tpu.memory_space<vmem>>, vector<1x16xf32>,
            %swap3A_462 = arith.index_cast %add3A_447 : i32 to index
            %swap3A_463 = arith.constant 48 : index
            %swap3A_464 = tpu.vector_load %arg7[%swap3A_462, %swap3A_463] {strides = array<i32>} : memref<128x64xf32, #tpu.memory_space<vmem>>, vector<1x16xf32>,
            %swap3A_465 = vector.shape_cast %swap3A_464 : vector<1x16xf32> to vector<16xf32>
            %swap3A_466 = vector.shape_cast %broadcast_in_dim3A_318 : vector<16xf32> to vector<1x16xf32>
            tpu.vector_store %arg7[%swap3A_462, %swap3A_463], %swap3A_466 {strides = array<i32>} : memref<128x64xf32, #tpu.memory_space<vmem>>, vector<1x16xf32>,
          } else {
          }
          %slice3A_409 = vector.extract_strided_slice %get3A_331 {offsets = [11], sizes = [1], strides = [1]} : vector<16xi32> to vector<1xi32>
          %squeeze3A_410 = vector.extract %slice3A_409[0] : i32 from vector<1xi32>
          %eq3A_411 = arith.constant 0 : i32
          %eq3A_412 = arith.cmpi eq, %squeeze3A_410, %eq3A_411 : i32
          %convert_element_type3A_413 = arith.extui %eq3A_412 : i1 to i32
          %cond3A_414 = arith.constant 0 : i32
          %cond3A_415 = arith.cmpi ne, %convert_element_type3A_413, %cond3A_414 : i32
          scf.if %cond3A_415 {
            %mul3A_444 = arith.constant 16 : i32
            %mul3A_445 = arith.muli %scan3A_325, %mul3A_444 : i32
            %add3A_446 = arith.constant 11 : i32
            %add3A_447 = arith.addi %mul3A_445, %add3A_446 : i32
            %swap3A = arith.index_cast %add3A_447 : i32 to index
            %swap3A_448 = arith.constant 0 : index
            %swap3A_449 = tpu.vector_load %arg7[%swap3A, %swap3A_448] {strides = array<i32>} : memref<128x64xf32, #tpu.memory_space<vmem>>, vector<1x16xf32>,
            %swap3A_450 = vector.shape_cast %swap3A_449 : vector<1x16xf32> to vector<16xf32>
            %swap3A_451 = vector.shape_cast %broadcast_in_dim3A_318 : vector<16xf32> to vector<1x16xf32>
            tpu.vector_store %arg7[%swap3A, %swap3A_448], %swap3A_451 {strides = array<i32>} : memref<128x64xf32, #tpu.memory_space<vmem>>, vector<1x16xf32>,
            %swap3A_452 = arith.index_cast %add3A_447 : i32 to index
            %swap3A_453 = arith.constant 16 : index
            %swap3A_454 = tpu.vector_load %arg7[%swap3A_452, %swap3A_453] {strides = array<i32>} : memref<128x64xf32, #tpu.memory_space<vmem>>, vector<1x16xf32>,
            %swap3A_455 = vector.shape_cast %swap3A_454 : vector<1x16xf32> to vector<16xf32>
            %swap3A_456 = vector.shape_cast %broadcast_in_dim3A_318 : vector<16xf32> to vector<1x16xf32>
            tpu.vector_store %arg7[%swap3A_452, %swap3A_453], %swap3A_456 {strides = array<i32>} : memref<128x64xf32, #tpu.memory_space<vmem>>, vector<1x16xf32>,
            %swap3A_457 = arith.index_cast %add3A_447 : i32 to index
            %swap3A_458 = arith.constant 32 : index
            %swap3A_459 = tpu.vector_load %arg7[%swap3A_457, %swap3A_458] {strides = array<i32>} : memref<128x64xf32, #tpu.memory_space<vmem>>, vector<1x16xf32>,
            %swap3A_460 = vector.shape_cast %swap3A_459 : vector<1x16xf32> to vector<16xf32>
            %swap3A_461 = vector.shape_cast %broadcast_in_dim3A_318 : vector<16xf32> to vector<1x16xf32>
            tpu.vector_store %arg7[%swap3A_457, %swap3A_458], %swap3A_461 {strides = array<i32>} : memref<128x64xf32, #tpu.memory_space<vmem>>, vector<1x16xf32>,
            %swap3A_462 = arith.index_cast %add3A_447 : i32 to index
            %swap3A_463 = arith.constant 48 : index
            %swap3A_464 = tpu.vector_load %arg7[%swap3A_462, %swap3A_463] {strides = array<i32>} : memref<128x64xf32, #tpu.memory_space<vmem>>, vector<1x16xf32>,
            %swap3A_465 = vector.shape_cast %swap3A_464 : vector<1x16xf32> to vector<16xf32>
            %swap3A_466 = vector.shape_cast %broadcast_in_dim3A_318 : vector<16xf32> to vector<1x16xf32>
            tpu.vector_store %arg7[%swap3A_462, %swap3A_463], %swap3A_466 {strides = array<i32>} : memref<128x64xf32, #tpu.memory_space<vmem>>, vector<1x16xf32>,
          } else {
          }
          %slice3A_416 = vector.extract_strided_slice %get3A_331 {offsets = [12], sizes = [1], strides = [1]} : vector<16xi32> to vector<1xi32>
          %squeeze3A_417 = vector.extract %slice3A_416[0] : i32 from vector<1xi32>
          %eq3A_418 = arith.constant 0 : i32
          %eq3A_419 = arith.cmpi eq, %squeeze3A_417, %eq3A_418 : i32
          %convert_element_type3A_420 = arith.extui %eq3A_419 : i1 to i32
          %cond3A_421 = arith.constant 0 : i32
          %cond3A_422 = arith.cmpi ne, %convert_element_type3A_420, %cond3A_421 : i32
          scf.if %cond3A_422 {
            %mul3A_444 = arith.constant 16 : i32
            %mul3A_445 = arith.muli %scan3A_325, %mul3A_444 : i32
            %add3A_446 = arith.constant 12 : i32
            %add3A_447 = arith.addi %mul3A_445, %add3A_446 : i32
            %swap3A = arith.index_cast %add3A_447 : i32 to index
            %swap3A_448 = arith.constant 0 : index
            %swap3A_449 = tpu.vector_load %arg7[%swap3A, %swap3A_448] {strides = array<i32>} : memref<128x64xf32, #tpu.memory_space<vmem>>, vector<1x16xf32>,
            %swap3A_450 = vector.shape_cast %swap3A_449 : vector<1x16xf32> to vector<16xf32>
            %swap3A_451 = vector.shape_cast %broadcast_in_dim3A_318 : vector<16xf32> to vector<1x16xf32>
            tpu.vector_store %arg7[%swap3A, %swap3A_448], %swap3A_451 {strides = array<i32>} : memref<128x64xf32, #tpu.memory_space<vmem>>, vector<1x16xf32>,
            %swap3A_452 = arith.index_cast %add3A_447 : i32 to index
            %swap3A_453 = arith.constant 16 : index
            %swap3A_454 = tpu.vector_load %arg7[%swap3A_452, %swap3A_453] {strides = array<i32>} : memref<128x64xf32, #tpu.memory_space<vmem>>, vector<1x16xf32>,
            %swap3A_455 = vector.shape_cast %swap3A_454 : vector<1x16xf32> to vector<16xf32>
            %swap3A_456 = vector.shape_cast %broadcast_in_dim3A_318 : vector<16xf32> to vector<1x16xf32>
            tpu.vector_store %arg7[%swap3A_452, %swap3A_453], %swap3A_456 {strides = array<i32>} : memref<128x64xf32, #tpu.memory_space<vmem>>, vector<1x16xf32>,
            %swap3A_457 = arith.index_cast %add3A_447 : i32 to index
            %swap3A_458 = arith.constant 32 : index
            %swap3A_459 = tpu.vector_load %arg7[%swap3A_457, %swap3A_458] {strides = array<i32>} : memref<128x64xf32, #tpu.memory_space<vmem>>, vector<1x16xf32>,
            %swap3A_460 = vector.shape_cast %swap3A_459 : vector<1x16xf32> to vector<16xf32>
            %swap3A_461 = vector.shape_cast %broadcast_in_dim3A_318 : vector<16xf32> to vector<1x16xf32>
            tpu.vector_store %arg7[%swap3A_457, %swap3A_458], %swap3A_461 {strides = array<i32>} : memref<128x64xf32, #tpu.memory_space<vmem>>, vector<1x16xf32>,
            %swap3A_462 = arith.index_cast %add3A_447 : i32 to index
            %swap3A_463 = arith.constant 48 : index
            %swap3A_464 = tpu.vector_load %arg7[%swap3A_462, %swap3A_463] {strides = array<i32>} : memref<128x64xf32, #tpu.memory_space<vmem>>, vector<1x16xf32>,
            %swap3A_465 = vector.shape_cast %swap3A_464 : vector<1x16xf32> to vector<16xf32>
            %swap3A_466 = vector.shape_cast %broadcast_in_dim3A_318 : vector<16xf32> to vector<1x16xf32>
            tpu.vector_store %arg7[%swap3A_462, %swap3A_463], %swap3A_466 {strides = array<i32>} : memref<128x64xf32, #tpu.memory_space<vmem>>, vector<1x16xf32>,
          } else {
          }
          %slice3A_423 = vector.extract_strided_slice %get3A_331 {offsets = [13], sizes = [1], strides = [1]} : vector<16xi32> to vector<1xi32>
          %squeeze3A_424 = vector.extract %slice3A_423[0] : i32 from vector<1xi32>
          %eq3A_425 = arith.constant 0 : i32
          %eq3A_426 = arith.cmpi eq, %squeeze3A_424, %eq3A_425 : i32
          %convert_element_type3A_427 = arith.extui %eq3A_426 : i1 to i32
          %cond3A_428 = arith.constant 0 : i32
          %cond3A_429 = arith.cmpi ne, %convert_element_type3A_427, %cond3A_428 : i32
          scf.if %cond3A_429 {
            %mul3A_444 = arith.constant 16 : i32
            %mul3A_445 = arith.muli %scan3A_325, %mul3A_444 : i32
            %add3A_446 = arith.constant 13 : i32
            %add3A_447 = arith.addi %mul3A_445, %add3A_446 : i32
            %swap3A = arith.index_cast %add3A_447 : i32 to index
            %swap3A_448 = arith.constant 0 : index
            %swap3A_449 = tpu.vector_load %arg7[%swap3A, %swap3A_448] {strides = array<i32>} : memref<128x64xf32, #tpu.memory_space<vmem>>, vector<1x16xf32>,
            %swap3A_450 = vector.shape_cast %swap3A_449 : vector<1x16xf32> to vector<16xf32>
            %swap3A_451 = vector.shape_cast %broadcast_in_dim3A_318 : vector<16xf32> to vector<1x16xf32>
            tpu.vector_store %arg7[%swap3A, %swap3A_448], %swap3A_451 {strides = array<i32>} : memref<128x64xf32, #tpu.memory_space<vmem>>, vector<1x16xf32>,
            %swap3A_452 = arith.index_cast %add3A_447 : i32 to index
            %swap3A_453 = arith.constant 16 : index
            %swap3A_454 = tpu.vector_load %arg7[%swap3A_452, %swap3A_453] {strides = array<i32>} : memref<128x64xf32, #tpu.memory_space<vmem>>, vector<1x16xf32>,
            %swap3A_455 = vector.shape_cast %swap3A_454 : vector<1x16xf32> to vector<16xf32>
            %swap3A_456 = vector.shape_cast %broadcast_in_dim3A_318 : vector<16xf32> to vector<1x16xf32>
            tpu.vector_store %arg7[%swap3A_452, %swap3A_453], %swap3A_456 {strides = array<i32>} : memref<128x64xf32, #tpu.memory_space<vmem>>, vector<1x16xf32>,
            %swap3A_457 = arith.index_cast %add3A_447 : i32 to index
            %swap3A_458 = arith.constant 32 : index
            %swap3A_459 = tpu.vector_load %arg7[%swap3A_457, %swap3A_458] {strides = array<i32>} : memref<128x64xf32, #tpu.memory_space<vmem>>, vector<1x16xf32>,
            %swap3A_460 = vector.shape_cast %swap3A_459 : vector<1x16xf32> to vector<16xf32>
            %swap3A_461 = vector.shape_cast %broadcast_in_dim3A_318 : vector<16xf32> to vector<1x16xf32>
            tpu.vector_store %arg7[%swap3A_457, %swap3A_458], %swap3A_461 {strides = array<i32>} : memref<128x64xf32, #tpu.memory_space<vmem>>, vector<1x16xf32>,
            %swap3A_462 = arith.index_cast %add3A_447 : i32 to index
            %swap3A_463 = arith.constant 48 : index
            %swap3A_464 = tpu.vector_load %arg7[%swap3A_462, %swap3A_463] {strides = array<i32>} : memref<128x64xf32, #tpu.memory_space<vmem>>, vector<1x16xf32>,
            %swap3A_465 = vector.shape_cast %swap3A_464 : vector<1x16xf32> to vector<16xf32>
            %swap3A_466 = vector.shape_cast %broadcast_in_dim3A_318 : vector<16xf32> to vector<1x16xf32>
            tpu.vector_store %arg7[%swap3A_462, %swap3A_463], %swap3A_466 {strides = array<i32>} : memref<128x64xf32, #tpu.memory_space<vmem>>, vector<1x16xf32>,
          } else {
          }
          %slice3A_430 = vector.extract_strided_slice %get3A_331 {offsets = [14], sizes = [1], strides = [1]} : vector<16xi32> to vector<1xi32>
          %squeeze3A_431 = vector.extract %slice3A_430[0] : i32 from vector<1xi32>
          %eq3A_432 = arith.constant 0 : i32
          %eq3A_433 = arith.cmpi eq, %squeeze3A_431, %eq3A_432 : i32
          %convert_element_type3A_434 = arith.extui %eq3A_433 : i1 to i32
          %cond3A_435 = arith.constant 0 : i32
          %cond3A_436 = arith.cmpi ne, %convert_element_type3A_434, %cond3A_435 : i32
          scf.if %cond3A_436 {
            %mul3A_444 = arith.constant 16 : i32
            %mul3A_445 = arith.muli %scan3A_325, %mul3A_444 : i32
            %add3A_446 = arith.constant 14 : i32
            %add3A_447 = arith.addi %mul3A_445, %add3A_446 : i32
            %swap3A = arith.index_cast %add3A_447 : i32 to index
            %swap3A_448 = arith.constant 0 : index
            %swap3A_449 = tpu.vector_load %arg7[%swap3A, %swap3A_448] {strides = array<i32>} : memref<128x64xf32, #tpu.memory_space<vmem>>, vector<1x16xf32>,
            %swap3A_450 = vector.shape_cast %swap3A_449 : vector<1x16xf32> to vector<16xf32>
            %swap3A_451 = vector.shape_cast %broadcast_in_dim3A_318 : vector<16xf32> to vector<1x16xf32>
            tpu.vector_store %arg7[%swap3A, %swap3A_448], %swap3A_451 {strides = array<i32>} : memref<128x64xf32, #tpu.memory_space<vmem>>, vector<1x16xf32>,
            %swap3A_452 = arith.index_cast %add3A_447 : i32 to index
            %swap3A_453 = arith.constant 16 : index
            %swap3A_454 = tpu.vector_load %arg7[%swap3A_452, %swap3A_453] {strides = array<i32>} : memref<128x64xf32, #tpu.memory_space<vmem>>, vector<1x16xf32>,
            %swap3A_455 = vector.shape_cast %swap3A_454 : vector<1x16xf32> to vector<16xf32>
            %swap3A_456 = vector.shape_cast %broadcast_in_dim3A_318 : vector<16xf32> to vector<1x16xf32>
            tpu.vector_store %arg7[%swap3A_452, %swap3A_453], %swap3A_456 {strides = array<i32>} : memref<128x64xf32, #tpu.memory_space<vmem>>, vector<1x16xf32>,
            %swap3A_457 = arith.index_cast %add3A_447 : i32 to index
            %swap3A_458 = arith.constant 32 : index
            %swap3A_459 = tpu.vector_load %arg7[%swap3A_457, %swap3A_458] {strides = array<i32>} : memref<128x64xf32, #tpu.memory_space<vmem>>, vector<1x16xf32>,
            %swap3A_460 = vector.shape_cast %swap3A_459 : vector<1x16xf32> to vector<16xf32>
            %swap3A_461 = vector.shape_cast %broadcast_in_dim3A_318 : vector<16xf32> to vector<1x16xf32>
            tpu.vector_store %arg7[%swap3A_457, %swap3A_458], %swap3A_461 {strides = array<i32>} : memref<128x64xf32, #tpu.memory_space<vmem>>, vector<1x16xf32>,
            %swap3A_462 = arith.index_cast %add3A_447 : i32 to index
            %swap3A_463 = arith.constant 48 : index
            %swap3A_464 = tpu.vector_load %arg7[%swap3A_462, %swap3A_463] {strides = array<i32>} : memref<128x64xf32, #tpu.memory_space<vmem>>, vector<1x16xf32>,
            %swap3A_465 = vector.shape_cast %swap3A_464 : vector<1x16xf32> to vector<16xf32>
            %swap3A_466 = vector.shape_cast %broadcast_in_dim3A_318 : vector<16xf32> to vector<1x16xf32>
            tpu.vector_store %arg7[%swap3A_462, %swap3A_463], %swap3A_466 {strides = array<i32>} : memref<128x64xf32, #tpu.memory_space<vmem>>, vector<1x16xf32>,
          } else {
          }
          %slice3A_437 = vector.extract_strided_slice %get3A_331 {offsets = [15], sizes = [1], strides = [1]} : vector<16xi32> to vector<1xi32>
          %squeeze3A_438 = vector.extract %slice3A_437[0] : i32 from vector<1xi32>
          %eq3A_439 = arith.constant 0 : i32
          %eq3A_440 = arith.cmpi eq, %squeeze3A_438, %eq3A_439 : i32
          %convert_element_type3A_441 = arith.extui %eq3A_440 : i1 to i32
          %cond3A_442 = arith.constant 0 : i32
          %cond3A_443 = arith.cmpi ne, %convert_element_type3A_441, %cond3A_442 : i32
          scf.if %cond3A_443 {
            %mul3A_444 = arith.constant 16 : i32
            %mul3A_445 = arith.muli %scan3A_325, %mul3A_444 : i32
            %add3A_446 = arith.constant 15 : i32
            %add3A_447 = arith.addi %mul3A_445, %add3A_446 : i32
            %swap3A = arith.index_cast %add3A_447 : i32 to index
            %swap3A_448 = arith.constant 0 : index
            %swap3A_449 = tpu.vector_load %arg7[%swap3A, %swap3A_448] {strides = array<i32>} : memref<128x64xf32, #tpu.memory_space<vmem>>, vector<1x16xf32>,
            %swap3A_450 = vector.shape_cast %swap3A_449 : vector<1x16xf32> to vector<16xf32>
            %swap3A_451 = vector.shape_cast %broadcast_in_dim3A_318 : vector<16xf32> to vector<1x16xf32>
            tpu.vector_store %arg7[%swap3A, %swap3A_448], %swap3A_451 {strides = array<i32>} : memref<128x64xf32, #tpu.memory_space<vmem>>, vector<1x16xf32>,
            %swap3A_452 = arith.index_cast %add3A_447 : i32 to index
            %swap3A_453 = arith.constant 16 : index
            %swap3A_454 = tpu.vector_load %arg7[%swap3A_452, %swap3A_453] {strides = array<i32>} : memref<128x64xf32, #tpu.memory_space<vmem>>, vector<1x16xf32>,
            %swap3A_455 = vector.shape_cast %swap3A_454 : vector<1x16xf32> to vector<16xf32>
            %swap3A_456 = vector.shape_cast %broadcast_in_dim3A_318 : vector<16xf32> to vector<1x16xf32>
            tpu.vector_store %arg7[%swap3A_452, %swap3A_453], %swap3A_456 {strides = array<i32>} : memref<128x64xf32, #tpu.memory_space<vmem>>, vector<1x16xf32>,
            %swap3A_457 = arith.index_cast %add3A_447 : i32 to index
            %swap3A_458 = arith.constant 32 : index
            %swap3A_459 = tpu.vector_load %arg7[%swap3A_457, %swap3A_458] {strides = array<i32>} : memref<128x64xf32, #tpu.memory_space<vmem>>, vector<1x16xf32>,
            %swap3A_460 = vector.shape_cast %swap3A_459 : vector<1x16xf32> to vector<16xf32>
            %swap3A_461 = vector.shape_cast %broadcast_in_dim3A_318 : vector<16xf32> to vector<1x16xf32>
            tpu.vector_store %arg7[%swap3A_457, %swap3A_458], %swap3A_461 {strides = array<i32>} : memref<128x64xf32, #tpu.memory_space<vmem>>, vector<1x16xf32>,
            %swap3A_462 = arith.index_cast %add3A_447 : i32 to index
            %swap3A_463 = arith.constant 48 : index
            %swap3A_464 = tpu.vector_load %arg7[%swap3A_462, %swap3A_463] {strides = array<i32>} : memref<128x64xf32, #tpu.memory_space<vmem>>, vector<1x16xf32>,
            %swap3A_465 = vector.shape_cast %swap3A_464 : vector<1x16xf32> to vector<16xf32>
            %swap3A_466 = vector.shape_cast %broadcast_in_dim3A_318 : vector<16xf32> to vector<1x16xf32>
            tpu.vector_store %arg7[%swap3A_462, %swap3A_463], %swap3A_466 {strides = array<i32>} : memref<128x64xf32, #tpu.memory_space<vmem>>, vector<1x16xf32>,
          } else {
          }
        }
        %scan3A_324 = arith.constant 8 : i32
      } else {
      }
      %mul3A_310 = arith.constant 128 : i32
      %mul3A_311 = arith.muli %add3A_169, %mul3A_310 : i32
      %add3A_312 = arith.addi %mul3A_4, %mul3A_311 : i32
      %dma_start3A_313 = arith.constant 0 : i32
      %dma_start3A_314 = tpu.memref_slice %arg4[%add3A_312, %dma_start3A_313] : memref<819200x128xf32, #tpu.memory_space<hbm>> -> memref<128x64xf32, #tpu.memory_space<hbm>>
      %dma_start3A_315 = arith.constant 0 : i32
      %dma_start3A_316 = tpu.memref_slice %arg4[%add3A_312, %dma_start3A_315] : memref<819200x128xf32, #tpu.memory_space<hbm>> -> memref<128x64xf32, #tpu.memory_space<hbm>>
      tpu.enqueue_dma source(%arg7 : memref<128x64xf32, #tpu.memory_space<vmem>>) target(%dma_start3A_316 : memref<128x64xf32, #tpu.memory_space<hbm>>) target_semaphore(%arg11 : memref<!tpu.dma_semaphore, #tpu.memory_space<semaphore_mem>>)
    }
    %scan3A_15 = arith.constant 100 : i32
    %add3A_16 = arith.constant 25344 : i32
    %add3A_17 = arith.addi %mul3A_4, %add3A_16 : i32
    %dma_wait3A = arith.constant 0 : i32
    %dma_wait3A_18 = tpu.memref_slice %arg4[%add3A_17, %dma_wait3A] : memref<819200x128xf32, #tpu.memory_space<hbm>> -> memref<128x64xf32, #tpu.memory_space<hbm>>
    %dma_wait3A_19 = arith.constant 0 : i32
    %dma_wait3A_20 = tpu.memref_slice %arg4[%add3A_17, %dma_wait3A_19] : memref<819200x128xf32, #tpu.memory_space<hbm>> -> memref<128x64xf32, #tpu.memory_space<hbm>>
    tpu.wait_dma2 semaphore(%arg10 : memref<!tpu.dma_semaphore, #tpu.memory_space<semaphore_mem>>) src(%arg6 : memref<128x64xf32, #tpu.memory_space<vmem>>) dst(%dma_wait3A_20 : memref<128x64xf32, #tpu.memory_space<hbm>>)
    %add3A_21 = arith.constant 25472 : i32
    %add3A_22 = arith.addi %mul3A_4, %add3A_21 : i32
    %dma_wait3A_23 = arith.constant 0 : i32
    %dma_wait3A_24 = tpu.memref_slice %arg4[%add3A_22, %dma_wait3A_23] : memref<819200x128xf32, #tpu.memory_space<hbm>> -> memref<128x64xf32, #tpu.memory_space<hbm>>
    %dma_wait3A_25 = arith.constant 0 : i32
    %dma_wait3A_26 = tpu.memref_slice %arg4[%add3A_22, %dma_wait3A_25] : memref<819200x128xf32, #tpu.memory_space<hbm>> -> memref<128x64xf32, #tpu.memory_space<hbm>>
    tpu.wait_dma2 semaphore(%arg11 : memref<!tpu.dma_semaphore, #tpu.memory_space<semaphore_mem>>) src(%arg7 : memref<128x64xf32, #tpu.memory_space<vmem>>) dst(%dma_wait3A_26 : memref<128x64xf32, #tpu.memory_space<hbm>>)
    return
  }
}

</mosaic_0001>

<sc_bundles>
// kernel: kernel.3.cloned.1.call-start
scs
__scs_entry_jumppad:
0x0: {  	(pc) =	sbr.rel $0x88, $3  }
0x1: {  	(tag) =	ssettag $0x0;
	lr =	simm.s32 $0x1  }
0x2: {  	[smem:$0x3F9F] =	sst lr;
	_ =	strace $0xD0000000  }
0x3: {  	_ = 	snop  }
0x4: {  	_ = 	snop  }
0x5: {  	_ = 	snop  }
0x6: {  	_ = 	snop  }
0x7: {  	_ = 	snop  }
__scs_overlays_trampoline_lowered:
0x8: {  	[smem:$0x3FAE] =	sst s0  }
0x9: {  	[smem:$0x3FAF] =	sst s1  }
0xa: {  	[smem:$0x3FB0] =	sst s2  }
0xb: {  	[smem:$0x3FB1] =	sst s3  }
0xc: {  	[smem:$0x3FB2] =	sst s4  }
0xd: {  	[smem:$0x3FB3] =	sst s5  }
0xe: {  	[smem:$0x3FB4] =	sst s6  }
0xf: {  	[smem:$0x3FB5] =	sst s7  }
0x10: {  	[smem:$0x3FB6] =	sst s8  }
0x11: {  	[smem:$0x3FB7] =	sst s9;
	s0 =	simm.s32 @!p0 $0x0  }
0x12: {  	s1 =	sld [smem:$0x3F9D];
	s0 =	simm.s32 @p0 $0x1  }
0x13: {  	[smem:$0x3FB8] =	sst s0;
	s0 =	simm.s32 @!p1 $0x0  }
0x14: {  	s2 =	sld [smem:$0x3F9C];
	s0 =	simm.s32 @p1 $0x1  }
0x15: {  	[smem:$0x3FB9] =	sst s0;
	s0 =	simm.s32 @!p2 $0x0  }
0x16: {  	s3 =	sld [smem:$0x3FDB];
	s0 =	simm.s32 @p2 $0x1  }
0x17: {  	s4 =	simm.s32 $0x1BF5;
	[smem:$0x3FBB] =	sst s0  }
0x18: {  	s0 =	sld [smem:$0x3F9E];
	_ =	swait.ge [sflag:s4], $0x0  }
0x19: {  	s7 =	sld [smem:$0x3F9F]  }
0x1a: {  	s8 =	sadd.s32 $0xFFFFE003, lr  }
0x1b: {  	s9 =	sadd.s32 $0xFFFFFEF7, lr;
	s5 =	simm.s32 $0xFFFFFFFF;
	p2 =	slt.u32 s8, $0xFFFFF086  }
0x1c: {  	p1 =	slt.u32 s9, $0xF7A;
	s5 =	simm.s32 @!p2 $0x0  }
0x1d: {  	s5 =	simm.s32 @p1 $0x1;
	p0 =	seq.s32 s7, s2  }
0x1e: {  	s7 =	smul.u32 @!p0 $0xF7A, s2;
	p2 =	seq.s32 @!p0 s5, $0x0  }
0x1f: {  	s9 =	smul.u32 $0xF7A, s1;
	s8 =	simm.s32 @!p0 $0x1BF5;
	p2 =	por !p2, p0  }
0x20: {  	[sflag:s8] =	ssyncset.s32 @!p0 $0xFFFFF086;
	s6 =	sadd.s32 @!p0 s3, s7;
	s7 =	simm.s32 @!p0 $0x108  }
0x21: {  	s3 =	sadd.s32 s3, s9;
	s6 =	sadd.s32 @!p0 $0x88, s6;
	s7 =	simm.s32 @p2 $0x1082  }
0x22: {  	[simem:s7], [sflag:s8] =	dma.local @!p0 [hbm:s6], $0xF7A  }
0x23: {  	s9 =	sor.u32 $0xD0000000, s2;
	s6 =	simm.s32 $0x108;
	_ =	swait.ge @!p0 [sflag:s8], $0x0  }
0x24: {  	s3 =	sadd.s32 $0x88, s3;
	s6 =	simm.s32 @!p1 $0x1082;
	[sflag:s4] =	ssyncset.s32 $0xFFFFF086  }
0x25: {  	[simem:s6], [sflag:s4] =	dma.local [hbm:s3], $0xF7A  }
0x26: {  	[smem:$0x3F9F] =	sst s1;
	(tag) =	ssettag s2;
	_ =	strace s9  }
0x27: {  	s1 =	sld [smem:$0x3FAF]  }
0x28: {  	s2 =	sld [smem:$0x3FB0]  }
0x29: {  	s4 =	sld [smem:$0x3FB2]  }
0x2a: {  	p0 =	seq.s32 s5, $0x0;
	s5 =	sld [smem:$0x3FB3]  }
0x2b: {  	s6 =	sld [smem:$0x3FB4]  }
0x2c: {  	s7 =	sld [smem:$0x3FB5]  }
0x2d: {  	s3 =	simm.s32 $0x108;
	s8 =	sld [smem:$0x3FB6]  }
0x2e: {  	s3 =	simm.s32 @!p0 $0x1082;
	s9 =	sld [smem:$0x3FB7]  }
0x2f: {  	lr =	sadd.s32 s0, s3;
	s0 =	sld [smem:$0x3FAE]  }
0x30: {  	s3 =	sld [smem:$0x3FB1]  }
0x31: {  	[smem:$0x3FBA] =	sst s10  }
0x32: {  	s10 =	sld [smem:$0x3FB8];
	_ =	sdelay $0x3  }
0x33: {  	p0 =	seq.s32 s10, $0x1;
	s10 =	sld [smem:$0x3FBA];
	_ =	sdelay $0x3  }
0x34: {  	[smem:$0x3FBA] =	sst s10  }
0x35: {  	s10 =	sld [smem:$0x3FB9];
	_ =	sdelay $0x3  }
0x36: {  	p1 =	seq.s32 s10, $0x1;
	s10 =	sld [smem:$0x3FBA];
	_ =	sdelay $0x3  }
0x37: {  	[smem:$0x3FBA] =	sst s10  }
0x38: {  	s10 =	sld [smem:$0x3FBB]  }
0x39: {  	_ = 	snop;
	(pc) =	sbr.ind lr, $3  }
0x3a: {  	_ = 	snop  }
0x3b: {  	_ = 	snop  }
0x3c: {  	p2 =	seq.s32 s10, $0x1;
	s10 =	sld [smem:$0x3FBA]  }
0x3d: {  	_ =	shalt  }
0x3e: {  	_ =	shalt  }
0x3f: {  	_ =	shalt  }
0x40: {  	_ =	shalt  }
0x41: {  	_ =	shalt  }
0x42: {  	_ =	shalt  }
0x43: {  	_ =	shalt  }
0x44: {  	_ =	shalt  }
0x45: {  	_ =	shalt  }
0x46: {  	_ =	shalt  }
0x47: {  	_ =	shalt  }
0x48: {  	_ =	shalt  }
0x49: {  	_ =	shalt  }
0x4a: {  	_ =	shalt  }
0x4b: {  	_ =	shalt  }
0x4c: {  	_ =	shalt  }
0x4d: {  	_ =	shalt  }
0x4e: {  	_ =	shalt  }
0x4f: {  	_ =	shalt  }
0x50: {  	_ =	shalt  }
0x51: {  	_ =	shalt  }
0x52: {  	_ =	shalt  }
0x53: {  	_ =	shalt  }
0x54: {  	_ =	shalt  }
0x55: {  	_ =	shalt  }
0x56: {  	_ =	shalt  }
0x57: {  	_ =	shalt  }
0x58: {  	_ =	shalt  }
0x59: {  	_ =	shalt  }
0x5a: {  	_ =	shalt  }
0x5b: {  	_ =	shalt  }
0x5c: {  	_ =	shalt  }
0x5d: {  	_ =	shalt  }
0x5e: {  	_ =	shalt  }
0x5f: {  	_ =	shalt  }
0x60: {  	_ =	shalt  }
0x61: {  	_ =	shalt  }
0x62: {  	_ =	shalt  }
0x63: {  	_ =	shalt  }
0x64: {  	_ =	shalt  }
0x65: {  	_ =	shalt  }
0x66: {  	_ =	shalt  }
0x67: {  	_ =	shalt  }
0x68: {  	_ =	shalt  }
0x69: {  	_ =	shalt  }
0x6a: {  	_ =	shalt  }
0x6b: {  	_ =	shalt  }
0x6c: {  	_ =	shalt  }
0x6d: {  	_ =	shalt  }
0x6e: {  	_ =	shalt  }
0x6f: {  	_ =	shalt  }
0x70: {  	_ =	shalt  }
0x71: {  	_ =	shalt  }
0x72: {  	_ =	shalt  }
0x73: {  	_ =	shalt  }
0x74: {  	_ =	shalt  }
0x75: {  	_ =	shalt  }
0x76: {  	_ =	shalt  }
0x77: {  	_ =	shalt  }
0x78: {  	_ =	shalt  }
0x79: {  	_ =	shalt  }
0x7a: {  	_ =	shalt  }
0x7b: {  	_ =	shalt  }
0x7c: {  	_ =	shalt  }
0x7d: {  	_ =	shalt  }
0x7e: {  	_ =	shalt  }
0x7f: {  	_ =	shalt  }
0x80: {  	_ =	shalt  }
0x81: {  	_ =	shalt  }
0x82: {  	_ =	shalt  }
0x83: {  	_ =	shalt  }
0x84: {  	_ =	shalt  }
0x85: {  	_ =	shalt  }
0x86: {  	_ =	shalt  }
0x87: {  	_ =	shalt  }
.Lfunc_end0:
.L_simem_size_0:
called_computation.2_lowered:
.L_overlay_start_0:
0x88: {  	s2 =	sld [smem:$0x3FD9]  }
0x89: {  	s3 =	sld [smem:$0x3FFE];
	_ =	sdelay $0x1  }
0x8a: {  	s1 =	srdreg.scid  }
0x8b: {  	s0 =	sand.u32 $0x1, s1  }
0x8c: {  	s17 =	sshll.u32 s0, $0xA;
	s2 =	sadd.s32 s3, s2  }
0x8d: {  	s2 =	sadd.s32 s2, s17  }
0x8e: {  	[smem:$0x3FC6] =	sst s2  }
0x8f: {  	_ = 	snop  }
0x90: {  	s2 =	sld [smem:$0x3FD0];
	(tm) =	ssettm $0x1  }
0x91: {  	s18 =	sld [smem:$0x3FFB];
	_ =	sdelay $0x3  }
0x92: {  	_ =	strace s18  }
0x93: {  	s3 =	sld [smem:$0x3FFC];
	_ =	sdelay $0x3  }
0x94: {  	_ =	strace s3  }
0x95: {  	s3 =	sld [smem:$0x3FFD];
	_ =	sdelay $0x3  }
0x96: {  	_ =	strace s3  }
0x97: {  	_ =	strace $0x8FFFFFFF  }
0x98: {  	s19 =	sld [smem:$0x3FDB];
	_ =	sdelay $0x1  }
0x99: {  	s4 =	simm.s32 $_scs_section_size  }
0x9a: {  	s5 =	simm.s32 $_size__tile_overlayer_lowered;
	s6 =	simm.s32 $_tile_overlayer_lowered  }
0x9b: {  	s22 =	simm.s32 $0x1BFF;
	s21 =	sshll.u32 s6, $0x1;
	s3 =	sadd.s32 s4, s19  }
0x9c: {  	s7 =	simm.s32 $0x0;
	s20 =	sshll.u32 s5, $0x1;
	s5 =	sadd.s32 s21, s3  }
0x9d: {  	[timem:s7], [sflag:s22] =	dma.local [hbm:s5], s20  }
0x9e: {  	_ =	swait.ge [sflag:s22], s20  }
0x9f: {  	s4 =	ssub.s32 $0x0, s20;
	[sflag:s22] =	ssyncset.done $0x0  }
0xa0: {  	[sflag:s22] =	ssyncadd.s32 s4;
	_ =	sdelay $0x1  }
0xa1: {  	s23 =	simm.s32 $0x1B8B  }
0xa2: {  	_ =	swait.ge [sflag:s23], $0x1  }
0xa3: {  	[sflag:s23] =	ssyncset.done $0x0  }
0xa4: {  	s25 =	simm.s32 $0x1B8E;
	s24 =	sld [smem:$0x3FFE];
	[sflag:s23] =	ssyncadd.s32 $0xFFFFFFFF  }
0xa5: {  	s26 =	simm.s32 $execute0_lowered;
	[smem:$0x3FD2] =	sst s25  }
0xa6: {  	s5 =	sshll.u32 s26, $0x1;
	_ =	strace $0x80000049;
	[dreg:$0x1] =	wrdreg $0xFFFFFFFF  }
0xa7: {  	s28 =	simm.s32 $_size_execute0_lowered;
	s3 =	sadd.s32 s3, s5;
	[dreg:$0x0] =	wrdreg $0x0  }
0xa8: {  	s5 =	sshll.u32 s28, $0x1;
	[dreg:$0x2] =	wrdreg s3  }
0xa9: {  	[dreg:$0x3] =	wrdreg s5  }
0xaa: {  	[dreg:$0x4] =	wrdreg $0xC0  }
0xab: {  	_ =	task [dreg:s7], $0x5FFFF  }
0xac: {  	[dreg:$0x1] =	wrdreg $0xFFFFFFFF  }
0xad: {  	[dreg:$0x0] =	wrdreg $0x60  }
0xae: {  	[dreg:$0x2] =	wrdreg s2  }
0xaf: {  	[dreg:$0x3] =	wrdreg s24  }
0xb0: {  	[dreg:$0x4] =	wrdreg $0x9  }
0xb1: {  	_ =	task.clear_ibuf [dreg:s7], $0x5FFFF;
	_ =	strace $0x90000049  }
0xb2: {  	s29 =	simm.s32 $0x9;
	_ =	strace $0x8000004B  }
0xb3: {  	_ =	swait.ge [sflag:s29], $0x1  }
0xb4: {  	[sflag:s29] =	ssyncadd.s32 $0xFFFFFFFF  }
0xb5: {  	_ =	strace $0x9000004B  }
0xb6: {  	_ =	sfence  }
0xb7: {  	s30 =	sld [smem:$0x0];
	_ =	sdelay $0x2  }
0xb8: {  	s31 =	sshll.u32 s1, $0xD;
	s1 =	sshrl.u32 s1, $0x2  }
0xb9: {  	s3 =	sand.u32 $0x4000, s31;
	s1 =	sadd.s32 s1, s30  }
0xba: {  	s0 =	sor.u32 s3, s0;
	s1 =	sshll.u32 s1, $0x11  }
0xbb: {  	s0 =	sor.u32 s1, s0  }
0xbc: {  	s0 =	sadd.s32 $0x8F2B, s0  }
0xbd: {  	[sflag:s0] =	ssyncadd.remote.s32 $0x1  }
0xbe: {  	_ =	sfence.sel $0xFFFF  }
0xbf: {  	[dreg:$0x0] =	wrdreg $0xFFFFFFFF;
	(pc) =	sbr.abs _section_cstart, $3  }
0xc0: {  	[dreg:$0x1] =	wrdreg $0xFFFFFFFF  }
0xc1: {  	_ =	task.clear_ibuf [dreg:s7], $0x2FFFF;
	_ =	strace $0x9FFFFFFF  }
0xc2: {  	(tm) =	ssettm $0x7FFFFFFF  }
0xc3: {  	_ =	shalt  }
tec
execute0_lowered:
.L_overlay_start_1:
0x0: {  	(tag) =	ssettag $0x1  }
0x1: {  	s6 =	rddreg [dreg:$0x0]  }
0x2: {  	s4 =	rddreg [dreg:$0x1]  }
0x3: {  	s0 =	rddreg [dreg:$0x2]  }
0x4: {  	s3 =	srdreg.scid;
	s1 =	stileid.u32  }
0x5: {  	s2 =	simm.s32 $0x0;
	s10 =	simm.s32 $0x6400;
	s11 =	simm.s32 $0x80  }
0x6: {  	s12 =	simm.s32 $0x8400;
	s13 =	simm.s32 $0x1;
	s14 =	simm.s32 $0x40  }
0x7: {  	s15 =	simm.s32 $0x2;
	s16 =	simm.s32 $0x3;
	s17 =	simm.s32 $0x4  }
0x8: {  	s18 =	simm.s32 $0x0;
	s3 =	sand.u32 $0x1, s3;
	s5 =	sshll.u32 s1, $0x1  }
.Ltmp0:
0x9: {  	[smem:$0x7FF] =	sst s2;
	s7 =	sor.u32 s3, s5;
	(pc) =	sbr.rel .LBB2_1-.Ltmp0, $4  }
0xa: {  	_ =	strace $0x8000004A;
	s31 =	ssub.s32 $0x2, s3;
	s8 =	smul.u32 $0xC80, s7  }
0xb: {  	s3 =	sadd.s32 $0xF43200, s4;
	s9 =	sshrl.u32 s31, $0x1;
	s5 =	smul.u32 $0x6400, s7  }
0xc: {  	s4 =	sadd.s32 $0xE00, s4;
	s7 =	smul.u32 $0x320000, s7;
	s9 =	ssub.s32 s31, s9  }
0xd: {  	v0 =	vimm.s32 $0x0;
	s6 =	sadd.s32 s6, s8;
	s8 =	smax.u32 s9, $0x1;
	s9 =	simm.s32 $0x5  }
.LBB2_11:
0xe: {  	s18 =	sadd.s32 $0x1, s18  }
0xf: {  	_ =	swait.ge [sflag:s16], $0x2000;
	p0 =	sne.s32 s18, s8  }
.Ltmp1:
0x10: {  	[sflag:s16] =	ssyncset.done $0x0;
	(pc) =	sbr.rel @!p0 .LBB2_12-.Ltmp1, $4  }
0x11: {  	[sflag:s16] =	ssyncadd.s32 $0xFFFFE000  }
0x12: {  	_ =	swait.ge [sflag:s17], $0x2000  }
0x13: {  	[sflag:s17] =	ssyncset.done $0x0  }
0x14: {  	[sflag:s17] =	ssyncadd.s32 $0xFFFFE000  }
.LBB2_1:
0x15: {  	[tilespmem:s2], [sflag:$0x5] =	stream.linear.gather [hbm4b:s6+s2], $0x6400, $0x38;
	[tilespmem:$0xA400] =	vst v63  }
.Ltmp2:
0x16: {  	_ = 	snop;
	(pc) =	sbr.rel .LBB2_2-.Ltmp2, $4  }
0x17: {  	_ =	swait.ge [sflag:s9], $0x6400  }
0x18: {  	s19 =	simm.s32 $0x80;
	[sflag:s9] =	ssyncset.done $0x0  }
0x19: {  	s20 =	simm.s32 $0x0;
	s21 =	simm.s32 $0x0;
	[sflag:s9] =	ssyncadd.s32 $0xFFFF9C00  }
0x1a: {  	[tilespmem:s10], [sflag:$0x1] =	stream.indirect.gather [hbm4b:s3+s11], $0x40, s2, s11, $0xb8;
	[tilespmem:$0xA400] =	vst v63  }
.LBB2_10:
0x1b: {  	s21 =	sadd.s32 $0x1, s21  }
0x1c: {  	p0 =	sne.s32 s21, $0x64  }
.Ltmp3:
0x1d: {  	s22 =	sadd.s32 s5, s22;
	(pc) =	sbr.rel @!p0 .LBB2_11-.Ltmp3, $4  }
0x1e: {  	s22 =	sshll.u32 s22, $0x4  }
0x1f: {  	s22 =	sand.u32 $0x1FFFF800, s22  }
0x20: {  	s20 =	sadd.s32 $0x100, s20;
	s19 =	sadd.s32 $0x100, s19;
	s22 =	sadd.s32 s4, s22  }
0x21: {  	[hbm4b:s22+s14] =	stream.strided.scatter [tilespmem:s12], [sflag:$0x4], $0x2000, s11, s14, $0x38;
	[tilespmem:$0xA400] =	vst v63  }
.LBB2_2:
0x22: {  	p0 =	seq.s32 s21, $0x0  }
0x23: {  	s23 =	simm.s32 @!p0 $0x4  }
0x24: {  	s22 =	sshllo.u32 s21, $0x1;
	_ =	swait.ge @!p0 [sflag:s23], $0x2000  }
0x25: {  	s22 =	sshll.u32 s22, $0x7;
	[sflag:s23] =	ssyncset.done @!p0 $0x0  }
0x26: {  	s25 =	sand.u32 $0x3FFFFF80, s22;
	[sflag:s23] =	ssyncadd.s32 @!p0 $0xFFFFE000  }
0x27: {  	[tilespmem:s12], [sflag:$0x2] =	stream.indirect.gather [hbm4b:s3+s11], $0x40, s25, s11, $0xb8;
	[tilespmem:$0xA400] =	vst v63  }
0x28: {  	_ =	swait.ge [sflag:s13], $0x2000  }
0x29: {  	s26 =	sshll.u32 s21, $0x8;
	[sflag:s13] =	ssyncset.done $0x0  }
0x2a: {  	s23 =	sand.u32 $0x3FFFFF00, s26;
	[sflag:s13] =	ssyncadd.s32 $0xFFFFE000  }
0x2b: {  	v1 =	vld [tilespmem:s23+$0x0]  }
0x2c: {  	v2 =	vld [tilespmem:s23+$0x10]  }
0x2d: {  	v3 =	vld [tilespmem:s23+$0x20]  }
0x2e: {  	v4 =	vld [tilespmem:s23+$0x30]  }
0x2f: {  	v5 =	vld [tilespmem:s23+$0x40]  }
0x30: {  	v6 =	vld [tilespmem:s23+$0x50]  }
0x31: {  	vm0 =	veq.s32 v1, $0x0;
	vm1 =	veq.s32 v2, $0x0;
	v1 =	vld [tilespmem:s23+$0x60]  }
0x32: {  	vm10 =	veq.s32 v3, $0x0;
	v2 =	vld [tilespmem:s23+$0x70];
	vm0 =	vmor vm0, vm1  }
0x33: {  	vm11 =	veq.s32 v4, $0x0;
	vm0 =	vmor vm0, vm10  }
0x34: {  	vm12 =	veq.s32 v5, $0x0;
	vm0 =	vmor vm0, vm11  }
0x35: {  	vm13 =	veq.s32 v6, $0x0;
	vm0 =	vmor vm0, vm12  }
0x36: {  	vm0 =	vmor vm0, vm13;
	vm14 =	veq.s32 v1, $0x0  }
0x37: {  	vm15 =	veq.s32 v2, $0x0;
	vm0 =	vmor vm0, vm14  }
0x38: {  	vm0 =	vmor vm0, vm15  }
0x39: {  	v1 =	vsel vm0, $0x1, v0  }
0x3a: {  	(v2sf) =	vpush v1, $0x0  }
0x3b: {  	(v2sf) =	vpush v1, $0x1  }
0x3c: {  	(v2sf) =	vpush v1, $0x2  }
0x3d: {  	(v2sf) =	vpush v1, $0x3  }
0x3e: {  	(v2sf) =	vpush v1, $0x4  }
0x3f: {  	(v2sf) =	vpush v1, $0x5  }
0x40: {  	(v2sf) =	vpush v1, $0x6  }
0x41: {  	(v2sf) =	vpush v1, $0x7  }
0x42: {  	(v2sf) =	vpush v1, $0x8  }
0x43: {  	(v2sf) =	vpush v1, $0x9  }
0x44: {  	(v2sf) =	vpush v1, $0xA  }
0x45: {  	(v2sf) =	vpush v1, $0xB  }
0x46: {  	(v2sf) =	vpush v1, $0xC  }
0x47: {  	(v2sf) =	vpush v1, $0xD  }
0x48: {  	(v2sf) =	vpush v1, $0xE  }
0x49: {  	s24 =	spop (v2sf);
	(v2sf) =	vpush v1, $0xF  }
0x4a: {  	s25 =	spop (v2sf)  }
0x4b: {  	s24 =	sor.u32 s25, s24;
	s28 =	spop (v2sf)  }
0x4c: {  	s24 =	sor.u32 s28, s24;
	s29 =	spop (v2sf)  }
0x4d: {  	s24 =	sor.u32 s29, s24;
	s30 =	spop (v2sf)  }
0x4e: {  	s24 =	sor.u32 s30, s24;
	s31 =	spop (v2sf)  }
0x4f: {  	s24 =	sor.u32 s31, s24;
	s26 =	spop (v2sf)  }
0x50: {  	s24 =	sor.u32 s26, s24;
	s28 =	spop (v2sf)  }
0x51: {  	s24 =	sor.u32 s28, s24;
	s29 =	spop (v2sf)  }
0x52: {  	s24 =	sor.u32 s29, s24;
	s30 =	spop (v2sf)  }
0x53: {  	s24 =	sor.u32 s30, s24;
	s31 =	spop (v2sf)  }
0x54: {  	s24 =	sor.u32 s31, s24;
	s26 =	spop (v2sf)  }
0x55: {  	s24 =	sor.u32 s26, s24;
	s28 =	spop (v2sf)  }
0x56: {  	s24 =	sor.u32 s28, s24;
	s29 =	spop (v2sf)  }
0x57: {  	s24 =	sor.u32 s29, s24;
	s30 =	spop (v2sf)  }
0x58: {  	s24 =	sor.u32 s30, s24;
	s31 =	spop (v2sf)  }
0x59: {  	s24 =	sor.u32 s31, s24  }
0x5a: {  	p0 =	slt.s32 s24, $0x1  }
.Ltmp4:
0x5b: {  	_ = 	snop;
	(pc) =	sbr.rel @p0 .LBB2_6-.Ltmp4, $1  }
0x5c: {  	_ =	sdelay $0x3  }
0x5d: {  	v1 =	vmov s20;
	_ =	sdelay $0x3  }
0x5e: {  	s24 =	simm.s32 $0x0  }
0x5f: {  	v2 =	vld.idx.msk [tilespmem:v1+s24+$0x0 ss:$0x1], $0xffff;
	_ =	sdelay $0x4  }
0x60: {  	(v2sf) =	vpush v2, $0x0;
	_ =	sdelay $0x3  }
0x61: {  	(v2sf) =	vpush v2, $0x1;
	_ =	sdelay $0x3  }
0x62: {  	(v2sf) =	vpush v2, $0x2;
	_ =	sdelay $0x3  }
0x63: {  	(v2sf) =	vpush v2, $0x3;
	_ =	sdelay $0x2  }
0x64: {  	s26 =	spop (v2sf)  }
0x65: {  	(v2sf) =	vpush v2, $0x4;
	p0 =	sne.s32 s26, $0x0  }
0x66: {  	s24 =	simm.s32 $0x6600;
	v3 =	vimm.f32 @!p0 $0.0e+00  }
0x67: {  	[tilespmem:s24+$0xFFFFFE00] =	vst @!p0 v3  }
0x68: {  	s25 =	spop (v2sf);
	[tilespmem:s24+$0xFFFFFE10] =	vst @!p0 v3  }
0x69: {  	(v2sf) =	vpush v2, $0x5;
	p1 =	sne.s32 s25, $0x0;
	[tilespmem:s24+$0xFFFFFE20] =	vst @!p0 v3  }
0x6a: {  	v4 =	vimm.f32 @!p1 $0.0e+00;
	[tilespmem:s24+$0xFFFFFE30] =	vst @!p0 v3  }
0x6b: {  	[tilespmem:s24+$0xFFFFFE40] =	vst @!p1 v4  }
0x6c: {  	s28 =	spop (v2sf);
	[tilespmem:s24+$0xFFFFFE50] =	vst @!p1 v4  }
0x6d: {  	(v2sf) =	vpush v2, $0x6;
	p0 =	sne.s32 s28, $0x0;
	[tilespmem:s24+$0xFFFFFE60] =	vst @!p1 v4  }
0x6e: {  	v3 =	vimm.f32 @!p0 $0.0e+00;
	[tilespmem:s24+$0xFFFFFE70] =	vst @!p1 v4  }
0x6f: {  	[tilespmem:s24+$0xFFFFFE80] =	vst @!p0 v3  }
0x70: {  	s29 =	spop (v2sf);
	[tilespmem:s24+$0xFFFFFE90] =	vst @!p0 v3  }
0x71: {  	(v2sf) =	vpush v2, $0x7;
	p1 =	sne.s32 s29, $0x0;
	[tilespmem:s24+$0xFFFFFEA0] =	vst @!p0 v3  }
0x72: {  	v4 =	vimm.f32 @!p1 $0.0e+00;
	[tilespmem:s24+$0xFFFFFEB0] =	vst @!p0 v3  }
0x73: {  	[tilespmem:s24+$0xFFFFFEC0] =	vst @!p1 v4  }
0x74: {  	[tilespmem:s24+$0xFFFFFED0] =	vst @!p1 v4;
	s30 =	spop (v2sf)  }
0x75: {  	[tilespmem:s24+$0xFFFFFEE0] =	vst @!p1 v4;
	(v2sf) =	vpush v2, $0x8;
	p0 =	sne.s32 s30, $0x0  }
0x76: {  	[tilespmem:s24+$0xFFFFFEF0] =	vst @!p1 v4;
	v3 =	vimm.f32 @!p0 $0.0e+00  }
0x77: {  	[tilespmem:s24+$0xFFFFFF00] =	vst @!p0 v3  }
0x78: {  	s31 =	spop (v2sf);
	[tilespmem:s24+$0xFFFFFF10] =	vst @!p0 v3  }
0x79: {  	(v2sf) =	vpush v2, $0x9;
	p1 =	sne.s32 s31, $0x0;
	[tilespmem:s24+$0xFFFFFF20] =	vst @!p0 v3  }
0x7a: {  	v4 =	vimm.f32 @!p1 $0.0e+00;
	[tilespmem:s24+$0xFFFFFF30] =	vst @!p0 v3  }
0x7b: {  	[tilespmem:s24+$0xFFFFFF40] =	vst @!p1 v4  }
0x7c: {  	s26 =	spop (v2sf);
	[tilespmem:s24+$0xFFFFFF50] =	vst @!p1 v4  }
0x7d: {  	(v2sf) =	vpush v2, $0xA;
	p0 =	sne.s32 s26, $0x0;
	[tilespmem:s24+$0xFFFFFF60] =	vst @!p1 v4  }
0x7e: {  	v3 =	vimm.f32 @!p0 $0.0e+00;
	[tilespmem:s24+$0xFFFFFF70] =	vst @!p1 v4  }
0x7f: {  	[tilespmem:s24+$0xFFFFFF80] =	vst @!p0 v3  }
0x80: {  	s28 =	spop (v2sf);
	[tilespmem:s24+$0xFFFFFF90] =	vst @!p0 v3  }
0x81: {  	(v2sf) =	vpush v2, $0xB;
	p1 =	sne.s32 s28, $0x0;
	[tilespmem:s24+$0xFFFFFFA0] =	vst @!p0 v3  }
0x82: {  	v4 =	vimm.f32 @!p1 $0.0e+00;
	[tilespmem:s24+$0xFFFFFFB0] =	vst @!p0 v3  }
0x83: {  	[tilespmem:s24+$0xFFFFFFC0] =	vst @!p1 v4  }
0x84: {  	[tilespmem:s24+$0xFFFFFFD0] =	vst @!p1 v4;
	s29 =	spop (v2sf)  }
0x85: {  	[tilespmem:s24+$0xFFFFFFE0] =	vst @!p1 v4;
	(v2sf) =	vpush v2, $0xC;
	p0 =	sne.s32 s29, $0x0  }
0x86: {  	[tilespmem:s24+$0xFFFFFFF0] =	vst @!p1 v4;
	v3 =	vimm.f32 @!p0 $0.0e+00  }
0x87: {  	[tilespmem:s24+$0x0] =	vst @!p0 v3  }
0x88: {  	s30 =	spop (v2sf);
	[tilespmem:s24+$0x10] =	vst @!p0 v3  }
0x89: {  	(v2sf) =	vpush v2, $0xD;
	p1 =	sne.s32 s30, $0x0;
	[tilespmem:s24+$0x20] =	vst @!p0 v3  }
0x8a: {  	v4 =	vimm.f32 @!p1 $0.0e+00;
	[tilespmem:s24+$0x30] =	vst @!p0 v3  }
0x8b: {  	[tilespmem:s24+$0x40] =	vst @!p1 v4  }
0x8c: {  	s31 =	spop (v2sf);
	[tilespmem:s24+$0x50] =	vst @!p1 v4  }
0x8d: {  	(v2sf) =	vpush v2, $0xE;
	p0 =	sne.s32 s31, $0x0;
	[tilespmem:s24+$0x60] =	vst @!p1 v4  }
0x8e: {  	v3 =	vimm.f32 @!p0 $0.0e+00;
	[tilespmem:s24+$0x70] =	vst @!p1 v4  }
0x8f: {  	[tilespmem:s24+$0x80] =	vst @!p0 v3  }
0x90: {  	s26 =	spop (v2sf);
	[tilespmem:s24+$0x90] =	vst @!p0 v3  }
0x91: {  	(v2sf) =	vpush v2, $0xF;
	p1 =	sne.s32 s26, $0x0;
	[tilespmem:s24+$0xA0] =	vst @!p0 v3  }
0x92: {  	v2 =	vimm.f32 @!p1 $0.0e+00;
	[tilespmem:s24+$0xB0] =	vst @!p0 v3  }
0x93: {  	[tilespmem:s24+$0xC0] =	vst @!p1 v2  }
0x94: {  	[tilespmem:s24+$0xD0] =	vst @!p1 v2;
	s28 =	spop (v2sf)  }
0x95: {  	[tilespmem:s24+$0xE0] =	vst @!p1 v2;
	p0 =	sne.s32 s28, $0x0  }
0x96: {  	[tilespmem:s24+$0xF0] =	vst @!p1 v2;
	v3 =	vimm.f32 @!p0 $0.0e+00  }
0x97: {  	[tilespmem:s24+$0x100] =	vst @!p0 v3  }
0x98: {  	s29 =	spop (v2sf);
	[tilespmem:s24+$0x110] =	vst @!p0 v3  }
0x99: {  	p1 =	sne.s32 s29, $0x0;
	[tilespmem:s24+$0x120] =	vst @!p0 v3  }
0x9a: {  	v2 =	vimm.f32 @!p1 $0.0e+00;
	[tilespmem:s24+$0x130] =	vst @!p0 v3  }
0x9b: {  	[tilespmem:s24+$0x140] =	vst @!p1 v2  }
0x9c: {  	s30 =	spop (v2sf);
	[tilespmem:s24+$0x150] =	vst @!p1 v2  }
0x9d: {  	p0 =	sne.s32 s30, $0x0;
	[tilespmem:s24+$0x160] =	vst @!p1 v2  }
0x9e: {  	v3 =	vimm.f32 @!p0 $0.0e+00;
	[tilespmem:s24+$0x170] =	vst @!p1 v2  }
0x9f: {  	[tilespmem:s24+$0x180] =	vst @!p0 v3  }
0xa0: {  	s31 =	spop (v2sf);
	[tilespmem:s24+$0x190] =	vst @!p0 v3  }
0xa1: {  	p3 =	sne.s32 s31, $0x0;
	[tilespmem:s24+$0x1A0] =	vst @!p0 v3  }
0xa2: {  	[tilespmem:s24+$0x1B0] =	vst @!p0 v3;
	v2 =	vimm.f32 @!p3 $0.0e+00  }
0xa3: {  	[tilespmem:s24+$0x1C0] =	vst @!p3 v2  }
0xa4: {  	[tilespmem:s24+$0x1D0] =	vst @!p3 v2  }
0xa5: {  	s25 =	simm.s32 $0x40;
	[tilespmem:s24+$0x1E0] =	vst @!p3 v2  }
.LBB2_4:
0xa6: {  	s26 =	sshra.s32 s25, $0x2;
	[tilespmem:s24+$0x1F0] =	vst @!p3 v2  }
0xa7: {  	v2 =	vld.idx.msk [tilespmem:v1+s26+$0x0 ss:$0x1], $0xffff;
	_ =	sdelay $0x4  }
0xa8: {  	(v2sf) =	vpush v2, $0x0;
	_ =	sdelay $0x2  }
0xa9: {  	(v2sf) =	vpush v2, $0x1  }
0xaa: {  	(v2sf) =	vpush v2, $0x2  }
0xab: {  	(v2sf) =	vpush v2, $0x3  }
0xac: {  	(v2sf) =	vpush v2, $0x4  }
0xad: {  	(v2sf) =	vpush v2, $0x5  }
0xae: {  	(v2sf) =	vpush v2, $0x6  }
0xaf: {  	(v2sf) =	vpush v2, $0x7  }
0xb0: {  	(v2sf) =	vpush v2, $0x8  }
0xb1: {  	(v2sf) =	vpush v2, $0x9  }
0xb2: {  	(v2sf) =	vpush v2, $0xA  }
0xb3: {  	(v2sf) =	vpush v2, $0xB  }
0xb4: {  	(v2sf) =	vpush v2, $0xC  }
0xb5: {  	(v2sf) =	vpush v2, $0xD;
	s29 =	spop (v2sf)  }
0xb6: {  	(v2sf) =	vpush v2, $0xE;
	p1 =	sne.s32 s29, $0x0  }
0xb7: {  	s24 =	sadd.s32 $0x400, s24;
	(v2sf) =	vpush v2, $0xF;
	v2 =	vimm.f32 @!p1 $0.0e+00  }
0xb8: {  	[tilespmem:s24+$0xFFFFFE00] =	vst @!p1 v2  }
0xb9: {  	s30 =	spop (v2sf);
	[tilespmem:s24+$0xFFFFFE10] =	vst @!p1 v2  }
0xba: {  	p2 =	sne.s32 s30, $0x0;
	[tilespmem:s24+$0xFFFFFE20] =	vst @!p1 v2  }
0xbb: {  	v3 =	vimm.f32 @!p2 $0.0e+00;
	[tilespmem:s24+$0xFFFFFE30] =	vst @!p1 v2  }
0xbc: {  	[tilespmem:s24+$0xFFFFFE40] =	vst @!p2 v3  }
0xbd: {  	s31 =	spop (v2sf);
	[tilespmem:s24+$0xFFFFFE50] =	vst @!p2 v3  }
0xbe: {  	p3 =	sne.s32 s31, $0x0;
	[tilespmem:s24+$0xFFFFFE60] =	vst @!p2 v3  }
0xbf: {  	v4 =	vimm.f32 @!p3 $0.0e+00;
	[tilespmem:s24+$0xFFFFFE70] =	vst @!p2 v3  }
0xc0: {  	[tilespmem:s24+$0xFFFFFE80] =	vst @!p3 v4  }
0xc1: {  	s28 =	spop (v2sf);
	[tilespmem:s24+$0xFFFFFE90] =	vst @!p3 v4  }
0xc2: {  	p6 =	sne.s32 s28, $0x0;
	[tilespmem:s24+$0xFFFFFEA0] =	vst @!p3 v4  }
0xc3: {  	v5 =	vimm.f32 @!p6 $0.0e+00;
	[tilespmem:s24+$0xFFFFFEB0] =	vst @!p3 v4  }
0xc4: {  	[tilespmem:s24+$0xFFFFFEC0] =	vst @!p6 v5  }
0xc5: {  	s29 =	spop (v2sf);
	[tilespmem:s24+$0xFFFFFED0] =	vst @!p6 v5  }
0xc6: {  	p5 =	sne.s32 s29, $0x0;
	[tilespmem:s24+$0xFFFFFEE0] =	vst @!p6 v5  }
0xc7: {  	v6 =	vimm.f32 @!p5 $0.0e+00;
	[tilespmem:s24+$0xFFFFFEF0] =	vst @!p6 v5  }
0xc8: {  	[tilespmem:s24+$0xFFFFFF00] =	vst @!p5 v6  }
0xc9: {  	s30 =	spop (v2sf);
	[tilespmem:s24+$0xFFFFFF10] =	vst @!p5 v6  }
0xca: {  	s25 =	sadd.s32 $0x40, s25;
	p4 =	sne.s32 s30, $0x0;
	[tilespmem:s24+$0xFFFFFF20] =	vst @!p5 v6  }
0xcb: {  	p0 =	sne.s32 s25, $0x200;
	v7 =	vimm.f32 @!p4 $0.0e+00;
	[tilespmem:s24+$0xFFFFFF30] =	vst @!p5 v6  }
0xcc: {  	s26 =	simm.s32 @!p0 $0x0;
	s31 =	spop (v2sf);
	[tilespmem:s24+$0xFFFFFF40] =	vst @!p4 v7  }
0xcd: {  	s26 =	simm.s32 @p0 $0x1;
	s28 =	spop (v2sf);
	[tilespmem:s24+$0xFFFFFF50] =	vst @!p4 v7  }
0xce: {  	p1 =	sne.s32 s31, $0x0;
	p0 =	sne.s32 s28, $0x0;
	s29 =	spop (v2sf);
	[tilespmem:s24+$0xFFFFFF60] =	vst @!p4 v7  }
0xcf: {  	[smem:$0x7FD] =	sst s26;
	v8 =	vimm.f32 @!p1 $0.0e+00;
	[tilespmem:s24+$0xFFFFFF70] =	vst @!p4 v7;
	s26 =	simm.s32 @!p0 $0x0;
	s30 =	spop (v2sf)  }
0xd0: {  	[tilespmem:s24+$0xFFFFFF80] =	vst @!p1 v8;
	s26 =	simm.s32 @p0 $0x1;
	s31 =	spop (v2sf)  }
0xd1: {  	v9 =	vimm.f32 @!p0 $0.0e+00;
	[tilespmem:s24+$0xFFFFFF90] =	vst @!p1 v8;
	p0 =	sne.s32 s29, $0x0;
	p2 =	sne.s32 s30, $0x0;
	s28 =	spop (v2sf)  }
0xd2: {  	[tilespmem:s24+$0xFFFFFFA0] =	vst @!p1 v8;
	[smem:$0x7F7] =	sst s26;
	s26 =	simm.s32 @!p0 $0x0;
	s29 =	spop (v2sf)  }
0xd3: {  	[tilespmem:s24+$0xFFFFFFB0] =	vst @!p1 v8;
	v3 =	vimm.f32 @!p0 $0.0e+00;
	v10 =	vimm.f32 @!p2 $0.0e+00;
	s26 =	simm.s32 @p0 $0x1;
	p0 =	sne.s32 s31, $0x0;
	s30 =	spop (v2sf)  }
0xd4: {  	[tilespmem:s24+$0x40] =	vst @!p2 v10;
	[smem:$0x7F8] =	sst s26;
	s26 =	simm.s32 @!p0 $0x0;
	s31 =	spop (v2sf)  }
0xd5: {  	[tilespmem:s24+$0x50] =	vst @!p2 v10;
	v11 =	vimm.f32 @!p0 $0.0e+00;
	s26 =	simm.s32 @p0 $0x1;
	p0 =	sne.s32 s28, $0x0;
	s28 =	spop (v2sf)  }
0xd6: {  	[tilespmem:s24+$0x60] =	vst @!p2 v10;
	[smem:$0x7F9] =	sst s26;
	s26 =	simm.s32 @!p0 $0x0;
	p3 =	sne.s32 s28, $0x0  }
0xd7: {  	[tilespmem:s24+$0x70] =	vst @!p2 v10;
	v12 =	vimm.f32 @!p0 $0.0e+00;
	s26 =	simm.s32 @p0 $0x1;
	p0 =	sne.s32 s29, $0x0;
	s29 =	sld [smem:$0x7F7];
	v2 =	vimm.f32 @!p3 $0.0e+00  }
0xd8: {  	[tilespmem:s24+$0x1C0] =	vst @!p3 v2  }
0xd9: {  	[tilespmem:s24+$0x1D0] =	vst @!p3 v2  }
0xda: {  	[smem:$0x7FA] =	sst s26;
	s26 =	simm.s32 @!p0 $0x0;
	[tilespmem:s24+$0x1E0] =	vst @!p3 v2;
	p1 =	seq.s32 s29, $0x1  }
0xdb: {  	v4 =	vimm.f32 @!p0 $0.0e+00;
	s26 =	simm.s32 @p0 $0x1;
	p0 =	sne.s32 s30, $0x0;
	s30 =	sld [smem:$0x7F8];
	[tilespmem:s24+$0xFFFFFFC0] =	vst @!p1 v9  }
0xdc: {  	[tilespmem:s24+$0xFFFFFFD0] =	vst @!p1 v9  }
0xdd: {  	[tilespmem:s24+$0xFFFFFFE0] =	vst @!p1 v9  }
0xde: {  	[tilespmem:s24+$0xFFFFFFF0] =	vst @!p1 v9;
	p1 =	seq.s32 s30, $0x1  }
0xdf: {  	[tilespmem:s24+$0x0] =	vst @!p1 v3  }
0xe0: {  	[smem:$0x7FB] =	sst s26;
	s26 =	simm.s32 @!p0 $0x0;
	[tilespmem:s24+$0x10] =	vst @!p1 v3  }
0xe1: {  	v13 =	vimm.f32 @!p0 $0.0e+00;
	s26 =	simm.s32 @p0 $0x1;
	p0 =	sne.s32 s31, $0x0;
	[tilespmem:s24+$0x20] =	vst @!p1 v3  }
0xe2: {  	v14 =	vimm.f32 @!p0 $0.0e+00;
	[tilespmem:s24+$0x30] =	vst @!p1 v3  }
0xe3: {  	s31 =	sld [smem:$0x7F9];
	[tilespmem:s24+$0x180] =	vst @!p0 v14  }
0xe4: {  	[tilespmem:s24+$0x190] =	vst @!p0 v14  }
0xe5: {  	[tilespmem:s24+$0x1A0] =	vst @!p0 v14  }
0xe6: {  	[tilespmem:s24+$0x1B0] =	vst @!p0 v14;
	p1 =	seq.s32 s31, $0x1  }
0xe7: {  	s28 =	sld [smem:$0x7FA];
	[tilespmem:s24+$0x80] =	vst @!p1 v11  }
0xe8: {  	[tilespmem:s24+$0x90] =	vst @!p1 v11  }
0xe9: {  	[tilespmem:s24+$0xA0] =	vst @!p1 v11  }
0xea: {  	[tilespmem:s24+$0xB0] =	vst @!p1 v11;
	p1 =	seq.s32 s28, $0x1  }
0xeb: {  	s29 =	sld [smem:$0x7FB];
	[tilespmem:s24+$0xC0] =	vst @!p1 v12  }
0xec: {  	[tilespmem:s24+$0xD0] =	vst @!p1 v12  }
0xed: {  	[smem:$0x7FC] =	sst s26;
	[tilespmem:s24+$0xE0] =	vst @!p1 v12  }
0xee: {  	s31 =	sld [smem:$0x7FD];
	[tilespmem:s24+$0xF0] =	vst @!p1 v12;
	p1 =	seq.s32 s29, $0x1  }
0xef: {  	s30 =	sld [smem:$0x7FC];
	[tilespmem:s24+$0x100] =	vst @!p1 v4  }
0xf0: {  	[tilespmem:s24+$0x110] =	vst @!p1 v4  }
0xf1: {  	[tilespmem:s24+$0x120] =	vst @!p1 v4;
	p0 =	seq.s32 s31, $0x1  }
.Ltmp5:
0xf2: {  	[tilespmem:s24+$0x130] =	vst @!p1 v4;
	p1 =	seq.s32 s30, $0x1;
	(pc) =	sbr.rel @p0 .LBB2_4-.Ltmp5, $4  }
0xf3: {  	[tilespmem:s24+$0x140] =	vst @!p1 v13  }
0xf4: {  	[tilespmem:s24+$0x150] =	vst @!p1 v13  }
0xf5: {  	[tilespmem:s24+$0x160] =	vst @!p1 v13  }
0xf6: {  	[tilespmem:s24+$0x170] =	vst @!p1 v13  }
0xf7: {  	[tilespmem:s24+$0x1F0] =	vst @!p3 v2  }
.LBB2_6:
0xf8: {  	s24 =	sshll.u32 s21, $0xF  }
0xf9: {  	s24 =	sadd.s32 s7, s24  }
0xfa: {  	s24 =	sshrl.u32 s24, $0x3  }
0xfb: {  	p0 =	seq.s32 s21, $0x63;
	s24 =	sadd.s32 s4, s24  }
0xfc: {  	[hbm4b:s24+s14] =	stream.strided.scatter [tilespmem:s10], [sflag:$0x3], $0x2000, s11, s14, $0x38;
	[tilespmem:$0xA400] =	vst v63  }
0xfd: {  	s24 =	simm.s32 @!p0 $0x3  }
0xfe: {  	_ =	swait.ge @!p0 [sflag:s24], $0x2000  }
0xff: {  	s23 =	sadd.s32 @!p0 $0x100, s23;
	[sflag:s24] =	ssyncset.done @!p0 $0x0  }
0x100: {  	s25 =	simm.s32 @!p0 $0x6400;
	[sflag:s24] =	ssyncadd.s32 @!p0 $0xFFFFE000;
	s24 =	simm.s32 @!p0 $0x80  }
0x101: {  	[tilespmem:s25], [sflag:$0x1] =	stream.indirect.gather @!p0 [hbm4b:s3+s24], $0x40, s23, s24, $0xb8;
	[tilespmem:$0xA400] =	vst v63  }
0x102: {  	_ =	swait.ge [sflag:s15], $0x2000  }
0x103: {  	[sflag:s15] =	ssyncset.done $0x0  }
0x104: {  	[sflag:s15] =	ssyncadd.s32 $0xFFFFE000  }
0x105: {  	v1 =	vld [tilespmem:s22+$0x0]  }
0x106: {  	v2 =	vld [tilespmem:s22+$0x10]  }
0x107: {  	v3 =	vld [tilespmem:s22+$0x20]  }
0x108: {  	v4 =	vld [tilespmem:s22+$0x30]  }
0x109: {  	v5 =	vld [tilespmem:s22+$0x40]  }
0x10a: {  	v6 =	vld [tilespmem:s22+$0x50]  }
0x10b: {  	vm0 =	veq.s32 v1, $0x0;
	vm1 =	veq.s32 v2, $0x0;
	v1 =	vld [tilespmem:s22+$0x60]  }
0x10c: {  	vm10 =	veq.s32 v3, $0x0;
	v2 =	vld [tilespmem:s22+$0x70];
	vm0 =	vmor vm0, vm1  }
0x10d: {  	vm11 =	veq.s32 v4, $0x0;
	vm0 =	vmor vm0, vm10  }
0x10e: {  	vm12 =	veq.s32 v5, $0x0;
	vm0 =	vmor vm0, vm11  }
0x10f: {  	vm13 =	veq.s32 v6, $0x0;
	vm0 =	vmor vm0, vm12  }
0x110: {  	vm0 =	vmor vm0, vm13;
	vm14 =	veq.s32 v1, $0x0  }
0x111: {  	vm15 =	veq.s32 v2, $0x0;
	vm0 =	vmor vm0, vm14  }
0x112: {  	vm0 =	vmor vm0, vm15  }
0x113: {  	v1 =	vsel vm0, $0x1, v0  }
0x114: {  	(v2sf) =	vpush v1, $0x0  }
0x115: {  	(v2sf) =	vpush v1, $0x1  }
0x116: {  	(v2sf) =	vpush v1, $0x2  }
0x117: {  	(v2sf) =	vpush v1, $0x3  }
0x118: {  	(v2sf) =	vpush v1, $0x4  }
0x119: {  	(v2sf) =	vpush v1, $0x5  }
0x11a: {  	(v2sf) =	vpush v1, $0x6  }
0x11b: {  	(v2sf) =	vpush v1, $0x7  }
0x11c: {  	(v2sf) =	vpush v1, $0x8  }
0x11d: {  	(v2sf) =	vpush v1, $0x9  }
0x11e: {  	(v2sf) =	vpush v1, $0xA  }
0x11f: {  	(v2sf) =	vpush v1, $0xB  }
0x120: {  	(v2sf) =	vpush v1, $0xC  }
0x121: {  	(v2sf) =	vpush v1, $0xD  }
0x122: {  	(v2sf) =	vpush v1, $0xE  }
0x123: {  	s25 =	spop (v2sf);
	(v2sf) =	vpush v1, $0xF  }
0x124: {  	s26 =	spop (v2sf)  }
0x125: {  	s28 =	spop (v2sf);
	s23 =	sor.u32 s26, s25  }
0x126: {  	s29 =	spop (v2sf);
	s23 =	sor.u32 s28, s23  }
0x127: {  	s30 =	spop (v2sf);
	s23 =	sor.u32 s29, s23  }
0x128: {  	s31 =	spop (v2sf);
	s23 =	sor.u32 s30, s23  }
0x129: {  	s26 =	spop (v2sf);
	s23 =	sor.u32 s31, s23  }
0x12a: {  	s28 =	spop (v2sf);
	s23 =	sor.u32 s26, s23  }
0x12b: {  	s29 =	spop (v2sf);
	s23 =	sor.u32 s28, s23  }
0x12c: {  	s30 =	spop (v2sf);
	s23 =	sor.u32 s29, s23  }
0x12d: {  	s31 =	spop (v2sf);
	s23 =	sor.u32 s30, s23  }
0x12e: {  	s26 =	spop (v2sf);
	s23 =	sor.u32 s31, s23  }
0x12f: {  	s28 =	spop (v2sf);
	s23 =	sor.u32 s26, s23  }
0x130: {  	s29 =	spop (v2sf);
	s23 =	sor.u32 s28, s23  }
0x131: {  	s30 =	spop (v2sf);
	s23 =	sor.u32 s29, s23  }
0x132: {  	s23 =	sor.u32 s30, s23;
	s31 =	spop (v2sf)  }
0x133: {  	s23 =	sor.u32 s31, s23  }
0x134: {  	p0 =	slt.s32 s23, $0x1  }
.Ltmp6:
0x135: {  	_ = 	snop;
	(pc) =	sbr.rel @p0 .LBB2_10-.Ltmp6, $1  }
0x136: {  	_ =	sdelay $0x3  }
0x137: {  	v1 =	vmov s19;
	_ =	sdelay $0x3  }
0x138: {  	s23 =	simm.s32 $0x0  }
0x139: {  	v2 =	vld.idx.msk [tilespmem:v1+s23+$0x0 ss:$0x1], $0xffff;
	_ =	sdelay $0x4  }
0x13a: {  	(v2sf) =	vpush v2, $0x0;
	_ =	sdelay $0x3  }
0x13b: {  	(v2sf) =	vpush v2, $0x1;
	_ =	sdelay $0x3  }
0x13c: {  	(v2sf) =	vpush v2, $0x2;
	_ =	sdelay $0x3  }
0x13d: {  	(v2sf) =	vpush v2, $0x3;
	_ =	sdelay $0x2  }
0x13e: {  	s29 =	spop (v2sf)  }
0x13f: {  	(v2sf) =	vpush v2, $0x4;
	p0 =	sne.s32 s29, $0x0  }
0x140: {  	s23 =	simm.s32 $0x8600;
	v3 =	vimm.f32 @!p0 $0.0e+00  }
0x141: {  	[tilespmem:s23+$0xFFFFFE00] =	vst @!p0 v3  }
0x142: {  	s24 =	spop (v2sf);
	[tilespmem:s23+$0xFFFFFE10] =	vst @!p0 v3  }
0x143: {  	(v2sf) =	vpush v2, $0x5;
	p1 =	sne.s32 s24, $0x0;
	[tilespmem:s23+$0xFFFFFE20] =	vst @!p0 v3  }
0x144: {  	v4 =	vimm.f32 @!p1 $0.0e+00;
	[tilespmem:s23+$0xFFFFFE30] =	vst @!p0 v3  }
0x145: {  	[tilespmem:s23+$0xFFFFFE40] =	vst @!p1 v4  }
0x146: {  	s30 =	spop (v2sf);
	[tilespmem:s23+$0xFFFFFE50] =	vst @!p1 v4  }
0x147: {  	(v2sf) =	vpush v2, $0x6;
	p0 =	sne.s32 s30, $0x0;
	[tilespmem:s23+$0xFFFFFE60] =	vst @!p1 v4  }
0x148: {  	v3 =	vimm.f32 @!p0 $0.0e+00;
	[tilespmem:s23+$0xFFFFFE70] =	vst @!p1 v4  }
0x149: {  	[tilespmem:s23+$0xFFFFFE80] =	vst @!p0 v3  }
0x14a: {  	s31 =	spop (v2sf);
	[tilespmem:s23+$0xFFFFFE90] =	vst @!p0 v3  }
0x14b: {  	(v2sf) =	vpush v2, $0x7;
	p1 =	sne.s32 s31, $0x0;
	[tilespmem:s23+$0xFFFFFEA0] =	vst @!p0 v3  }
0x14c: {  	v4 =	vimm.f32 @!p1 $0.0e+00;
	[tilespmem:s23+$0xFFFFFEB0] =	vst @!p0 v3  }
0x14d: {  	[tilespmem:s23+$0xFFFFFEC0] =	vst @!p1 v4  }
0x14e: {  	[tilespmem:s23+$0xFFFFFED0] =	vst @!p1 v4;
	s25 =	spop (v2sf)  }
0x14f: {  	[tilespmem:s23+$0xFFFFFEE0] =	vst @!p1 v4;
	(v2sf) =	vpush v2, $0x8;
	p0 =	sne.s32 s25, $0x0  }
0x150: {  	[tilespmem:s23+$0xFFFFFEF0] =	vst @!p1 v4;
	v3 =	vimm.f32 @!p0 $0.0e+00  }
0x151: {  	[tilespmem:s23+$0xFFFFFF00] =	vst @!p0 v3  }
0x152: {  	s26 =	spop (v2sf);
	[tilespmem:s23+$0xFFFFFF10] =	vst @!p0 v3  }
0x153: {  	(v2sf) =	vpush v2, $0x9;
	p1 =	sne.s32 s26, $0x0;
	[tilespmem:s23+$0xFFFFFF20] =	vst @!p0 v3  }
0x154: {  	v4 =	vimm.f32 @!p1 $0.0e+00;
	[tilespmem:s23+$0xFFFFFF30] =	vst @!p0 v3  }
0x155: {  	[tilespmem:s23+$0xFFFFFF40] =	vst @!p1 v4  }
0x156: {  	s28 =	spop (v2sf);
	[tilespmem:s23+$0xFFFFFF50] =	vst @!p1 v4  }
0x157: {  	(v2sf) =	vpush v2, $0xA;
	p0 =	sne.s32 s28, $0x0;
	[tilespmem:s23+$0xFFFFFF60] =	vst @!p1 v4  }
0x158: {  	v3 =	vimm.f32 @!p0 $0.0e+00;
	[tilespmem:s23+$0xFFFFFF70] =	vst @!p1 v4  }
0x159: {  	[tilespmem:s23+$0xFFFFFF80] =	vst @!p0 v3  }
0x15a: {  	s29 =	spop (v2sf);
	[tilespmem:s23+$0xFFFFFF90] =	vst @!p0 v3  }
0x15b: {  	(v2sf) =	vpush v2, $0xB;
	p1 =	sne.s32 s29, $0x0;
	[tilespmem:s23+$0xFFFFFFA0] =	vst @!p0 v3  }
0x15c: {  	v4 =	vimm.f32 @!p1 $0.0e+00;
	[tilespmem:s23+$0xFFFFFFB0] =	vst @!p0 v3  }
0x15d: {  	[tilespmem:s23+$0xFFFFFFC0] =	vst @!p1 v4  }
0x15e: {  	[tilespmem:s23+$0xFFFFFFD0] =	vst @!p1 v4;
	s30 =	spop (v2sf)  }
0x15f: {  	[tilespmem:s23+$0xFFFFFFE0] =	vst @!p1 v4;
	(v2sf) =	vpush v2, $0xC;
	p0 =	sne.s32 s30, $0x0  }
0x160: {  	[tilespmem:s23+$0xFFFFFFF0] =	vst @!p1 v4;
	v3 =	vimm.f32 @!p0 $0.0e+00  }
0x161: {  	[tilespmem:s23+$0x0] =	vst @!p0 v3  }
0x162: {  	s31 =	spop (v2sf);
	[tilespmem:s23+$0x10] =	vst @!p0 v3  }
0x163: {  	(v2sf) =	vpush v2, $0xD;
	p1 =	sne.s32 s31, $0x0;
	[tilespmem:s23+$0x20] =	vst @!p0 v3  }
0x164: {  	v4 =	vimm.f32 @!p1 $0.0e+00;
	[tilespmem:s23+$0x30] =	vst @!p0 v3  }
0x165: {  	[tilespmem:s23+$0x40] =	vst @!p1 v4  }
0x166: {  	s25 =	spop (v2sf);
	[tilespmem:s23+$0x50] =	vst @!p1 v4  }
0x167: {  	(v2sf) =	vpush v2, $0xE;
	p0 =	sne.s32 s25, $0x0;
	[tilespmem:s23+$0x60] =	vst @!p1 v4  }
0x168: {  	v3 =	vimm.f32 @!p0 $0.0e+00;
	[tilespmem:s23+$0x70] =	vst @!p1 v4  }
0x169: {  	[tilespmem:s23+$0x80] =	vst @!p0 v3  }
0x16a: {  	s26 =	spop (v2sf);
	[tilespmem:s23+$0x90] =	vst @!p0 v3  }
0x16b: {  	(v2sf) =	vpush v2, $0xF;
	p1 =	sne.s32 s26, $0x0;
	[tilespmem:s23+$0xA0] =	vst @!p0 v3  }
0x16c: {  	v2 =	vimm.f32 @!p1 $0.0e+00;
	[tilespmem:s23+$0xB0] =	vst @!p0 v3  }
0x16d: {  	[tilespmem:s23+$0xC0] =	vst @!p1 v2  }
0x16e: {  	[tilespmem:s23+$0xD0] =	vst @!p1 v2;
	s28 =	spop (v2sf)  }
0x16f: {  	[tilespmem:s23+$0xE0] =	vst @!p1 v2;
	p0 =	sne.s32 s28, $0x0  }
0x170: {  	[tilespmem:s23+$0xF0] =	vst @!p1 v2;
	v3 =	vimm.f32 @!p0 $0.0e+00  }
0x171: {  	[tilespmem:s23+$0x100] =	vst @!p0 v3  }
0x172: {  	s29 =	spop (v2sf);
	[tilespmem:s23+$0x110] =	vst @!p0 v3  }
0x173: {  	p1 =	sne.s32 s29, $0x0;
	[tilespmem:s23+$0x120] =	vst @!p0 v3  }
0x174: {  	v2 =	vimm.f32 @!p1 $0.0e+00;
	[tilespmem:s23+$0x130] =	vst @!p0 v3  }
0x175: {  	[tilespmem:s23+$0x140] =	vst @!p1 v2  }
0x176: {  	s30 =	spop (v2sf);
	[tilespmem:s23+$0x150] =	vst @!p1 v2  }
0x177: {  	p0 =	sne.s32 s30, $0x0;
	[tilespmem:s23+$0x160] =	vst @!p1 v2  }
0x178: {  	v3 =	vimm.f32 @!p0 $0.0e+00;
	[tilespmem:s23+$0x170] =	vst @!p1 v2  }
0x179: {  	[tilespmem:s23+$0x180] =	vst @!p0 v3  }
0x17a: {  	s31 =	spop (v2sf);
	[tilespmem:s23+$0x190] =	vst @!p0 v3  }
0x17b: {  	p3 =	sne.s32 s31, $0x0;
	[tilespmem:s23+$0x1A0] =	vst @!p0 v3  }
0x17c: {  	[tilespmem:s23+$0x1B0] =	vst @!p0 v3;
	v2 =	vimm.f32 @!p3 $0.0e+00  }
0x17d: {  	[tilespmem:s23+$0x1C0] =	vst @!p3 v2  }
0x17e: {  	[tilespmem:s23+$0x1D0] =	vst @!p3 v2  }
0x17f: {  	s24 =	simm.s32 $0x40;
	[tilespmem:s23+$0x1E0] =	vst @!p3 v2  }
.LBB2_8:
0x180: {  	s25 =	sshra.s32 s24, $0x2;
	[tilespmem:s23+$0x1F0] =	vst @!p3 v2  }
0x181: {  	v2 =	vld.idx.msk [tilespmem:v1+s25+$0x0 ss:$0x1], $0xffff;
	_ =	sdelay $0x4  }
0x182: {  	(v2sf) =	vpush v2, $0x0;
	_ =	sdelay $0x2  }
0x183: {  	(v2sf) =	vpush v2, $0x1  }
0x184: {  	(v2sf) =	vpush v2, $0x2  }
0x185: {  	(v2sf) =	vpush v2, $0x3  }
0x186: {  	(v2sf) =	vpush v2, $0x4  }
0x187: {  	(v2sf) =	vpush v2, $0x5  }
0x188: {  	(v2sf) =	vpush v2, $0x6  }
0x189: {  	(v2sf) =	vpush v2, $0x7  }
0x18a: {  	(v2sf) =	vpush v2, $0x8  }
0x18b: {  	(v2sf) =	vpush v2, $0x9  }
0x18c: {  	(v2sf) =	vpush v2, $0xA  }
0x18d: {  	(v2sf) =	vpush v2, $0xB  }
0x18e: {  	(v2sf) =	vpush v2, $0xC  }
0x18f: {  	(v2sf) =	vpush v2, $0xD;
	s29 =	spop (v2sf)  }
0x190: {  	(v2sf) =	vpush v2, $0xE;
	p1 =	sne.s32 s29, $0x0  }
0x191: {  	s23 =	sadd.s32 $0x400, s23;
	(v2sf) =	vpush v2, $0xF;
	v2 =	vimm.f32 @!p1 $0.0e+00  }
0x192: {  	[tilespmem:s23+$0xFFFFFE00] =	vst @!p1 v2  }
0x193: {  	s30 =	spop (v2sf);
	[tilespmem:s23+$0xFFFFFE10] =	vst @!p1 v2  }
0x194: {  	p2 =	sne.s32 s30, $0x0;
	[tilespmem:s23+$0xFFFFFE20] =	vst @!p1 v2  }
0x195: {  	v3 =	vimm.f32 @!p2 $0.0e+00;
	[tilespmem:s23+$0xFFFFFE30] =	vst @!p1 v2  }
0x196: {  	[tilespmem:s23+$0xFFFFFE40] =	vst @!p2 v3  }
0x197: {  	s31 =	spop (v2sf);
	[tilespmem:s23+$0xFFFFFE50] =	vst @!p2 v3  }
0x198: {  	p3 =	sne.s32 s31, $0x0;
	[tilespmem:s23+$0xFFFFFE60] =	vst @!p2 v3  }
0x199: {  	v4 =	vimm.f32 @!p3 $0.0e+00;
	[tilespmem:s23+$0xFFFFFE70] =	vst @!p2 v3  }
0x19a: {  	[tilespmem:s23+$0xFFFFFE80] =	vst @!p3 v4  }
0x19b: {  	s26 =	spop (v2sf);
	[tilespmem:s23+$0xFFFFFE90] =	vst @!p3 v4  }
0x19c: {  	p6 =	sne.s32 s26, $0x0;
	[tilespmem:s23+$0xFFFFFEA0] =	vst @!p3 v4  }
0x19d: {  	v5 =	vimm.f32 @!p6 $0.0e+00;
	[tilespmem:s23+$0xFFFFFEB0] =	vst @!p3 v4  }
0x19e: {  	[tilespmem:s23+$0xFFFFFEC0] =	vst @!p6 v5  }
0x19f: {  	s28 =	spop (v2sf);
	[tilespmem:s23+$0xFFFFFED0] =	vst @!p6 v5  }
0x1a0: {  	p5 =	sne.s32 s28, $0x0;
	[tilespmem:s23+$0xFFFFFEE0] =	vst @!p6 v5  }
0x1a1: {  	v6 =	vimm.f32 @!p5 $0.0e+00;
	[tilespmem:s23+$0xFFFFFEF0] =	vst @!p6 v5  }
0x1a2: {  	[tilespmem:s23+$0xFFFFFF00] =	vst @!p5 v6  }
0x1a3: {  	s29 =	spop (v2sf);
	[tilespmem:s23+$0xFFFFFF10] =	vst @!p5 v6  }
0x1a4: {  	p4 =	sne.s32 s29, $0x0;
	[tilespmem:s23+$0xFFFFFF20] =	vst @!p5 v6  }
0x1a5: {  	s24 =	sadd.s32 $0x40, s24;
	v7 =	vimm.f32 @!p4 $0.0e+00;
	[tilespmem:s23+$0xFFFFFF30] =	vst @!p5 v6  }
0x1a6: {  	p0 =	sne.s32 s24, $0x200;
	s30 =	spop (v2sf);
	[tilespmem:s23+$0xFFFFFF40] =	vst @!p4 v7  }
0x1a7: {  	s25 =	simm.s32 @!p0 $0x0;
	s31 =	spop (v2sf);
	[tilespmem:s23+$0xFFFFFF50] =	vst @!p4 v7  }
0x1a8: {  	s25 =	simm.s32 @p0 $0x1;
	p1 =	sne.s32 s30, $0x0;
	p0 =	sne.s32 s31, $0x0;
	[tilespmem:s23+$0xFFFFFF60] =	vst @!p4 v7  }
0x1a9: {  	[smem:$0x7F6] =	sst s25;
	v8 =	vimm.f32 @!p1 $0.0e+00;
	s26 =	spop (v2sf);
	[tilespmem:s23+$0xFFFFFF70] =	vst @!p4 v7;
	s25 =	simm.s32 @!p0 $0x0  }
0x1aa: {  	v9 =	vimm.f32 @!p0 $0.0e+00;
	s28 =	spop (v2sf);
	[tilespmem:s23+$0xFFFFFF80] =	vst @!p1 v8;
	s25 =	simm.s32 @p0 $0x1;
	p0 =	sne.s32 s26, $0x0  }
0x1ab: {  	[tilespmem:s23+$0xFFFFFF90] =	vst @!p1 v8;
	s29 =	spop (v2sf);
	[smem:$0x7F0] =	sst s25;
	s25 =	simm.s32 @!p0 $0x0  }
0x1ac: {  	[tilespmem:s23+$0xFFFFFFA0] =	vst @!p1 v8;
	p2 =	sne.s32 s28, $0x0;
	v3 =	vimm.f32 @!p0 $0.0e+00;
	s25 =	simm.s32 @p0 $0x1;
	p0 =	sne.s32 s29, $0x0  }
0x1ad: {  	[tilespmem:s23+$0xFFFFFFB0] =	vst @!p1 v8;
	v10 =	vimm.f32 @!p2 $0.0e+00;
	s30 =	spop (v2sf);
	[smem:$0x7F1] =	sst s25;
	s25 =	simm.s32 @!p0 $0x0  }
0x1ae: {  	[tilespmem:s23+$0x40] =	vst @!p2 v10;
	v11 =	vimm.f32 @!p0 $0.0e+00;
	s25 =	simm.s32 @p0 $0x1;
	p0 =	sne.s32 s30, $0x0;
	s30 =	sld [smem:$0x7F0]  }
0x1af: {  	[tilespmem:s23+$0x50] =	vst @!p2 v10  }
0x1b0: {  	s31 =	spop (v2sf);
	[tilespmem:s23+$0x60] =	vst @!p2 v10  }
0x1b1: {  	[tilespmem:s23+$0x70] =	vst @!p2 v10;
	s26 =	spop (v2sf);
	p1 =	seq.s32 s30, $0x1  }
0x1b2: {  	s28 =	spop (v2sf);
	[tilespmem:s23+$0xFFFFFFC0] =	vst @!p1 v9  }
0x1b3: {  	s29 =	spop (v2sf);
	[tilespmem:s23+$0xFFFFFFD0] =	vst @!p1 v9  }
0x1b4: {  	[smem:$0x7F2] =	sst s25;
	s25 =	simm.s32 @!p0 $0x0;
	p3 =	sne.s32 s29, $0x0;
	[tilespmem:s23+$0xFFFFFFE0] =	vst @!p1 v9  }
0x1b5: {  	v12 =	vimm.f32 @!p0 $0.0e+00;
	s25 =	simm.s32 @p0 $0x1;
	p0 =	sne.s32 s31, $0x0;
	s31 =	sld [smem:$0x7F1];
	v2 =	vimm.f32 @!p3 $0.0e+00;
	[tilespmem:s23+$0xFFFFFFF0] =	vst @!p1 v9  }
0x1b6: {  	[tilespmem:s23+$0x1C0] =	vst @!p3 v2  }
0x1b7: {  	[tilespmem:s23+$0x1D0] =	vst @!p3 v2  }
0x1b8: {  	[smem:$0x7F3] =	sst s25;
	s25 =	simm.s32 @!p0 $0x0;
	[tilespmem:s23+$0x1E0] =	vst @!p3 v2;
	p1 =	seq.s32 s31, $0x1  }
0x1b9: {  	v4 =	vimm.f32 @!p0 $0.0e+00;
	s25 =	simm.s32 @p0 $0x1;
	p0 =	sne.s32 s26, $0x0;
	s26 =	sld [smem:$0x7F2];
	[tilespmem:s23+$0x0] =	vst @!p1 v3  }
0x1ba: {  	[tilespmem:s23+$0x10] =	vst @!p1 v3  }
0x1bb: {  	[tilespmem:s23+$0x20] =	vst @!p1 v3  }
0x1bc: {  	[tilespmem:s23+$0x30] =	vst @!p1 v3;
	p1 =	seq.s32 s26, $0x1  }
0x1bd: {  	[tilespmem:s23+$0x80] =	vst @!p1 v11  }
0x1be: {  	[smem:$0x7F4] =	sst s25;
	s25 =	simm.s32 @!p0 $0x0;
	[tilespmem:s23+$0x90] =	vst @!p1 v11  }
0x1bf: {  	v13 =	vimm.f32 @!p0 $0.0e+00;
	s25 =	simm.s32 @p0 $0x1;
	p0 =	sne.s32 s28, $0x0;
	[tilespmem:s23+$0xA0] =	vst @!p1 v11  }
0x1c0: {  	v14 =	vimm.f32 @!p0 $0.0e+00;
	[tilespmem:s23+$0xB0] =	vst @!p1 v11  }
0x1c1: {  	s28 =	sld [smem:$0x7F3];
	[tilespmem:s23+$0x180] =	vst @!p0 v14  }
0x1c2: {  	[tilespmem:s23+$0x190] =	vst @!p0 v14  }
0x1c3: {  	[tilespmem:s23+$0x1A0] =	vst @!p0 v14  }
0x1c4: {  	[tilespmem:s23+$0x1B0] =	vst @!p0 v14;
	p1 =	seq.s32 s28, $0x1  }
0x1c5: {  	s29 =	sld [smem:$0x7F4];
	[tilespmem:s23+$0xC0] =	vst @!p1 v12  }
0x1c6: {  	[tilespmem:s23+$0xD0] =	vst @!p1 v12  }
0x1c7: {  	s31 =	sld [smem:$0x7F6];
	[tilespmem:s23+$0xE0] =	vst @!p1 v12  }
0x1c8: {  	[smem:$0x7F5] =	sst s25;
	[tilespmem:s23+$0xF0] =	vst @!p1 v12;
	p1 =	seq.s32 s29, $0x1  }
0x1c9: {  	s30 =	sld [smem:$0x7F5];
	[tilespmem:s23+$0x100] =	vst @!p1 v4  }
0x1ca: {  	[tilespmem:s23+$0x110] =	vst @!p1 v4  }
0x1cb: {  	p0 =	seq.s32 s31, $0x1;
	[tilespmem:s23+$0x120] =	vst @!p1 v4  }
.Ltmp7:
0x1cc: {  	[tilespmem:s23+$0x130] =	vst @!p1 v4;
	p1 =	seq.s32 s30, $0x1;
	(pc) =	sbr.rel @p0 .LBB2_8-.Ltmp7, $4  }
0x1cd: {  	[tilespmem:s23+$0x140] =	vst @!p1 v13  }
0x1ce: {  	[tilespmem:s23+$0x150] =	vst @!p1 v13  }
0x1cf: {  	[tilespmem:s23+$0x160] =	vst @!p1 v13  }
0x1d0: {  	[tilespmem:s23+$0x170] =	vst @!p1 v13  }
.Ltmp8:
0x1d1: {  	(pc) =	sbr.rel .LBB2_10-.Ltmp8, $2  }
0x1d2: {  	_ =	sdelay $0x2  }
0x1d3: {  	[tilespmem:s23+$0x1F0] =	vst @!p3 v2  }
.LBB2_12:
0x1d4: {  	_ =	sfence.sel $0x180000  }
0x1d5: {  	[bflag:$0x0] =	sbarrier.arrive $0xFFFF  }
0x1d6: {  	p0 =	sne.s32 s1, $0x0;
	_ =	strace $0x9000004A  }
0x1d7: {  	s0 =	sadd.s32 @!p0 $0x100000, s0;
	[bflag:$0x2] =	sbarrier.arrive $0xFFFF  }
0x1d8: {  	[sflag:s0] =	ssyncadd.tile.s32 @!p0 $0x1;
	_ =	shalt  }
.Lfunc_end2:
_tile_overlayer_lowered:
.L_overlay_start_2:
0x1d9: {  	(tag) =	ssettag $0x2  }
0x1da: {  	s0 =	rddreg [dreg:$0x0];
	s2 =	stileid.u32  }
0x1db: {  	s1 =	rddreg [dreg:$0x1];
	p0 =	sne.s32 s2, $0x0  }
0x1dc: {  	s3 =	rddreg [dreg:$0x2];
	[bflag:$0x3] =	sbarrier.arrive $0xFFFF;
	s2 =	simm.s32 @!p0 $0x1C05  }
0x1dd: {  	[timem:s3], [sflag:s2] =	dma.local @!p0 [hbm:s0], s1  }
0x1de: {  	s0 =	simm.s32 @!p0 $0x5  }
0x1df: {  	_ =	swait.ge @!p0 [sflag:s0], s1  }
0x1e0: {  	s1 =	ssub.s32 @!p0 $0x0, s1;
	[sflag:s0] =	ssyncset.done @!p0 $0x0  }
0x1e1: {  	[sflag:s0] =	ssyncadd.s32 @!p0 s1  }
0x1e2: {  	[bflag:$0x3] =	sbarrier.arrive $0xFFFF  }
0x1e3: {  	_ =	shalt  }

// kernel: sparse-core-data-format-call.1.cloned.1.call-start
scs
called_computation.1_lowered:
.L_overlay_start_0:
0x0: {  	s2 =	sld [smem:$0x3FD9]  }
0x1: {  	s3 =	sld [smem:$0x3FFE];
	_ =	sdelay $0x1  }
0x2: {  	s1 =	srdreg.scid  }
0x3: {  	s0 =	sand.u32 $0x1, s1  }
0x4: {  	s18 =	sshll.u32 s0, $0xA;
	s2 =	sadd.s32 s3, s2  }
0x5: {  	s2 =	sadd.s32 s2, s18  }
0x6: {  	[smem:$0x3FC6] =	sst s2  }
0x7: {  	_ = 	snop  }
0x8: {  	s2 =	sld [smem:$0x3FC8];
	(tm) =	ssettm $0x1  }
0x9: {  	s19 =	sld [smem:$0x3FFB];
	_ =	sdelay $0x3  }
0xa: {  	_ =	strace s19  }
0xb: {  	s3 =	sld [smem:$0x3FFC];
	_ =	sdelay $0x3  }
0xc: {  	_ =	strace s3  }
0xd: {  	s3 =	sld [smem:$0x3FFD];
	_ =	sdelay $0x3  }
0xe: {  	_ =	strace s3  }
0xf: {  	_ =	strace $0x8FFFFFFF  }
0x10: {  	s20 =	sld [smem:$0x3FDB];
	_ =	sdelay $0x1  }
0x11: {  	s4 =	simm.s32 $_scs_section_size  }
0x12: {  	s5 =	simm.s32 $_size__tile_overlayer_lowered;
	s6 =	simm.s32 $_tile_overlayer_lowered  }
0x13: {  	s23 =	simm.s32 $0x1BFF;
	s22 =	sshll.u32 s6, $0x1;
	s3 =	sadd.s32 s4, s20  }
0x14: {  	s7 =	simm.s32 $0x0;
	s21 =	sshll.u32 s5, $0x1;
	s5 =	sadd.s32 s22, s3  }
0x15: {  	[timem:s7], [sflag:s23] =	dma.local [hbm:s5], s21  }
0x16: {  	_ =	swait.ge [sflag:s23], s21  }
0x17: {  	s4 =	ssub.s32 $0x0, s21;
	[sflag:s23] =	ssyncset.done $0x0  }
0x18: {  	[sflag:s23] =	ssyncadd.s32 s4;
	_ =	sdelay $0x1  }
0x19: {  	s24 =	simm.s32 $0x1B8B  }
0x1a: {  	_ =	swait.ge [sflag:s24], $0x1  }
0x1b: {  	[sflag:s24] =	ssyncset.done $0x0  }
0x1c: {  	s26 =	simm.s32 $0x1B8E;
	s25 =	sld [smem:$0x3FFE];
	[sflag:s24] =	ssyncadd.s32 $0xFFFFFFFF  }
0x1d: {  	s27 =	simm.s32 $execute0_lowered;
	[smem:$0x3FD2] =	sst s26  }
0x1e: {  	s5 =	sshll.u32 s27, $0x1;
	_ =	strace $0x80000046;
	[dreg:$0x1] =	wrdreg $0xFFFFFFFF  }
0x1f: {  	s28 =	simm.s32 $_size_execute0_lowered;
	s3 =	sadd.s32 s3, s5;
	[dreg:$0x0] =	wrdreg $0x0  }
0x20: {  	s5 =	sshll.u32 s28, $0x1;
	[dreg:$0x2] =	wrdreg s3  }
0x21: {  	[dreg:$0x3] =	wrdreg s5  }
0x22: {  	[dreg:$0x4] =	wrdreg $0xC0  }
0x23: {  	_ =	task [dreg:s7], $0x5FFFF  }
0x24: {  	[dreg:$0x1] =	wrdreg $0xFFFFFFFF  }
0x25: {  	[dreg:$0x0] =	wrdreg $0x60  }
0x26: {  	[dreg:$0x2] =	wrdreg s2  }
0x27: {  	[dreg:$0x3] =	wrdreg s25  }
0x28: {  	[dreg:$0x4] =	wrdreg $0x9  }
0x29: {  	_ =	task.clear_ibuf [dreg:s7], $0x5FFFF;
	_ =	strace $0x90000046  }
0x2a: {  	s29 =	simm.s32 $0x9;
	_ =	strace $0x80000048  }
0x2b: {  	_ =	swait.ge [sflag:s29], $0x1  }
0x2c: {  	[sflag:s29] =	ssyncadd.s32 $0xFFFFFFFF  }
0x2d: {  	_ =	strace $0x90000048  }
0x2e: {  	_ =	sfence  }
0x2f: {  	s30 =	sld [smem:$0x0];
	_ =	sdelay $0x2  }
0x30: {  	s31 =	sshll.u32 s1, $0xD;
	s1 =	sshrl.u32 s1, $0x2  }
0x31: {  	s3 =	sand.u32 $0x4000, s31;
	s1 =	sadd.s32 s1, s30  }
0x32: {  	s0 =	sor.u32 s3, s0;
	s1 =	sshll.u32 s1, $0x11  }
0x33: {  	s0 =	sor.u32 s1, s0  }
0x34: {  	s0 =	sadd.s32 $0x8F2B, s0  }
0x35: {  	[sflag:s0] =	ssyncadd.remote.s32 $0x1  }
0x36: {  	_ =	sfence.sel $0xFFFF  }
0x37: {  	[dreg:$0x0] =	wrdreg $0xFFFFFFFF;
	(pc) =	sbr.abs _section_cstart, $3  }
0x38: {  	[dreg:$0x1] =	wrdreg $0xFFFFFFFF  }
0x39: {  	_ =	task.clear_ibuf [dreg:s7], $0x2FFFF;
	_ =	strace $0x9FFFFFFF  }
0x3a: {  	(tm) =	ssettm $0x7FFFFFFF  }
0x3b: {  	_ =	shalt  }
tec
execute0_lowered:
.L_overlay_start_1:
0x0: {  	(tag) =	ssettag $0x1  }
0x1: {  	s0 =	srdreg.scid;
	s2 =	rddreg [dreg:$0x0]  }
0x2: {  	s5 =	rddreg [dreg:$0x1];
	s1 =	stileid.u32  }
0x3: {  	s4 =	simm.s32 $0x1;
	s6 =	simm.s32 $0x2;
	s15 =	simm.s32 $0x0  }
0x4: {  	p0 =	por $0x0, $0x0;
	s8 =	simm.s32 $0x80;
	s0 =	sshll.u32 s0, $0x4  }
0x5: {  	s14 =	simm.s32 $0x0;
	s9 =	simm.s32 $0x0;
	s3 =	sand.u32 $0x10, s0  }
.Ltmp0:
0x6: {  	s10 =	simm.s32 $0x0;
	s3 =	sor.u32 s1, s3;
	(pc) =	sbr.rel .LBB1_1-.Ltmp0, $4  }
0x7: {  	s0 =	rddreg [dreg:$0x2];
	_ =	strace $0x80000047;
	s3 =	sshll.u32 s3, $0x7  }
0x8: {  	s12 =	simm.s32 $0x0;
	[sflag:s4] =	ssyncpa.u1 $0x0;
	s7 =	ssub.s32 $0xF4200, s3  }
0x9: {  	s13 =	simm.s32 $0x0;
	[sflag:s6] =	ssyncpa.u1 $0x0;
	s6 =	sshrl.u32 s7, $0xC  }
0xa: {  	s5 =	sadd.s32 $0xE00, s5;
	s11 =	smov.u32 s3;
	s7 =	sadd.s32 $0x2, s6  }
.LBB1_5:
0xb: {  	p1 =	slt.u32 s13, $0x2  }
0xc: {  	s17 =	smov.u32 s15;
	p2 =	sgt.s32 @!p1 s15, $0xF41C0;
	s16 =	sshra.s32 @!p1 s15, $0x1F  }
0xd: {  	p3 =	sgt.s32 @!p1 s14, $0x40;
	s18 =	sshra.s32 @!p1 s14, $0x1F;
	p2 =	por !p2, p1  }
0xe: {  	s15 =	sand.u32 @!p1 s16, s15;
	p3 =	por !p3, p1;
	s16 =	smov.u32 s14  }
0xf: {  	s14 =	sand.u32 @!p1 s18, s14;
	s17 =	simm.s32 @p2 $0xF41C0;
	s16 =	simm.s32 @p3 $0x40  }
0x10: {  	s15 =	ssub.s32 @!p1 s17, s15;
	s14 =	ssub.s32 @!p1 s16, s14  }
0x11: {  	s18 =	smov.u32 s12;
	s16 =	sadd.s32 @!p1 $0xFFF0BE40, s15;
	s17 =	sadd.s32 @!p1 $0xFFFFFFC0, s14  }
0x12: {  	s15 =	ssub.s32 @!p1 $0xF4240, s15;
	p2 =	sgt.s32 @!p1 s16, $0x7F;
	p3 =	sgt.s32 @!p1 s17, $0x3F  }
0x13: {  	s14 =	ssub.s32 @!p1 $0x80, s14;
	p2 =	por !p2, p1;
	p3 =	por !p3, p1  }
0x14: {  	s16 =	sadd.s32 $0x1000, s11;
	s15 =	simm.s32 @!p2 $0x0;
	s14 =	simm.s32 @!p3 $0x0  }
0x15: {  	p2 =	sgt.s32 s16, $0xF423F;
	s14 =	smul.u32 @!p1 s14, s15;
	s15 =	sadd.s32 $0x40, s12  }
0x16: {  	s18 =	smov.u32 @p2 s15  }
0x17: {  	s16 =	smov.u32 @p2 s3;
	p2 =	sgt.s32 s18, $0x3F  }
0x18: {  	s18 =	simm.s32 @p2 $0x0;
	p2 =	sne.s32 s13, s7  }
.Ltmp1:
0x19: {  	p0 =	por !p0, !p0;
	s17 =	simm.s32 @!p1 $0x2;
	(pc) =	sbr.rel @!p2 .LBB1_6-.Ltmp1, $4  }
0x1a: {  	s15 =	smov.u32 s9;
	s9 =	smov.u32 s11;
	s14 =	sand.u32 @!p1 $0x3FFFFFFF, s14  }
0x1b: {  	s11 =	smov.u32 s16;
	_ =	swait.ge @!p1 [sflag:s17], s14;
	s19 =	ssub.s32 @!p1 $0x0, s14  }
0x1c: {  	s14 =	smov.u32 s10;
	s13 =	sadd.s32 $0x1, s13;
	[sflag:s17] =	ssyncset.done @!p1 $0x0  }
0x1d: {  	s10 =	smov.u32 s12;
	s12 =	smov.u32 s18;
	[sflag:s17] =	ssyncadd.s32 @!p1 s19  }
.LBB1_1:
0x1e: {  	p1 =	sgt.u32 s13, s6  }
0x1f: {  	s16 =	sshrl.u32 @!p1 s12, $0x3  }
0x20: {  	s17 =	sshll.u32 @!p1 s11, $0x3;
	s16 =	smul.u32 @!p1 $0x7A1400, s16  }
0x21: {  	s18 =	sshll.u32 @!p1 s12, $0x7;
	s17 =	sand.u32 @!p1 $0xFFFFFC00, s17  }
0x22: {  	s16 =	sadd.s32 @!p1 s16, s17;
	s17 =	sand.u32 @!p1 $0x380, s18  }
0x23: {  	s18 =	sand.u32 @!p1 $0x7F, s11;
	s16 =	sor.u32 @!p1 s17, s16  }
0x24: {  	s17 =	sor.u32 @!p1 s18, s16  }
0x25: {  	s18 =	smulhi.u32 @!p1 $0x218D6287, s17;
	_ =	sdelay $0x1  }
0x26: {  	s16 =	smulhi.u32 @!p1 $0x218D6287, s16;
	s18 =	sshrl.u32 @!p1 s18, $0x11  }
0x27: {  	s18 =	smul.u32 @!p1 $0xF4280, s18  }
0x28: {  	s19 =	sxor.u32 @!p1 $0xFFFFFFFF, s13;
	s16 =	sshrl.u32 @!p1 s16, $0x11  }
0x29: {  	s19 =	sshll.u32 @!p1 s19, $0xD;
	s16 =	sand.u32 @!p1 $0x3F, s16;
	s17 =	ssub.s32 @!p1 s17, s18  }
0x2a: {  	s16 =	smul.u32 @!p1 $0x1E850, s16;
	s18 =	sshrl.u32 @!p1 s17, $0x3;
	s17 =	sand.u32 @!p1 $0x7, s17  }
0x2b: {  	s19 =	sand.u32 @!p1 $0x2000, s19;
	s18 =	sadd.s32 @!p1 s2, s18;
	s17 =	sshll.u32 @!p1 s17, $0x12  }
0x2c: {  	s16 =	sadd.s32 @!p1 s16, s18;
	s17 =	sor.u32 @!p1 $0x400, s17;
	s18 =	simm.s32 @!p1 $0x7A1400  }
0x2d: {  	[tilespmem:s19], [sflag:$0x1] =	stream.strided.gather @!p1 [hbm4b:s16+s17], $0x2000, s18, s17, $0x38;
	[tilespmem:$0x8100] =	vst v63  }
0x2e: {  	p1 =	seq.s32 s13, $0x0  }
0x2f: {  	p2 =	sge.u32 @!p1 s13, s7  }
0x30: {  	p1 =	por p1, p2  }
.Ltmp2:
0x31: {  	_ = 	snop;
	(pc) =	sbr.rel @p1 .LBB1_5-.Ltmp2, $1  }
0x32: {  	_ =	sdelay $0x3  }
0x33: {  	s16 =	simm.s32 $0x1  }
0x34: {  	_ =	swait.ge [sflag:s4], $0x2000;
	s16 =	simm.s32 @!p0 $0x0  }
0x35: {  	[sflag:s4] =	ssyncset.done $0x0;
	s17 =	sshll.u32 s16, $0xD  }
0x36: {  	[sflag:s4] =	ssyncadd.s32 $0xFFFFE000;
	s17 =	sor.u32 $0x40, s17  }
0x37: {  	s16 =	smul.u32 $0x8200, s16;
	v0 =	vld [tilespmem:s17+$0x30]  }
0x38: {  	v1 =	vld [tilespmem:s17+$0xFFFFFFD0]  }
0x39: {  	s16 =	sshrl.u32 s16, $0x2;
	v5 =	vld [tilespmem:s17+$0xFFFFFFE0]  }
0x3a: {  	v6 =	vld [tilespmem:s17+$0xFFFFFFF0];
	s19 =	sor.u32 $0x4000, s16  }
0x3b: {  	s31 =	sand.u32 $0x1, s13;
	v4 =	vld [tilespmem:s17+$0x0];
	s18 =	sadd.s32 $0x0, s19  }
0x3c: {  	v3 =	vld [tilespmem:s17+$0x10];
	s16 =	smul.u32 $0x8200, s31;
	[tilespmem:s18+$0x1C70 ss:$0x41] =	vst.msk $0xffff, v0  }
0x3d: {  	v2 =	vld [tilespmem:s17+$0x20];
	[tilespmem:s18+$0x410 ss:$0x41] =	vst.msk $0xffff, v1  }
0x3e: {  	s16 =	sshrl.u32 s16, $0x2;
	v1 =	vld [tilespmem:s17+$0xFFFFFFC0];
	[tilespmem:s18+$0x820 ss:$0x41] =	vst.msk $0xffff, v5;
	s17 =	sadd.s32 $0x80, s17  }
0x3f: {  	s20 =	simm.s32 $0x4;
	s21 =	simm.s32 $0x8;
	s16 =	sor.u32 $0x4000, s16;
	[tilespmem:s18+$0xC30 ss:$0x41] =	vst.msk $0xffff, v6;
	v0 =	vld [tilespmem:s17+$0x30]  }
.LBB1_3:
0x40: {  	p1 =	sne.s32 s21, $0xFC;
	v5 =	vld [tilespmem:s17+$0xFFFFFFD0];
	[tilespmem:s18+$0x1040 ss:$0x41] =	vst.msk $0xffff, v4  }
0x41: {  	v6 =	vld [tilespmem:s17+$0xFFFFFFE0];
	[tilespmem:s18+$0x1450 ss:$0x41] =	vst.msk $0xffff, v3  }
0x42: {  	s22 =	sshra.s32 s20, $0x2;
	s20 =	smov.u32 s21;
	v7 =	vld [tilespmem:s17+$0xFFFFFFF0];
	[tilespmem:s18+$0x1860 ss:$0x41] =	vst.msk $0xffff, v2  }
.Ltmp3:
0x43: {  	v4 =	vld [tilespmem:s17+$0x0];
	[tilespmem:s18+$0x0 ss:$0x41] =	vst.msk $0xffff, v1;
	s18 =	sadd.s32 s22, s19;
	(pc) =	sbr.rel @p1 .LBB1_3-.Ltmp3, $4  }
0x44: {  	v3 =	vld [tilespmem:s17+$0x10];
	[tilespmem:s18+$0x1C70 ss:$0x41] =	vst.msk $0xffff, v0  }
0x45: {  	[tilespmem:s18+$0x410 ss:$0x41] =	vst.msk $0xffff, v5;
	v2 =	vld [tilespmem:s17+$0x20]  }
0x46: {  	v1 =	vld [tilespmem:s17+$0xFFFFFFC0];
	[tilespmem:s18+$0x820 ss:$0x41] =	vst.msk $0xffff, v6;
	s17 =	sadd.s32 $0x80, s17  }
0x47: {  	s21 =	sadd.s32 $0x4, s21;
	v0 =	vld [tilespmem:s17+$0x30];
	[tilespmem:s18+$0xC30 ss:$0x41] =	vst.msk $0xffff, v7  }
0x48: {  	s21 =	sshll.u32 s9, $0x7;
	s22 =	sshll.u32 s10, $0x3;
	s20 =	sshra.s32 s20, $0x2  }
0x49: {  	p1 =	sgt.s32 s9, $0xF41C0;
	s30 =	sshra.s32 s9, $0x1F;
	s25 =	sshra.s32 s10, $0x1F  }
0x4a: {  	v5 =	vld [tilespmem:s17+$0xFFFFFFD0];
	s28 =	sshrl.u32 s10, $0x3;
	s23 =	sand.u32 $0xFFFFFC00, s21;
	s22 =	sand.u32 $0xFFFFFC00, s22  }
0x4b: {  	[tilespmem:s18+$0x1040 ss:$0x41] =	vst.msk $0xffff, v4;
	v58 =	vld [tilespmem:s17+$0xFFFFFFE0];
	s21 =	sand.u32 $0x380, s21;
	s19 =	sadd.s32 s20, s19;
	s22 =	sadd.s32 s22, s23  }
0x4c: {  	v59 =	vld [tilespmem:s17+$0xFFFFFFF0];
	[tilespmem:s18+$0x1450 ss:$0x41] =	vst.msk $0xffff, v3;
	s29 =	sor.u32 s21, s22;
	s21 =	smov.u32 s9;
	s22 =	sand.u32 s30, s9  }
0x4d: {  	v60 =	vld [tilespmem:s17+$0x0];
	[tilespmem:s18+$0x1860 ss:$0x41] =	vst.msk $0xffff, v2;
	s30 =	sand.u32 $0x7, s10;
	s20 =	sshrl.u32 s29, $0x7;
	s21 =	simm.s32 @!p1 $0xF41C0  }
0x4e: {  	v61 =	vld [tilespmem:s17+$0x10];
	[tilespmem:s18+$0x0 ss:$0x41] =	vst.msk $0xffff, v1;
	p1 =	sgt.s32 s10, $0x40;
	s24 =	ssub.s32 s21, s22;
	s21 =	smov.u32 s10  }
0x4f: {  	v62 =	vld [tilespmem:s17+$0x20];
	[tilespmem:s19+$0x1C70 ss:$0x41] =	vst.msk $0xffff, v0;
	s31 =	smulhi.u32 $0x218DEF5, s20;
	s22 =	sand.u32 s25, s10;
	s21 =	simm.s32 @!p1 $0x40  }
0x50: {  	v63 =	vld [tilespmem:s17+$0xFFFFFFC0];
	[tilespmem:s19+$0x410 ss:$0x41] =	vst.msk $0xffff, v5;
	s26 =	sadd.s32 $0xFFF0BE40, s24;
	s17 =	ssub.s32 $0xF4240, s24;
	s21 =	ssub.s32 s21, s22  }
0x51: {  	[tilespmem:s19+$0x820 ss:$0x41] =	vst.msk $0xffff, v58;
	s23 =	sshrl.u32 s31, $0xD;
	p1 =	sgt.s32 s26, $0x7F;
	s27 =	sadd.s32 $0xFFFFFFC0, s21  }
0x52: {  	[tilespmem:s19+$0xC30 ss:$0x41] =	vst.msk $0xffff, v59;
	s23 =	smul.u32 $0xF4240, s23;
	s18 =	ssub.s32 $0x80, s21;
	p2 =	sgt.s32 s27, $0x3F  }
.Ltmp4:
0x53: {  	[tilespmem:s19+$0x1040 ss:$0x41] =	vst.msk $0xffff, v60;
	s17 =	simm.s32 @p1 $0x0;
	s18 =	simm.s32 @p2 $0x0;
	(pc) =	sbr.rel .LBB1_5-.Ltmp4, $4  }
0x54: {  	s29 =	sand.u32 $0xF, s28;
	[tilespmem:s19+$0x1450 ss:$0x41] =	vst.msk $0xffff, v61;
	s20 =	ssub.s32 s20, s23;
	s17 =	smul.u32 s18, s17  }
0x55: {  	[tilespmem:s19+$0x1860 ss:$0x41] =	vst.msk $0xffff, v62;
	s21 =	sshll.u32 s30, $0x12;
	s20 =	sshll.u32 s20, $0x4;
	s18 =	sadd.s32 s5, s29  }
0x56: {  	[tilespmem:s19+$0x0 ss:$0x41] =	vst.msk $0xffff, v63;
	s31 =	sor.u32 $0x40, s21;
	s18 =	sadd.s32 s20, s18;
	s17 =	sand.u32 $0x3FFFFFFF, s17  }
0x57: {  	[hbm4b:s18+s31] =	stream.strided.scatter [tilespmem:s16], [sflag:$0x2], s17, s8, s31, $0x18;
	[tilespmem:$0x8100] =	vst v63  }
.LBB1_6:
0x58: {  	_ =	sfence.sel $0x180000  }
0x59: {  	s2 =	simm.s32 $0x1;
	[bflag:$0x0] =	sbarrier.arrive $0xFFFF  }
0x5a: {  	s31 =	simm.s32 $0x2;
	[sflag:s2] =	ssyncpa.u1 $0x1  }
0x5b: {  	[sflag:s31] =	ssyncpa.u1 $0x1  }
0x5c: {  	p0 =	sne.s32 s1, $0x0;
	_ =	strace $0x90000047  }
0x5d: {  	s0 =	sadd.s32 @!p0 $0x100000, s0;
	[bflag:$0x2] =	sbarrier.arrive $0xFFFF  }
0x5e: {  	[sflag:s0] =	ssyncadd.tile.s32 @!p0 $0x1;
	_ =	shalt  }
.Lfunc_end1:
_tile_overlayer_lowered:
.L_overlay_start_2:
0x5f: {  	(tag) =	ssettag $0x2  }
0x60: {  	s0 =	rddreg [dreg:$0x0];
	s2 =	stileid.u32  }
0x61: {  	s1 =	rddreg [dreg:$0x1];
	p0 =	sne.s32 s2, $0x0  }
0x62: {  	s3 =	rddreg [dreg:$0x2];
	[bflag:$0x3] =	sbarrier.arrive $0xFFFF;
	s2 =	simm.s32 @!p0 $0x1C01  }
0x63: {  	[timem:s3], [sflag:s2] =	dma.local @!p0 [hbm:s0], s1  }
0x64: {  	s0 =	simm.s32 @!p0 $0x1  }
0x65: {  	_ =	swait.ge @!p0 [sflag:s0], s1  }
0x66: {  	s1 =	ssub.s32 @!p0 $0x0, s1;
	[sflag:s0] =	ssyncset.done @!p0 $0x0  }
0x67: {  	[sflag:s0] =	ssyncadd.s32 @!p0 s1  }
0x68: {  	[bflag:$0x3] =	sbarrier.arrive $0xFFFF  }
0x69: {  	_ =	shalt  }

// kernel: sparse-core-data-format-call.cloned.1.call-start
scs
called_computation_lowered:
.L_overlay_start_0:
0x0: {  	s2 =	sld [smem:$0x3FD9]  }
0x1: {  	s3 =	sld [smem:$0x3FFE];
	_ =	sdelay $0x1  }
0x2: {  	s1 =	srdreg.scid  }
0x3: {  	s0 =	sand.u32 $0x1, s1  }
0x4: {  	s18 =	sshll.u32 s0, $0xA;
	s2 =	sadd.s32 s3, s2  }
0x5: {  	s2 =	sadd.s32 s2, s18  }
0x6: {  	[smem:$0x3FC6] =	sst s2  }
0x7: {  	_ = 	snop  }
0x8: {  	s2 =	sld [smem:$0x3FD0];
	(tm) =	ssettm $0x1  }
0x9: {  	s19 =	sld [smem:$0x3FFB];
	_ =	sdelay $0x3  }
0xa: {  	_ =	strace s19  }
0xb: {  	s3 =	sld [smem:$0x3FFC];
	_ =	sdelay $0x3  }
0xc: {  	_ =	strace s3  }
0xd: {  	s3 =	sld [smem:$0x3FFD];
	_ =	sdelay $0x3  }
0xe: {  	_ =	strace s3  }
0xf: {  	_ =	strace $0x8FFFFFFF  }
0x10: {  	s20 =	sld [smem:$0x3FDB];
	_ =	sdelay $0x1  }
0x11: {  	s4 =	simm.s32 $_scs_section_size  }
0x12: {  	s5 =	simm.s32 $_size__tile_overlayer_lowered;
	s6 =	simm.s32 $_tile_overlayer_lowered  }
0x13: {  	s23 =	simm.s32 $0x1BFF;
	s22 =	sshll.u32 s6, $0x1;
	s3 =	sadd.s32 s4, s20  }
0x14: {  	s7 =	simm.s32 $0x0;
	s21 =	sshll.u32 s5, $0x1;
	s5 =	sadd.s32 s22, s3  }
0x15: {  	[timem:s7], [sflag:s23] =	dma.local [hbm:s5], s21  }
0x16: {  	_ =	swait.ge [sflag:s23], s21  }
0x17: {  	s4 =	ssub.s32 $0x0, s21;
	[sflag:s23] =	ssyncset.done $0x0  }
0x18: {  	[sflag:s23] =	ssyncadd.s32 s4;
	_ =	sdelay $0x1  }
0x19: {  	s24 =	simm.s32 $0x1B8B  }
0x1a: {  	_ =	swait.ge [sflag:s24], $0x1  }
0x1b: {  	[sflag:s24] =	ssyncset.done $0x0  }
0x1c: {  	s26 =	simm.s32 $0x1B8E;
	s25 =	sld [smem:$0x3FFE];
	[sflag:s24] =	ssyncadd.s32 $0xFFFFFFFF  }
0x1d: {  	s27 =	simm.s32 $execute0_lowered;
	[smem:$0x3FD2] =	sst s26  }
0x1e: {  	s5 =	sshll.u32 s27, $0x1;
	_ =	strace $0x8000004C;
	[dreg:$0x1] =	wrdreg $0xFFFFFFFF  }
0x1f: {  	s28 =	simm.s32 $_size_execute0_lowered;
	s3 =	sadd.s32 s3, s5;
	[dreg:$0x0] =	wrdreg $0x0  }
0x20: {  	s5 =	sshll.u32 s28, $0x1;
	[dreg:$0x2] =	wrdreg s3  }
0x21: {  	[dreg:$0x3] =	wrdreg s5  }
0x22: {  	[dreg:$0x4] =	wrdreg $0xC0  }
0x23: {  	_ =	task [dreg:s7], $0x5FFFF  }
0x24: {  	[dreg:$0x1] =	wrdreg $0xFFFFFFFF  }
0x25: {  	[dreg:$0x0] =	wrdreg $0x60  }
0x26: {  	[dreg:$0x2] =	wrdreg s25  }
0x27: {  	[dreg:$0x3] =	wrdreg s2  }
0x28: {  	[dreg:$0x4] =	wrdreg $0x9  }
0x29: {  	_ =	task.clear_ibuf [dreg:s7], $0x5FFFF;
	_ =	strace $0x9000004C  }
0x2a: {  	s29 =	simm.s32 $0x9;
	_ =	strace $0x8000004E  }
0x2b: {  	_ =	swait.ge [sflag:s29], $0x1  }
0x2c: {  	[sflag:s29] =	ssyncadd.s32 $0xFFFFFFFF  }
0x2d: {  	_ =	strace $0x9000004E  }
0x2e: {  	_ =	sfence  }
0x2f: {  	s30 =	sld [smem:$0x0];
	_ =	sdelay $0x2  }
0x30: {  	s31 =	sshll.u32 s1, $0xD;
	s1 =	sshrl.u32 s1, $0x2  }
0x31: {  	s3 =	sand.u32 $0x4000, s31;
	s1 =	sadd.s32 s1, s30  }
0x32: {  	s0 =	sor.u32 s3, s0;
	s1 =	sshll.u32 s1, $0x11  }
0x33: {  	s0 =	sor.u32 s1, s0  }
0x34: {  	s0 =	sadd.s32 $0x8F2B, s0  }
0x35: {  	[sflag:s0] =	ssyncadd.remote.s32 $0x1  }
0x36: {  	_ =	sfence.sel $0xFFFF  }
0x37: {  	[dreg:$0x0] =	wrdreg $0xFFFFFFFF;
	(pc) =	sbr.abs _section_cstart, $3  }
0x38: {  	[dreg:$0x1] =	wrdreg $0xFFFFFFFF  }
0x39: {  	_ =	task.clear_ibuf [dreg:s7], $0x2FFFF;
	_ =	strace $0x9FFFFFFF  }
0x3a: {  	(tm) =	ssettm $0x7FFFFFFF  }
0x3b: {  	_ =	shalt  }
tec
execute0_lowered:
.L_overlay_start_1:
0x0: {  	(tag) =	ssettag $0x1  }
0x1: {  	s0 =	srdreg.scid  }
0x2: {  	s1 =	sshll.u32 s0, $0x4  }
0x3: {  	s0 =	stileid.u32;
	s1 =	sand.u32 $0x10, s1  }
0x4: {  	s1 =	sor.u32 s0, s1  }
0x5: {  	s6 =	rddreg [dreg:$0x0];
	s4 =	simm.s32 $0x1;
	s2 =	sshll.u32 s1, $0x7  }
0x6: {  	s7 =	simm.s32 $0x2;
	s12 =	simm.s32 $0x0;
	s1 =	ssub.s32 $0x1000, s2  }
0x7: {  	s8 =	simm.s32 $0x8000;
	s13 =	simm.s32 $0x0;
	s3 =	sand.u32 $0xF80, s1  }
0x8: {  	s9 =	simm.s32 $0x0;
	s5 =	sshrl.u32 s1, $0xC;
	p0 =	sne.s32 s3, $0x0  }
.Ltmp0:
0x9: {  	s1 =	rddreg [dreg:$0x2];
	s4 =	simm.s32 @!p0 $0x0;
	(pc) =	sbr.rel .LBB1_1-.Ltmp0, $4  }
0xa: {  	s11 =	simm.s32 $0x0;
	s3 =	rddreg [dreg:$0x1];
	s5 =	sadd.s32 s4, s5  }
0xb: {  	_ =	strace $0x8000004D;
	s4 =	simm.s32 $0x1;
	s5 =	smul.u32 $0xC8, s5  }
0xc: {  	s6 =	sadd.s32 $0xE00, s6;
	s10 =	smov.u32 s2;
	[sflag:s4] =	ssyncpa.u1 $0x0  }
0xd: {  	p0 =	por $0x0, $0x0;
	[sflag:s7] =	ssyncpa.u1 $0x0;
	s7 =	sor.u32 $0x1, s5  }
.LBB1_4:
0xe: {  	s16 =	sshll.u32 s13, $0x3;
	s17 =	sand.u32 $0x78, s13  }
0xf: {  	s30 =	sand.u32 $0x7E00, s13;
	s12 =	sshll.u32 s12, $0xF;
	s16 =	sand.u32 $0xC00, s16  }
0x10: {  	[tilespmem:s15+$0x810 ss:$0x81] =	vst.msk $0xffff, v2;
	s31 =	sand.u32 $0x7, s13;
	s16 =	sor.u32 s17, s16;
	s17 =	sadd.s32 s3, s30  }
0x11: {  	[tilespmem:s15+$0x1020 ss:$0x81] =	vst.msk $0xffff, v0;
	s13 =	sshll.u32 s31, $0x12;
	s12 =	sadd.s32 s12, s17;
	s16 =	sshrl.u32 s16, $0x3  }
0x12: {  	[tilespmem:s15+$0x0 ss:$0x81] =	vst.msk $0xffff, v1;
	s13 =	sor.u32 $0x400, s13;
	s12 =	sadd.s32 s16, s12  }
0x13: {  	[hbm4b:s12+s13] =	stream.strided.scatter [tilespmem:s14], [sflag:$0x2], $0x2000, s8, s13, $0x20;
	[tilespmem:$0x8080] =	vst v63  }
.LBB1_5:
0x14: {  	s14 =	sadd.s32 $0x1, s9  }
0x15: {  	s12 =	sadd.s32 $0x1000, s10;
	s16 =	smov.u32 s10;
	p2 =	sgt.s32 s14, $0xC7  }
0x16: {  	s16 =	smov.u32 @p2 s12  }
0x17: {  	s14 =	simm.s32 @p2 $0x0;
	p2 =	sgt.s32 s16, $0xFFF  }
0x18: {  	s16 =	smov.u32 @p2 s2;
	p2 =	sne.s32 s11, s7  }
.Ltmp1:
0x19: {  	p1 =	slt.u32 s11, $0x2;
	(pc) =	sbr.rel @!p2 .LBB1_6-.Ltmp1, $4  }
0x1a: {  	s15 =	simm.s32 @!p1 $0x2  }
0x1b: {  	s13 =	smov.u32 s10;
	p0 =	por !p0, !p0;
	_ =	swait.ge @!p1 [sflag:s15], $0x2000  }
0x1c: {  	s12 =	smov.u32 s9;
	[sflag:s15] =	ssyncset.done @!p1 $0x0;
	s9 =	smov.u32 s14  }
0x1d: {  	s11 =	sadd.s32 $0x1, s11;
	[sflag:s15] =	ssyncadd.s32 @!p1 $0xFFFFE000;
	s10 =	smov.u32 s16  }
.LBB1_1:
0x1e: {  	p1 =	sge.u32 s11, s5  }
0x1f: {  	s14 =	sand.u32 @!p1 $0x1FFFFFF, s9  }
0x20: {  	s15 =	smulhi.u32 @!p1 $0x147AE15, s14;
	_ =	sdelay $0x1  }
0x21: {  	s15 =	smul.u32 @!p1 $0xC8, s15  }
0x22: {  	s16 =	sxor.u32 @!p1 $0xFFFFFFFF, s11;
	s17 =	smul.u32 @!p1 $0xC80, s10  }
0x23: {  	s31 =	sadd.s32 $0xFFFFFFFF, s11;
	s16 =	sshll.u32 @!p1 s16, $0xD;
	s14 =	ssub.s32 @!p1 s14, s15  }
0x24: {  	s15 =	sand.u32 @!p1 $0x2000, s16;
	s16 =	sadd.s32 @!p1 s6, s17;
	s14 =	sshll.u32 @!p1 s14, $0x4  }
0x25: {  	s17 =	simm.s32 @!p1 $0x6400;
	s14 =	sadd.s32 @!p1 s14, s16;
	s16 =	simm.s32 @!p1 $0x40  }
0x26: {  	[tilespmem:s15], [sflag:$0x1] =	stream.strided.gather @!p1 [hbm4b:s14+s16], $0x2000, s17, s16, $0x38;
	[tilespmem:$0x8080] =	vst v63  }
0x27: {  	p1 =	sge.u32 s31, s5  }
.Ltmp2:
0x28: {  	_ = 	snop;
	(pc) =	sbr.rel @p1 .LBB1_5-.Ltmp2, $1  }
0x29: {  	_ =	sdelay $0x3  }
0x2a: {  	s14 =	simm.s32 $0x1  }
0x2b: {  	_ =	swait.ge [sflag:s4], $0x2000;
	s14 =	simm.s32 @!p0 $0x0  }
0x2c: {  	[sflag:s4] =	ssyncset.done $0x0;
	s15 =	sshll.u32 s14, $0xD  }
0x2d: {  	[sflag:s4] =	ssyncadd.s32 $0xFFFFE000;
	s18 =	sor.u32 $0x20, s15  }
0x2e: {  	s14 =	smul.u32 $0x8100, s14;
	v3 =	vld [tilespmem:s18+$0x10]  }
0x2f: {  	s30 =	sand.u32 $0x1, s11;
	v2 =	vld [tilespmem:s18+$0xFFFFFFF0]  }
0x30: {  	s15 =	smul.u32 $0x8100, s30;
	s14 =	sshrl.u32 s14, $0x2;
	v0 =	vld [tilespmem:s18+$0x0]  }
0x31: {  	v1 =	vld [tilespmem:s18+$0xFFFFFFE0];
	s16 =	sor.u32 $0x4000, s14  }
0x32: {  	s31 =	sshrl.u32 s15, $0x2;
	s15 =	sadd.s32 $0x0, s16  }
0x33: {  	s17 =	simm.s32 $0x4;
	s18 =	sadd.s32 $0x40, s18;
	s14 =	sor.u32 $0x4000, s31;
	[tilespmem:s15+$0x1830 ss:$0x81] =	vst.msk $0xffff, v3  }
.LBB1_3:
0x34: {  	v3 =	vld [tilespmem:s18+$0x10];
	p1 =	sne.s32 s17, $0x1FC;
	[tilespmem:s15+$0x810 ss:$0x81] =	vst.msk $0xffff, v2;
	s19 =	smov.u32 s17;
	s17 =	sadd.s32 $0x4, s17  }
.Ltmp3:
0x35: {  	v2 =	vld [tilespmem:s18+$0xFFFFFFF0];
	[tilespmem:s15+$0x1020 ss:$0x81] =	vst.msk $0xffff, v0;
	(pc) =	sbr.rel @p1 .LBB1_3-.Ltmp3, $4  }
0x36: {  	v0 =	vld [tilespmem:s18+$0x0];
	[tilespmem:s15+$0x0 ss:$0x81] =	vst.msk $0xffff, v1  }
0x37: {  	s15 =	sshra.s32 s19, $0x2;
	v1 =	vld [tilespmem:s18+$0xFFFFFFE0]  }
0x38: {  	s15 =	sadd.s32 s15, s16  }
0x39: {  	s18 =	sadd.s32 $0x40, s18;
	[tilespmem:s15+$0x1830 ss:$0x81] =	vst.msk $0xffff, v3  }
.Ltmp4:
0x3a: {  	_ = 	snop;
	(pc) =	sbr.rel .LBB1_4-.Ltmp4, $1  }
0x3b: {  	_ =	sdelay $0x3  }
.LBB1_6:
0x3c: {  	_ =	sfence.sel $0x180000  }
0x3d: {  	s2 =	simm.s32 $0x1;
	[bflag:$0x0] =	sbarrier.arrive $0xFFFF  }
0x3e: {  	s31 =	simm.s32 $0x2;
	[sflag:s2] =	ssyncpa.u1 $0x1  }
0x3f: {  	[sflag:s31] =	ssyncpa.u1 $0x1  }
0x40: {  	p0 =	sne.s32 s0, $0x0;
	_ =	strace $0x9000004D  }
0x41: {  	s0 =	sadd.s32 @!p0 $0x100000, s1;
	[bflag:$0x2] =	sbarrier.arrive $0xFFFF  }
0x42: {  	[sflag:s0] =	ssyncadd.tile.s32 @!p0 $0x1;
	_ =	shalt  }
.Lfunc_end1:
_tile_overlayer_lowered:
.L_overlay_start_2:
0x43: {  	(tag) =	ssettag $0x2  }
0x44: {  	s0 =	rddreg [dreg:$0x0];
	s2 =	stileid.u32  }
0x45: {  	s1 =	rddreg [dreg:$0x1];
	p0 =	sne.s32 s2, $0x0  }
0x46: {  	s3 =	rddreg [dreg:$0x2];
	[bflag:$0x3] =	sbarrier.arrive $0xFFFF;
	s2 =	simm.s32 @!p0 $0x1C01  }
0x47: {  	[timem:s3], [sflag:s2] =	dma.local @!p0 [hbm:s0], s1  }
0x48: {  	s0 =	simm.s32 @!p0 $0x1  }
0x49: {  	_ =	swait.ge @!p0 [sflag:s0], s1  }
0x4a: {  	s1 =	ssub.s32 @!p0 $0x0, s1;
	[sflag:s0] =	ssyncset.done @!p0 $0x0  }
0x4b: {  	[sflag:s0] =	ssyncadd.s32 @!p0 s1  }
0x4c: {  	[bflag:$0x3] =	sbarrier.arrive $0xFFFF  }
0x4d: {  	_ =	shalt  }

</sc_bundles>
